<compile_context>
chip_gen: v7x
topology: tpu7x:2x2x1
jax: 0.10.2.dev20260603
libtpu: 0.0.44.dev20260713+nightly
codegen_flags: <defaults>
</compile_context>

<pallas_src>
import functools

import jax
import jax.numpy as jnp
from jax import lax
from jax.experimental import pallas as pl
from jax.experimental.pallas import tpu as pltpu
from jax.experimental.pallas import tpu_sc as plsc

N = 10000
D = 128
E = 320000
EL = 16384
NC, NS = 2, 16
CB = 128
SUP = 4
CPT = 160
NSUP = CPT // SUP
E_PAD = NS * CPT * CB
N_PAD = 10112
RPT = N_PAD // NS
RPT_F = (RPT // CB) * CB
RPT_T = RPT - RPT_F

_MESH = plsc.VectorSubcoreMesh(core_axis_name="c", subcore_axis_name="s")


def _agg_body(tab_a, tab_b, src_hbm, dst_hbm, zrow_hbm,
              agg_out,
              src_slab, dst_slab, rows0, rows1, rows2, acc,
              sem0, sem1, ssem0, ssem1):
    cid = lax.axis_index("c")
    sid = lax.axis_index("s")
    base = sid * RPT
    bufs = (rows0, rows1, rows2)
    sems = (sem0, sem1)

    pltpu.sync_copy(zrow_hbm, rows0)
    for i in range(RPT // CB):
        pltpu.sync_copy(rows0, acc.at[pl.ds(base + i * CB, CB)])
    pltpu.sync_copy(rows0.at[pl.ds(0, RPT_T)],
                    acc.at[pl.ds(base + RPT_F, RPT_T)])
    plsc.subcore_barrier()

    ssems = (ssem0, ssem1)

    def run(tab, gslab, sslab):
        def sup(s2, carry):
            pltpu.sync_copy(src_hbm.at[sid, pl.ds(s2 * SUP, SUP)], src_slab)
            pltpu.sync_copy(dst_hbm.at[sid, pl.ds(s2 * SUP, SUP)], dst_slab)
            cps = [pltpu.async_copy(tab.at[gslab.at[0]], bufs[0], sems[0]),
                   pltpu.async_copy(tab.at[gslab.at[1]], bufs[1], sems[1])]
            scps = []
            for k in range(SUP):
                cps[k % 2].wait()
                if k + 2 < SUP:
                    if k >= 1:
                        scps[k - 1].wait()
                    cps[k % 2] = pltpu.async_copy(
                        tab.at[gslab.at[k + 2]], bufs[(k + 2) % 3],
                        sems[k % 2])
                scps.append(pltpu.async_copy(
                    bufs[k % 3], acc.at[sslab.at[k]], ssems[k % 2],
                    add=True))
            for k in range(max(0, SUP - 3), SUP):
                scps[k].wait()
            return carry
        lax.fori_loop(0, NSUP, sup, 0)

    @pl.when(cid == 0)
    def _():
        run(tab_a, src_slab, dst_slab)

    @pl.when(cid == 1)
    def _():
        run(tab_b, dst_slab, src_slab)

    plsc.subcore_barrier()
    for i in range(RPT // CB):
        pltpu.sync_copy(acc.at[pl.ds(base + i * CB, CB)], rows0)
        pltpu.sync_copy(rows0, agg_out.at[cid, pl.ds(base + i * CB, CB)])
    pltpu.sync_copy(acc.at[pl.ds(base + RPT_F, RPT_T)],
                    rows0.at[pl.ds(0, RPT_T)])
    pltpu.sync_copy(rows0.at[pl.ds(0, RPT_T)],
                    agg_out.at[cid, pl.ds(base + RPT_F, RPT_T)])


_sc_agg = pl.kernel(
    _agg_body,
    out_type=jax.ShapeDtypeStruct((NC, N_PAD, D), jnp.float32),
    mesh=_MESH,
    scratch_types=(
        pltpu.VMEM((SUP, CB), jnp.int32),
        pltpu.VMEM((SUP, CB), jnp.int32),
        pltpu.VMEM((CB, D), jnp.float32),
        pltpu.VMEM((CB, D), jnp.float32),
        pltpu.VMEM((CB, D), jnp.float32),
        pltpu.VMEM_SHARED((N_PAD, D), jnp.float32),
        pltpu.SemaphoreType.DMA,
        pltpu.SemaphoreType.DMA,
        pltpu.SemaphoreType.DMA,
        pltpu.SemaphoreType.DMA,
    ),
)


def _cnt_body(islab_hbm, zrow_hbm, ones_hbm, cnt_out, slab, rows, acc,
              csem0, csem1):
    cid = lax.axis_index("c")
    sid = lax.axis_index("s")
    base = sid * RPT

    pltpu.sync_copy(zrow_hbm, rows)
    for i in range(RPT // CB):
        pltpu.sync_copy(rows, acc.at[pl.ds(base + i * CB, CB)])
    pltpu.sync_copy(rows.at[pl.ds(0, RPT_T)],
                    acc.at[pl.ds(base + RPT_F, RPT_T)])
    pltpu.sync_copy(ones_hbm, rows)
    plsc.subcore_barrier()

    csems = (csem0, csem1)

    def sup(s2, carry):
        pltpu.sync_copy(islab_hbm.at[cid, sid, pl.ds(s2 * SUP, SUP)], slab)
        cps = [pltpu.async_copy(rows, acc.at[slab.at[k]], csems[k % 2],
                                add=True)
               for k in range(SUP)]
        for cp in cps:
            cp.wait()
        return carry
    lax.fori_loop(0, NSUP, sup, 0)

    plsc.subcore_barrier()
    for i in range(RPT // CB):
        pltpu.sync_copy(acc.at[pl.ds(base + i * CB, CB)], rows)
        pltpu.sync_copy(rows, cnt_out.at[cid, pl.ds(base + i * CB, CB)])
    pltpu.sync_copy(acc.at[pl.ds(base + RPT_F, RPT_T)],
                    rows.at[pl.ds(0, RPT_T)])
    pltpu.sync_copy(rows.at[pl.ds(0, RPT_T)],
                    cnt_out.at[cid, pl.ds(base + RPT_F, RPT_T)])


_sc_cnt = pl.kernel(
    _cnt_body,
    out_type=jax.ShapeDtypeStruct((NC, N_PAD, D), jnp.float32),
    mesh=_MESH,
    scratch_types=(
        pltpu.VMEM((SUP, CB), jnp.int32),
        pltpu.VMEM((CB, D), jnp.float32),
        pltpu.VMEM_SHARED((N_PAD, D), jnp.float32),
        pltpu.SemaphoreType.DMA,
        pltpu.SemaphoreType.DMA,
    ),
)


def _cls_body(ou_hbm, op_hbm, l0_hbm, l1_hbm, zrow_hbm, pred_out,
              l0s, l1s, u_rows, p_rows, res, sem):
    cid = lax.axis_index("c")
    sid = lax.axis_index("s")
    wid = cid * NS + sid
    per_tile = EL // (NC * NS)
    n_chunks = per_tile // CB

    pltpu.sync_copy(l0_hbm.at[wid], l0s)
    pltpu.sync_copy(l1_hbm.at[wid], l1s)
    pltpu.sync_copy(zrow_hbm, res)

    def chunk(jj, carry):
        pltpu.async_copy(ou_hbm.at[l0s.at[jj]], u_rows, sem).wait()
        pltpu.async_copy(op_hbm.at[l1s.at[jj]], p_rows, sem).wait()

        def row(r, c2):
            acc16 = jnp.zeros((16,), jnp.float32)
            for c in range(D // 16):
                acc16 = acc16 + (u_rows[r, pl.ds(c * 16, 16)] *
                                 p_rows[r, pl.ds(c * 16, 16)])
            res[r, pl.ds(0, 16)] = acc16
            return c2
        lax.fori_loop(0, CB, row, 0)
        pltpu.sync_copy(
            res, pred_out.at[pl.ds(wid * per_tile + jj * CB, CB)])
        return carry
    lax.fori_loop(0, n_chunks, chunk, 0)


_sc_classifier = pl.kernel(
    _cls_body,
    out_type=jax.ShapeDtypeStruct((EL, D), jnp.float32),
    mesh=_MESH,
    scratch_types=(
        pltpu.VMEM((EL // (NC * NS) // CB, CB), jnp.int32),
        pltpu.VMEM((EL // (NC * NS) // CB, CB), jnp.int32),
        pltpu.VMEM((CB, D), jnp.float32),
        pltpu.VMEM((CB, D), jnp.float32),
        pltpu.VMEM((CB, D), jnp.float32),
        pltpu.SemaphoreType.DMA,
    ),
)

_RB = 632
_row_spec = pl.BlockSpec((_RB, D), lambda i: (i, 0))
_w_spec = pl.BlockSpec((D, D), lambda i: (0, 0))
_b_spec = pl.BlockSpec((1, D), lambda i: (0, 0))
_f_spec = pl.BlockSpec((1, 1), lambda i: (0, 0))


def _fin_body(x, o):
    o[...] = jnp.sum(x[...][:, :16], axis=1, keepdims=True)


def _tc_finish(pred16):
    out = pl.pallas_call(
        _fin_body,
        grid=(EL // 2048,),
        in_specs=[pl.BlockSpec((2048, D), lambda i: (i, 0))],
        out_specs=pl.BlockSpec((2048, 1), lambda i: (i, 0)),
        out_shape=jax.ShapeDtypeStruct((EL, 1), jnp.float32),
    )(pred16)
    return out.reshape(EL)


def _pre_body(xu, xp, wa, wb, la, lb):
    la[...] = jnp.dot(xu[...], wa[...], preferred_element_type=jnp.float32)
    lb[...] = jnp.dot(xp[...], wb[...], preferred_element_type=jnp.float32)


def _tc_pre(xu, xp, wa, wb):
    return pl.pallas_call(
        _pre_body,
        grid=(N_PAD // _RB,),
        in_specs=[_row_spec, _row_spec, _w_spec, _w_spec],
        out_specs=[_row_spec, _row_spec],
        out_shape=[jax.ShapeDtypeStruct((N_PAD, D), jnp.float32)] * 2,
    )(xu, xp, wa, wb)


def _stage_body(ap, cp, au, cu, rp, ru, wrp, wru, wna, wnb, bp, bu, flag,
                la2, lb2, hp, hu):
    s = flag[0, 0]
    mp = ap[...] / jnp.maximum(cp[...], 1.0)
    mu = au[...] / jnp.maximum(cu[...], 1.0)
    zp = mp + bp[...] + jnp.dot(rp[...], wrp[...],
                                preferred_element_type=jnp.float32)
    zu = mu + bu[...] + jnp.dot(ru[...], wru[...],
                                preferred_element_type=jnp.float32)
    hp_v = jnp.maximum(zp, s * zp)
    hu_v = jnp.maximum(zu, s * zu)
    hp[...] = hp_v
    hu[...] = hu_v
    la2[...] = jnp.dot(hu_v, wna[...], preferred_element_type=jnp.float32)
    lb2[...] = jnp.dot(hp_v, wnb[...], preferred_element_type=jnp.float32)


def _tc_stage(ap, cp, au, cu, rp, ru, wrp, wru, wna, wnb, bp, bu, flag):
    return pl.pallas_call(
        _stage_body,
        grid=(N_PAD // _RB,),
        in_specs=[_row_spec, _row_spec, _row_spec, _row_spec,
                  _row_spec, _row_spec,
                  _w_spec, _w_spec, _w_spec, _w_spec,
                  _b_spec, _b_spec, _f_spec],
        out_specs=[_row_spec] * 4,
        out_shape=[jax.ShapeDtypeStruct((N_PAD, D), jnp.float32)] * 4,
    )(ap, cp, au, cu, rp, ru, wrp, wru, wna, wnb, bp, bu, flag)


def kernel(x_user, x_product, edge_index, edge_label_index,
           W1_buys_l, W1_buys_r, W1_rev_l, W1_rev_r,
           W2_buys_l, W2_buys_r, W2_rev_l, W2_rev_r,
           b1_buys, b1_rev, b2_buys, b2_rev):
    f32 = jnp.float32
    xu = jnp.zeros((N_PAD, D), f32).at[:N].set(x_user.astype(f32))
    xp = jnp.zeros((N_PAD, D), f32).at[:N].set(x_product.astype(f32))

    ei = edge_index.astype(jnp.int32)
    pad = jnp.full((E_PAD - E,), N, jnp.int32)
    src = jnp.concatenate([ei[0], pad]).reshape(NS, CPT, CB)
    dst = jnp.concatenate([ei[1], pad]).reshape(NS, CPT, CB)

    zrow = jnp.zeros((CB, D), f32)
    ones_rows = jnp.ones((CB, D), f32)
    islab = jnp.stack([dst, src])

    cntw = _sc_cnt(islab, zrow, ones_rows)
    la0, lb0 = _tc_pre(xu, xp, W1_buys_l, W1_rev_l)

    wrp_s = jnp.stack([W1_buys_r, W2_buys_r])
    wru_s = jnp.stack([W1_rev_r, W2_rev_r])
    wzero = jnp.zeros((D, D), f32)
    wna_s = jnp.stack([W2_buys_l, wzero])
    wnb_s = jnp.stack([W2_rev_l, wzero])
    bp_s = jnp.stack([b1_buys.reshape(1, D), b2_buys.reshape(1, D)])
    bu_s = jnp.stack([b1_rev.reshape(1, D), b2_rev.reshape(1, D)])
    flag_s = jnp.array([0.0, 1.0], f32).reshape(2, 1, 1)

    def body(carry, xs):
        la, lb, rp, ru = carry
        wrp, wru, wna, wnb, bp, bu, flag = xs
        agg = _sc_agg(la, lb, src, dst, zrow)
        la2, lb2, hp, hu = _tc_stage(agg[0], cntw[0], agg[1], cntw[1], rp, ru,
                                     wrp, wru, wna, wnb, bp, bu, flag)
        return (la2, lb2, hp, hu), None

    (_, _, o_prod, o_user), _ = lax.scan(
        body, (la0, lb0, xp, xu),
        (wrp_s, wru_s, wna_s, wnb_s, bp_s, bu_s, flag_s))

    eli = edge_label_index.astype(jnp.int32)
    l0 = eli[0].reshape(NC * NS, EL // (NC * NS) // CB, CB)
    l1 = eli[1].reshape(NC * NS, EL // (NC * NS) // CB, CB)
    pred16 = _sc_classifier(o_user, o_prod, l0, l1, zrow)
    return _tc_finish(pred16)

# --- scband reference (transcript-rebuilt; emitter-appended) ---
"""Pipeline reference for scband-model-76338748720023 (READ-ONLY COPY).

The authoritative reference and input builder live on the scoring server;
editing this copy changes nothing except your own understanding.
"""

import jax, jax.numpy as jnp
import numpy as np

N_USER = 10000
N_PROD = 10000
D = 128
E = 320000
EL = 16384


def setup_inputs(seed: int = 0):
    key = jax.random.key(seed)
    ks = jax.random.split(key, 16)
    inp = {}
    inp["x_user"] = jax.random.normal(ks[0], (N_USER, D), dtype=jnp.float32)
    inp["x_product"] = jax.random.normal(ks[1], (N_PROD, D), dtype=jnp.float32)
    inp["edge_index"] = jax.random.randint(ks[2], (2, E), 0, N_USER, dtype=jnp.int64 if jax.config.read('jax_enable_x64') else jnp.int32)
    inp["edge_label_index"] = jax.random.randint(ks[3], (2, EL), 0, N_USER, dtype=jnp.int64 if jax.config.read('jax_enable_x64') else jnp.int32)
    scale = 1.0 / np.sqrt(D)
    wnames = ["W1_buys_l", "W1_buys_r", "W1_rev_l", "W1_rev_r",
              "W2_buys_l", "W2_buys_r", "W2_rev_l", "W2_rev_r"]
    for i, n in enumerate(wnames):
        inp[n] = jax.random.uniform(ks[4 + i], (D, D), dtype=jnp.float32, minval=-scale, maxval=scale)
    kb = jax.random.split(ks[12], 4)
    for i, n in enumerate(["b1_buys", "b1_rev", "b2_buys", "b2_rev"]):
        inp[n] = jax.random.uniform(kb[i], (D,), dtype=jnp.float32, minval=-scale, maxval=scale)
    return inp


def _sage_conv(x_src, x_dst, src, dst, W_l, b_l, W_r):
    # SAGEConv with mean aggregation: lin_l(mean_j x_src[j]) + lin_r(x_dst)
    n_dst = x_dst.shape[0]
    msgs = x_src[src]  # gather over source nodes
    agg_sum = jax.ops.segment_sum(msgs, dst, num_segments=n_dst)  # scatter-add
    cnt = jax.ops.segment_sum(jnp.ones_like(dst, dtype=x_src.dtype), dst, num_segments=n_dst)
    mean = agg_sum / jnp.clip(cnt, 1.0)[:, None]
    return mean @ W_l + b_l + x_dst @ W_r


def reference(x_user, x_product, edge_index, edge_label_index,
              W1_buys_l, W1_buys_r, W1_rev_l, W1_rev_r,
              W2_buys_l, W2_buys_r, W2_rev_l, W2_rev_r,
              b1_buys, b1_rev, b2_buys, b2_rev):
    src = edge_index[0]  # user ids (source of 'buys')
    dst = edge_index[1]  # product ids (dest of 'buys')
    # ---- hetero layer 1 (to_hetero of conv1) ----
    h_prod = _sage_conv(x_user, x_product, src, dst, W1_buys_l, b1_buys, W1_buys_r)
    h_user = _sage_conv(x_product, x_user, dst, src, W1_rev_l, b1_rev, W1_rev_r)
    h_prod = jax.nn.relu(h_prod)
    h_user = jax.nn.relu(h_user)
    # ---- hetero layer 2 (to_hetero of conv2) ----
    o_prod = _sage_conv(h_user, h_prod, src, dst, W2_buys_l, b2_buys, W2_buys_r)
    o_user = _sage_conv(h_prod, h_user, dst, src, W2_rev_l, b2_rev, W2_rev_r)
    # ---- classifier: dot product on supervision edges ----
    pred = (o_user[edge_label_index[0]] * o_prod[edge_label_index[1]]).sum(-1)
    return pred

if __name__ == "__main__":
    import jax
    _d = setup_inputs()
    print(jax.jit(kernel)(*tuple(_d.values())))

</pallas_src>

<mosaic_0001>
#map = affine_map<(d0, d1) -> (0, 0, 0, 0)>
#map1 = affine_map<(d0, d1) -> (0, 0)>
#map2 = affine_map<(d0, d1) -> (0, 0, 0)>
module attributes {stable_mosaic.version = 14 : i64} {
  func.func @_cnt_body(%arg0: i32, %arg1: i32, %arg2: memref<2x16x160x128xi32, #tpu.memory_space<hbm>>, %arg3: memref<128x128xf32, #tpu.memory_space<hbm>>, %arg4: memref<128x128xf32, #tpu.memory_space<hbm>>, %arg5: memref<2x10112x128xf32, #tpu.memory_space<hbm>>, %arg6: memref<4x128xi32, #tpu.memory_space<vmem>>, %arg7: memref<128x128xf32, #tpu.memory_space<vmem>>, %arg8: memref<10112x128xf32, #tpu.memory_space<vmem_shared>>, %arg9: memref<!tpu.dma_semaphore, #tpu.memory_space<semaphore_mem>>, %arg10: memref<!tpu.dma_semaphore, #tpu.memory_space<semaphore_mem>>) attributes {dimension_semantics = [#tpu.dimension_semantics<core_parallel>, #tpu.dimension_semantics<subcore_parallel>], iteration_bounds = array<i64: 2, 16>, scalar_prefetch = 0 : i64, scratch_operands = 5 : i64, tpu.core_type = #tpu.core_type<sc_vector_subcore>, window_params = [{transform_indices = #map}, {transform_indices = #map1}, {transform_indices = #map1}, {transform_indices = #map2}]} {
    %mul3A = arith.constant 632 : i32
    %mul3A_0 = arith.muli %arg1, %mul3A : i32
    "tpu.region"() ({
      %run_scoped3A = tpu.sem_alloc : memref<!tpu.dma_semaphore, #tpu.memory_space<semaphore_mem>>
      tpu.enqueue_dma source(%arg3 : memref<128x128xf32, #tpu.memory_space<hbm>>) target(%arg7 : memref<128x128xf32, #tpu.memory_space<vmem>>) target_semaphore(%run_scoped3A : memref<!tpu.dma_semaphore, #tpu.memory_space<semaphore_mem>>)
      tpu.wait_dma2 semaphore(%run_scoped3A : memref<!tpu.dma_semaphore, #tpu.memory_space<semaphore_mem>>) src(%arg3 : memref<128x128xf32, #tpu.memory_space<hbm>>) dst(%arg7 : memref<128x128xf32, #tpu.memory_space<vmem>>)
      tpu.yield
    }) : () -> ()
    %add3A = arith.constant 0 : i32
    %add3A_1 = arith.addi %mul3A_0, %add3A : i32
    "tpu.region"() ({
      %run_scoped3A = tpu.sem_alloc : memref<!tpu.dma_semaphore, #tpu.memory_space<semaphore_mem>>
      %dma_start3A = arith.constant 0 : i32
      %dma_start3A_36 = tpu.memref_slice %arg8[%add3A_1, %dma_start3A] : memref<10112x128xf32, #tpu.memory_space<vmem_shared>> -> memref<128x128xf32, #tpu.memory_space<vmem_shared>>
      %dma_start3A_37 = arith.constant 0 : i32
      %dma_start3A_38 = tpu.memref_slice %arg8[%add3A_1, %dma_start3A_37] : memref<10112x128xf32, #tpu.memory_space<vmem_shared>> -> memref<128x128xf32, #tpu.memory_space<vmem_shared>>
      tpu.enqueue_dma source(%arg7 : memref<128x128xf32, #tpu.memory_space<vmem>>) target(%dma_start3A_38 : memref<128x128xf32, #tpu.memory_space<vmem_shared>>) target_semaphore(%run_scoped3A : memref<!tpu.dma_semaphore, #tpu.memory_space<semaphore_mem>>)
      %dma_wait3A = arith.constant 0 : i32
      %dma_wait3A_39 = tpu.memref_slice %arg8[%add3A_1, %dma_wait3A] : memref<10112x128xf32, #tpu.memory_space<vmem_shared>> -> memref<128x128xf32, #tpu.memory_space<vmem_shared>>
      %dma_wait3A_40 = arith.constant 0 : i32
      %dma_wait3A_41 = tpu.memref_slice %arg8[%add3A_1, %dma_wait3A_40] : memref<10112x128xf32, #tpu.memory_space<vmem_shared>> -> memref<128x128xf32, #tpu.memory_space<vmem_shared>>
      tpu.wait_dma2 semaphore(%run_scoped3A : memref<!tpu.dma_semaphore, #tpu.memory_space<semaphore_mem>>) src(%arg7 : memref<128x128xf32, #tpu.memory_space<vmem>>) dst(%dma_wait3A_41 : memref<128x128xf32, #tpu.memory_space<vmem_shared>>)
      tpu.yield
    }) : () -> ()
    %add3A_2 = arith.constant 128 : i32
    %add3A_3 = arith.addi %mul3A_0, %add3A_2 : i32
    "tpu.region"() ({
      %run_scoped3A = tpu.sem_alloc : memref<!tpu.dma_semaphore, #tpu.memory_space<semaphore_mem>>
      %dma_start3A = arith.constant 0 : i32
      %dma_start3A_36 = tpu.memref_slice %arg8[%add3A_3, %dma_start3A] : memref<10112x128xf32, #tpu.memory_space<vmem_shared>> -> memref<128x128xf32, #tpu.memory_space<vmem_shared>>
      %dma_start3A_37 = arith.constant 0 : i32
      %dma_start3A_38 = tpu.memref_slice %arg8[%add3A_3, %dma_start3A_37] : memref<10112x128xf32, #tpu.memory_space<vmem_shared>> -> memref<128x128xf32, #tpu.memory_space<vmem_shared>>
      tpu.enqueue_dma source(%arg7 : memref<128x128xf32, #tpu.memory_space<vmem>>) target(%dma_start3A_38 : memref<128x128xf32, #tpu.memory_space<vmem_shared>>) target_semaphore(%run_scoped3A : memref<!tpu.dma_semaphore, #tpu.memory_space<semaphore_mem>>)
      %dma_wait3A = arith.constant 0 : i32
      %dma_wait3A_39 = tpu.memref_slice %arg8[%add3A_3, %dma_wait3A] : memref<10112x128xf32, #tpu.memory_space<vmem_shared>> -> memref<128x128xf32, #tpu.memory_space<vmem_shared>>
      %dma_wait3A_40 = arith.constant 0 : i32
      %dma_wait3A_41 = tpu.memref_slice %arg8[%add3A_3, %dma_wait3A_40] : memref<10112x128xf32, #tpu.memory_space<vmem_shared>> -> memref<128x128xf32, #tpu.memory_space<vmem_shared>>
      tpu.wait_dma2 semaphore(%run_scoped3A : memref<!tpu.dma_semaphore, #tpu.memory_space<semaphore_mem>>) src(%arg7 : memref<128x128xf32, #tpu.memory_space<vmem>>) dst(%dma_wait3A_41 : memref<128x128xf32, #tpu.memory_space<vmem_shared>>)
      tpu.yield
    }) : () -> ()
    %add3A_4 = arith.constant 256 : i32
    %add3A_5 = arith.addi %mul3A_0, %add3A_4 : i32
    "tpu.region"() ({
      %run_scoped3A = tpu.sem_alloc : memref<!tpu.dma_semaphore, #tpu.memory_space<semaphore_mem>>
      %dma_start3A = arith.constant 0 : i32
      %dma_start3A_36 = tpu.memref_slice %arg8[%add3A_5, %dma_start3A] : memref<10112x128xf32, #tpu.memory_space<vmem_shared>> -> memref<128x128xf32, #tpu.memory_space<vmem_shared>>
      %dma_start3A_37 = arith.constant 0 : i32
      %dma_start3A_38 = tpu.memref_slice %arg8[%add3A_5, %dma_start3A_37] : memref<10112x128xf32, #tpu.memory_space<vmem_shared>> -> memref<128x128xf32, #tpu.memory_space<vmem_shared>>
      tpu.enqueue_dma source(%arg7 : memref<128x128xf32, #tpu.memory_space<vmem>>) target(%dma_start3A_38 : memref<128x128xf32, #tpu.memory_space<vmem_shared>>) target_semaphore(%run_scoped3A : memref<!tpu.dma_semaphore, #tpu.memory_space<semaphore_mem>>)
      %dma_wait3A = arith.constant 0 : i32
      %dma_wait3A_39 = tpu.memref_slice %arg8[%add3A_5, %dma_wait3A] : memref<10112x128xf32, #tpu.memory_space<vmem_shared>> -> memref<128x128xf32, #tpu.memory_space<vmem_shared>>
      %dma_wait3A_40 = arith.constant 0 : i32
      %dma_wait3A_41 = tpu.memref_slice %arg8[%add3A_5, %dma_wait3A_40] : memref<10112x128xf32, #tpu.memory_space<vmem_shared>> -> memref<128x128xf32, #tpu.memory_space<vmem_shared>>
      tpu.wait_dma2 semaphore(%run_scoped3A : memref<!tpu.dma_semaphore, #tpu.memory_space<semaphore_mem>>) src(%arg7 : memref<128x128xf32, #tpu.memory_space<vmem>>) dst(%dma_wait3A_41 : memref<128x128xf32, #tpu.memory_space<vmem_shared>>)
      tpu.yield
    }) : () -> ()
    %add3A_6 = arith.constant 384 : i32
    %add3A_7 = arith.addi %mul3A_0, %add3A_6 : i32
    "tpu.region"() ({
      %run_scoped3A = tpu.sem_alloc : memref<!tpu.dma_semaphore, #tpu.memory_space<semaphore_mem>>
      %dma_start3A = arith.constant 0 : i32
      %dma_start3A_36 = tpu.memref_slice %arg8[%add3A_7, %dma_start3A] : memref<10112x128xf32, #tpu.memory_space<vmem_shared>> -> memref<128x128xf32, #tpu.memory_space<vmem_shared>>
      %dma_start3A_37 = arith.constant 0 : i32
      %dma_start3A_38 = tpu.memref_slice %arg8[%add3A_7, %dma_start3A_37] : memref<10112x128xf32, #tpu.memory_space<vmem_shared>> -> memref<128x128xf32, #tpu.memory_space<vmem_shared>>
      tpu.enqueue_dma source(%arg7 : memref<128x128xf32, #tpu.memory_space<vmem>>) target(%dma_start3A_38 : memref<128x128xf32, #tpu.memory_space<vmem_shared>>) target_semaphore(%run_scoped3A : memref<!tpu.dma_semaphore, #tpu.memory_space<semaphore_mem>>)
      %dma_wait3A = arith.constant 0 : i32
      %dma_wait3A_39 = tpu.memref_slice %arg8[%add3A_7, %dma_wait3A] : memref<10112x128xf32, #tpu.memory_space<vmem_shared>> -> memref<128x128xf32, #tpu.memory_space<vmem_shared>>
      %dma_wait3A_40 = arith.constant 0 : i32
      %dma_wait3A_41 = tpu.memref_slice %arg8[%add3A_7, %dma_wait3A_40] : memref<10112x128xf32, #tpu.memory_space<vmem_shared>> -> memref<128x128xf32, #tpu.memory_space<vmem_shared>>
      tpu.wait_dma2 semaphore(%run_scoped3A : memref<!tpu.dma_semaphore, #tpu.memory_space<semaphore_mem>>) src(%arg7 : memref<128x128xf32, #tpu.memory_space<vmem>>) dst(%dma_wait3A_41 : memref<128x128xf32, #tpu.memory_space<vmem_shared>>)
      tpu.yield
    }) : () -> ()
    %add3A_8 = arith.constant 512 : i32
    %add3A_9 = arith.addi %mul3A_0, %add3A_8 : i32
    "tpu.region"() ({
      %run_scoped3A = tpu.sem_alloc : memref<!tpu.dma_semaphore, #tpu.memory_space<semaphore_mem>>
      %dma_start3A = arith.constant 0 : i32
      %dma_start3A_36 = arith.constant 0 : i32
      %dma_start3A_37 = tpu.memref_slice %arg7[%dma_start3A, %dma_start3A_36] : memref<128x128xf32, #tpu.memory_space<vmem>> -> memref<120x128xf32, #tpu.memory_space<vmem>>
      %dma_start3A_38 = arith.constant 0 : i32
      %dma_start3A_39 = tpu.memref_slice %arg8[%add3A_9, %dma_start3A_38] : memref<10112x128xf32, #tpu.memory_space<vmem_shared>> -> memref<120x128xf32, #tpu.memory_space<vmem_shared>>
      %dma_start3A_40 = arith.constant 0 : i32
      %dma_start3A_41 = tpu.memref_slice %arg8[%add3A_9, %dma_start3A_40] : memref<10112x128xf32, #tpu.memory_space<vmem_shared>> -> memref<120x128xf32, #tpu.memory_space<vmem_shared>>
      %dma_start3A_42 = arith.constant 0 : i32
      %dma_start3A_43 = arith.constant 0 : i32
      %dma_start3A_44 = tpu.memref_slice %arg7[%dma_start3A_42, %dma_start3A_43] : memref<128x128xf32, #tpu.memory_space<vmem>> -> memref<120x128xf32, #tpu.memory_space<vmem>>
      tpu.enqueue_dma source(%dma_start3A_44 : memref<120x128xf32, #tpu.memory_space<vmem>>) target(%dma_start3A_41 : memref<120x128xf32, #tpu.memory_space<vmem_shared>>) target_semaphore(%run_scoped3A : memref<!tpu.dma_semaphore, #tpu.memory_space<semaphore_mem>>)
      %dma_wait3A = arith.constant 0 : i32
      %dma_wait3A_45 = arith.constant 0 : i32
      %dma_wait3A_46 = tpu.memref_slice %arg7[%dma_wait3A, %dma_wait3A_45] : memref<128x128xf32, #tpu.memory_space<vmem>> -> memref<120x128xf32, #tpu.memory_space<vmem>>
      %dma_wait3A_47 = arith.constant 0 : i32
      %dma_wait3A_48 = tpu.memref_slice %arg8[%add3A_9, %dma_wait3A_47] : memref<10112x128xf32, #tpu.memory_space<vmem_shared>> -> memref<120x128xf32, #tpu.memory_space<vmem_shared>>
      %dma_wait3A_49 = arith.constant 0 : i32
      %dma_wait3A_50 = tpu.memref_slice %arg8[%add3A_9, %dma_wait3A_49] : memref<10112x128xf32, #tpu.memory_space<vmem_shared>> -> memref<120x128xf32, #tpu.memory_space<vmem_shared>>
      %dma_wait3A_51 = arith.constant 0 : i32
      %dma_wait3A_52 = arith.constant 0 : i32
      %dma_wait3A_53 = tpu.memref_slice %arg7[%dma_wait3A_51, %dma_wait3A_52] : memref<128x128xf32, #tpu.memory_space<vmem>> -> memref<120x128xf32, #tpu.memory_space<vmem>>
      tpu.wait_dma2 semaphore(%run_scoped3A : memref<!tpu.dma_semaphore, #tpu.memory_space<semaphore_mem>>) src(%dma_wait3A_53 : memref<120x128xf32, #tpu.memory_space<vmem>>) dst(%dma_wait3A_50 : memref<120x128xf32, #tpu.memory_space<vmem_shared>>)
      tpu.yield
    }) : () -> ()
    "tpu.region"() ({
      %run_scoped3A = tpu.sem_alloc : memref<!tpu.dma_semaphore, #tpu.memory_space<semaphore_mem>>
      tpu.enqueue_dma source(%arg4 : memref<128x128xf32, #tpu.memory_space<hbm>>) target(%arg7 : memref<128x128xf32, #tpu.memory_space<vmem>>) target_semaphore(%run_scoped3A : memref<!tpu.dma_semaphore, #tpu.memory_space<semaphore_mem>>)
      tpu.wait_dma2 semaphore(%run_scoped3A : memref<!tpu.dma_semaphore, #tpu.memory_space<semaphore_mem>>) src(%arg4 : memref<128x128xf32, #tpu.memory_space<hbm>>) dst(%arg7 : memref<128x128xf32, #tpu.memory_space<vmem>>)
      tpu.yield
    }) : () -> ()
    %barrier3A = arith.constant 0 : index
    tpu.barrier barrier_id(%barrier3A)
    %scan3A = arith.constant 0 : i32
    %scan3A_10 = arith.constant 0 : i32
    %scan3A_11 = arith.constant 40 : i32
    %scan3A_12 = arith.addi %scan3A_10, %scan3A_11 : i32
    %scan3A_13 = arith.constant 1 : i32
    scf.for %scan3A_36 = %scan3A_10 to %scan3A_12 step %scan3A_13  : i32 {
      %mul3A_37 = arith.constant 4 : i32
      %mul3A_38 = arith.muli %scan3A_36, %mul3A_37 : i32
      "tpu.region"() ({
        %run_scoped3A = tpu.sem_alloc : memref<!tpu.dma_semaphore, #tpu.memory_space<semaphore_mem>>
        %dma_start3A_93 = arith.constant 0 : i32
        %dma_start3A_94 = tpu.memref_slice %arg2[%arg0, %arg1, %mul3A_38, %dma_start3A_93] : memref<2x16x160x128xi32, #tpu.memory_space<hbm>> -> memref<1x1x4x128xi32, #tpu.memory_space<hbm>>
        %dma_start3A_95 = tpu.memref_squeeze %dma_start3A_94 : memref<1x1x4x128xi32, #tpu.memory_space<hbm>> -> memref<4x128xi32, #tpu.memory_space<hbm>>
        %dma_start3A_96 = arith.constant 0 : i32
        %dma_start3A_97 = tpu.memref_slice %arg2[%arg0, %arg1, %mul3A_38, %dma_start3A_96] : memref<2x16x160x128xi32, #tpu.memory_space<hbm>> -> memref<1x1x4x128xi32, #tpu.memory_space<hbm>>
        %dma_start3A_98 = tpu.memref_squeeze %dma_start3A_97 : memref<1x1x4x128xi32, #tpu.memory_space<hbm>> -> memref<4x128xi32, #tpu.memory_space<hbm>>
        tpu.enqueue_dma source(%dma_start3A_98 : memref<4x128xi32, #tpu.memory_space<hbm>>) target(%arg6 : memref<4x128xi32, #tpu.memory_space<vmem>>) target_semaphore(%run_scoped3A : memref<!tpu.dma_semaphore, #tpu.memory_space<semaphore_mem>>)
        %dma_wait3A_99 = arith.constant 0 : i32
        %dma_wait3A_100 = tpu.memref_slice %arg2[%arg0, %arg1, %mul3A_38, %dma_wait3A_99] : memref<2x16x160x128xi32, #tpu.memory_space<hbm>> -> memref<1x1x4x128xi32, #tpu.memory_space<hbm>>
        %dma_wait3A_101 = tpu.memref_squeeze %dma_wait3A_100 : memref<1x1x4x128xi32, #tpu.memory_space<hbm>> -> memref<4x128xi32, #tpu.memory_space<hbm>>
        %dma_wait3A_102 = arith.constant 0 : i32
        %dma_wait3A_103 = tpu.memref_slice %arg2[%arg0, %arg1, %mul3A_38, %dma_wait3A_102] : memref<2x16x160x128xi32, #tpu.memory_space<hbm>> -> memref<1x1x4x128xi32, #tpu.memory_space<hbm>>
        %dma_wait3A_104 = tpu.memref_squeeze %dma_wait3A_103 : memref<1x1x4x128xi32, #tpu.memory_space<hbm>> -> memref<4x128xi32, #tpu.memory_space<hbm>>
        tpu.wait_dma2 semaphore(%run_scoped3A : memref<!tpu.dma_semaphore, #tpu.memory_space<semaphore_mem>>) src(%dma_wait3A_104 : memref<4x128xi32, #tpu.memory_space<hbm>>) dst(%arg6 : memref<4x128xi32, #tpu.memory_space<vmem>>)
        tpu.yield
      }) : () -> ()
      %dma_start3A = arith.constant 0 : i32
      %dma_start3A_39 = arith.constant 0 : i32
      %dma_start3A_40 = tpu.memref_slice %arg6[%dma_start3A, %dma_start3A_39] : memref<4x128xi32, #tpu.memory_space<vmem>> -> memref<1x128xi32, #tpu.memory_space<vmem>>
      %dma_start3A_41 = tpu.memref_squeeze %dma_start3A_40 : memref<1x128xi32, #tpu.memory_space<vmem>> -> memref<128xi32, #tpu.memory_space<vmem>>
      %dma_start3A_42 = arith.constant 0 : i32
      %dma_start3A_43 = arith.constant 0 : i32
      %dma_start3A_44 = tpu.memref_slice %arg8[%dma_start3A_42, %dma_start3A_43] : memref<10112x128xf32, #tpu.memory_space<vmem_shared>> -> memref<10112x128xf32, #tpu.memory_space<vmem_shared>>
      tpu.enqueue_indirect_dma source(%arg7 : memref<128x128xf32, #tpu.memory_space<vmem>>) target(%dma_start3A_44 : memref<10112x128xf32, #tpu.memory_space<vmem_shared>>) offsets(%dma_start3A_41 : memref<128xi32, #tpu.memory_space<vmem>>) semaphore(%arg9 : memref<!tpu.dma_semaphore, #tpu.memory_space<semaphore_mem>>) {add = true}
      %dma_start3A_45 = arith.constant 1 : i32
      %dma_start3A_46 = arith.constant 0 : i32
      %dma_start3A_47 = tpu.memref_slice %arg6[%dma_start3A_45, %dma_start3A_46] : memref<4x128xi32, #tpu.memory_space<vmem>> -> memref<1x128xi32, #tpu.memory_space<vmem>>
      %dma_start3A_48 = tpu.memref_squeeze %dma_start3A_47 : memref<1x128xi32, #tpu.memory_space<vmem>> -> memref<128xi32, #tpu.memory_space<vmem>>
      %dma_start3A_49 = arith.constant 0 : i32
      %dma_start3A_50 = arith.constant 0 : i32
      %dma_start3A_51 = tpu.memref_slice %arg8[%dma_start3A_49, %dma_start3A_50] : memref<10112x128xf32, #tpu.memory_space<vmem_shared>> -> memref<10112x128xf32, #tpu.memory_space<vmem_shared>>
      tpu.enqueue_indirect_dma source(%arg7 : memref<128x128xf32, #tpu.memory_space<vmem>>) target(%dma_start3A_51 : memref<10112x128xf32, #tpu.memory_space<vmem_shared>>) offsets(%dma_start3A_48 : memref<128xi32, #tpu.memory_space<vmem>>) semaphore(%arg10 : memref<!tpu.dma_semaphore, #tpu.memory_space<semaphore_mem>>) {add = true}
      %dma_start3A_52 = arith.constant 2 : i32
      %dma_start3A_53 = arith.constant 0 : i32
      %dma_start3A_54 = tpu.memref_slice %arg6[%dma_start3A_52, %dma_start3A_53] : memref<4x128xi32, #tpu.memory_space<vmem>> -> memref<1x128xi32, #tpu.memory_space<vmem>>
      %dma_start3A_55 = tpu.memref_squeeze %dma_start3A_54 : memref<1x128xi32, #tpu.memory_space<vmem>> -> memref<128xi32, #tpu.memory_space<vmem>>
      %dma_start3A_56 = arith.constant 0 : i32
      %dma_start3A_57 = arith.constant 0 : i32
      %dma_start3A_58 = tpu.memref_slice %arg8[%dma_start3A_56, %dma_start3A_57] : memref<10112x128xf32, #tpu.memory_space<vmem_shared>> -> memref<10112x128xf32, #tpu.memory_space<vmem_shared>>
      tpu.enqueue_indirect_dma source(%arg7 : memref<128x128xf32, #tpu.memory_space<vmem>>) target(%dma_start3A_58 : memref<10112x128xf32, #tpu.memory_space<vmem_shared>>) offsets(%dma_start3A_55 : memref<128xi32, #tpu.memory_space<vmem>>) semaphore(%arg9 : memref<!tpu.dma_semaphore, #tpu.memory_space<semaphore_mem>>) {add = true}
      %dma_start3A_59 = arith.constant 3 : i32
      %dma_start3A_60 = arith.constant 0 : i32
      %dma_start3A_61 = tpu.memref_slice %arg6[%dma_start3A_59, %dma_start3A_60] : memref<4x128xi32, #tpu.memory_space<vmem>> -> memref<1x128xi32, #tpu.memory_space<vmem>>
      %dma_start3A_62 = tpu.memref_squeeze %dma_start3A_61 : memref<1x128xi32, #tpu.memory_space<vmem>> -> memref<128xi32, #tpu.memory_space<vmem>>
      %dma_start3A_63 = arith.constant 0 : i32
      %dma_start3A_64 = arith.constant 0 : i32
      %dma_start3A_65 = tpu.memref_slice %arg8[%dma_start3A_63, %dma_start3A_64] : memref<10112x128xf32, #tpu.memory_space<vmem_shared>> -> memref<10112x128xf32, #tpu.memory_space<vmem_shared>>
      tpu.enqueue_indirect_dma source(%arg7 : memref<128x128xf32, #tpu.memory_space<vmem>>) target(%dma_start3A_65 : memref<10112x128xf32, #tpu.memory_space<vmem_shared>>) offsets(%dma_start3A_62 : memref<128xi32, #tpu.memory_space<vmem>>) semaphore(%arg10 : memref<!tpu.dma_semaphore, #tpu.memory_space<semaphore_mem>>) {add = true}
      %dma_wait3A = arith.constant 0 : i32
      %dma_wait3A_66 = arith.constant 0 : i32
      %dma_wait3A_67 = tpu.memref_slice %arg6[%dma_wait3A, %dma_wait3A_66] : memref<4x128xi32, #tpu.memory_space<vmem>> -> memref<1x128xi32, #tpu.memory_space<vmem>>
      %dma_wait3A_68 = tpu.memref_squeeze %dma_wait3A_67 : memref<1x128xi32, #tpu.memory_space<vmem>> -> memref<128xi32, #tpu.memory_space<vmem>>
      %dma_wait3A_69 = arith.constant 0 : i32
      %dma_wait3A_70 = arith.constant 0 : i32
      %dma_wait3A_71 = tpu.memref_slice %arg8[%dma_wait3A_69, %dma_wait3A_70] : memref<10112x128xf32, #tpu.memory_space<vmem_shared>> -> memref<10112x128xf32, #tpu.memory_space<vmem_shared>>
      tpu.wait_indirect_dma semaphore(%arg9 : memref<!tpu.dma_semaphore, #tpu.memory_space<semaphore_mem>>) src(%arg7 : memref<128x128xf32, #tpu.memory_space<vmem>>) dst(%dma_wait3A_71 : memref<10112x128xf32, #tpu.memory_space<vmem_shared>>)
      %dma_wait3A_72 = arith.constant 1 : i32
      %dma_wait3A_73 = arith.constant 0 : i32
      %dma_wait3A_74 = tpu.memref_slice %arg6[%dma_wait3A_72, %dma_wait3A_73] : memref<4x128xi32, #tpu.memory_space<vmem>> -> memref<1x128xi32, #tpu.memory_space<vmem>>
      %dma_wait3A_75 = tpu.memref_squeeze %dma_wait3A_74 : memref<1x128xi32, #tpu.memory_space<vmem>> -> memref<128xi32, #tpu.memory_space<vmem>>
      %dma_wait3A_76 = arith.constant 0 : i32
      %dma_wait3A_77 = arith.constant 0 : i32
      %dma_wait3A_78 = tpu.memref_slice %arg8[%dma_wait3A_76, %dma_wait3A_77] : memref<10112x128xf32, #tpu.memory_space<vmem_shared>> -> memref<10112x128xf32, #tpu.memory_space<vmem_shared>>
      tpu.wait_indirect_dma semaphore(%arg10 : memref<!tpu.dma_semaphore, #tpu.memory_space<semaphore_mem>>) src(%arg7 : memref<128x128xf32, #tpu.memory_space<vmem>>) dst(%dma_wait3A_78 : memref<10112x128xf32, #tpu.memory_space<vmem_shared>>)
      %dma_wait3A_79 = arith.constant 2 : i32
      %dma_wait3A_80 = arith.constant 0 : i32
      %dma_wait3A_81 = tpu.memref_slice %arg6[%dma_wait3A_79, %dma_wait3A_80] : memref<4x128xi32, #tpu.memory_space<vmem>> -> memref<1x128xi32, #tpu.memory_space<vmem>>
      %dma_wait3A_82 = tpu.memref_squeeze %dma_wait3A_81 : memref<1x128xi32, #tpu.memory_space<vmem>> -> memref<128xi32, #tpu.memory_space<vmem>>
      %dma_wait3A_83 = arith.constant 0 : i32
      %dma_wait3A_84 = arith.constant 0 : i32
      %dma_wait3A_85 = tpu.memref_slice %arg8[%dma_wait3A_83, %dma_wait3A_84] : memref<10112x128xf32, #tpu.memory_space<vmem_shared>> -> memref<10112x128xf32, #tpu.memory_space<vmem_shared>>
      tpu.wait_indirect_dma semaphore(%arg9 : memref<!tpu.dma_semaphore, #tpu.memory_space<semaphore_mem>>) src(%arg7 : memref<128x128xf32, #tpu.memory_space<vmem>>) dst(%dma_wait3A_85 : memref<10112x128xf32, #tpu.memory_space<vmem_shared>>)
      %dma_wait3A_86 = arith.constant 3 : i32
      %dma_wait3A_87 = arith.constant 0 : i32
      %dma_wait3A_88 = tpu.memref_slice %arg6[%dma_wait3A_86, %dma_wait3A_87] : memref<4x128xi32, #tpu.memory_space<vmem>> -> memref<1x128xi32, #tpu.memory_space<vmem>>
      %dma_wait3A_89 = tpu.memref_squeeze %dma_wait3A_88 : memref<1x128xi32, #tpu.memory_space<vmem>> -> memref<128xi32, #tpu.memory_space<vmem>>
      %dma_wait3A_90 = arith.constant 0 : i32
      %dma_wait3A_91 = arith.constant 0 : i32
      %dma_wait3A_92 = tpu.memref_slice %arg8[%dma_wait3A_90, %dma_wait3A_91] : memref<10112x128xf32, #tpu.memory_space<vmem_shared>> -> memref<10112x128xf32, #tpu.memory_space<vmem_shared>>
      tpu.wait_indirect_dma semaphore(%arg10 : memref<!tpu.dma_semaphore, #tpu.memory_space<semaphore_mem>>) src(%arg7 : memref<128x128xf32, #tpu.memory_space<vmem>>) dst(%dma_wait3A_92 : memref<10112x128xf32, #tpu.memory_space<vmem_shared>>)
    }
    %scan3A_14 = arith.constant 40 : i32
    %barrier3A_15 = arith.constant 0 : index
    tpu.barrier barrier_id(%barrier3A_15)
    %add3A_16 = arith.constant 0 : i32
    %add3A_17 = arith.addi %mul3A_0, %add3A_16 : i32
    "tpu.region"() ({
      %run_scoped3A = tpu.sem_alloc : memref<!tpu.dma_semaphore, #tpu.memory_space<semaphore_mem>>
      %dma_start3A = arith.constant 0 : i32
      %dma_start3A_36 = tpu.memref_slice %arg8[%add3A_17, %dma_start3A] : memref<10112x128xf32, #tpu.memory_space<vmem_shared>> -> memref<128x128xf32, #tpu.memory_space<vmem_shared>>
      %dma_start3A_37 = arith.constant 0 : i32
      %dma_start3A_38 = tpu.memref_slice %arg8[%add3A_17, %dma_start3A_37] : memref<10112x128xf32, #tpu.memory_space<vmem_shared>> -> memref<128x128xf32, #tpu.memory_space<vmem_shared>>
      tpu.enqueue_dma source(%dma_start3A_38 : memref<128x128xf32, #tpu.memory_space<vmem_shared>>) target(%arg7 : memref<128x128xf32, #tpu.memory_space<vmem>>) target_semaphore(%run_scoped3A : memref<!tpu.dma_semaphore, #tpu.memory_space<semaphore_mem>>)
      %dma_wait3A = arith.constant 0 : i32
      %dma_wait3A_39 = tpu.memref_slice %arg8[%add3A_17, %dma_wait3A] : memref<10112x128xf32, #tpu.memory_space<vmem_shared>> -> memref<128x128xf32, #tpu.memory_space<vmem_shared>>
      %dma_wait3A_40 = arith.constant 0 : i32
      %dma_wait3A_41 = tpu.memref_slice %arg8[%add3A_17, %dma_wait3A_40] : memref<10112x128xf32, #tpu.memory_space<vmem_shared>> -> memref<128x128xf32, #tpu.memory_space<vmem_shared>>
      tpu.wait_dma2 semaphore(%run_scoped3A : memref<!tpu.dma_semaphore, #tpu.memory_space<semaphore_mem>>) src(%dma_wait3A_41 : memref<128x128xf32, #tpu.memory_space<vmem_shared>>) dst(%arg7 : memref<128x128xf32, #tpu.memory_space<vmem>>)
      tpu.yield
    }) : () -> ()
    %add3A_18 = arith.constant 0 : i32
    %add3A_19 = arith.addi %mul3A_0, %add3A_18 : i32
    "tpu.region"() ({
      %run_scoped3A = tpu.sem_alloc : memref<!tpu.dma_semaphore, #tpu.memory_space<semaphore_mem>>
      %dma_start3A = arith.constant 0 : i32
      %dma_start3A_36 = tpu.memref_slice %arg5[%arg0, %add3A_19, %dma_start3A] : memref<2x10112x128xf32, #tpu.memory_space<hbm>> -> memref<1x128x128xf32, #tpu.memory_space<hbm>>
      %dma_start3A_37 = tpu.memref_squeeze %dma_start3A_36 : memref<1x128x128xf32, #tpu.memory_space<hbm>> -> memref<128x128xf32, #tpu.memory_space<hbm>>
      %dma_start3A_38 = arith.constant 0 : i32
      %dma_start3A_39 = tpu.memref_slice %arg5[%arg0, %add3A_19, %dma_start3A_38] : memref<2x10112x128xf32, #tpu.memory_space<hbm>> -> memref<1x128x128xf32, #tpu.memory_space<hbm>>
      %dma_start3A_40 = tpu.memref_squeeze %dma_start3A_39 : memref<1x128x128xf32, #tpu.memory_space<hbm>> -> memref<128x128xf32, #tpu.memory_space<hbm>>
      tpu.enqueue_dma source(%arg7 : memref<128x128xf32, #tpu.memory_space<vmem>>) target(%dma_start3A_40 : memref<128x128xf32, #tpu.memory_space<hbm>>) target_semaphore(%run_scoped3A : memref<!tpu.dma_semaphore, #tpu.memory_space<semaphore_mem>>)
      %dma_wait3A = arith.constant 0 : i32
      %dma_wait3A_41 = tpu.memref_slice %arg5[%arg0, %add3A_19, %dma_wait3A] : memref<2x10112x128xf32, #tpu.memory_space<hbm>> -> memref<1x128x128xf32, #tpu.memory_space<hbm>>
      %dma_wait3A_42 = tpu.memref_squeeze %dma_wait3A_41 : memref<1x128x128xf32, #tpu.memory_space<hbm>> -> memref<128x128xf32, #tpu.memory_space<hbm>>
      %dma_wait3A_43 = arith.constant 0 : i32
      %dma_wait3A_44 = tpu.memref_slice %arg5[%arg0, %add3A_19, %dma_wait3A_43] : memref<2x10112x128xf32, #tpu.memory_space<hbm>> -> memref<1x128x128xf32, #tpu.memory_space<hbm>>
      %dma_wait3A_45 = tpu.memref_squeeze %dma_wait3A_44 : memref<1x128x128xf32, #tpu.memory_space<hbm>> -> memref<128x128xf32, #tpu.memory_space<hbm>>
      tpu.wait_dma2 semaphore(%run_scoped3A : memref<!tpu.dma_semaphore, #tpu.memory_space<semaphore_mem>>) src(%arg7 : memref<128x128xf32, #tpu.memory_space<vmem>>) dst(%dma_wait3A_45 : memref<128x128xf32, #tpu.memory_space<hbm>>)
      tpu.yield
    }) : () -> ()
    %add3A_20 = arith.constant 128 : i32
    %add3A_21 = arith.addi %mul3A_0, %add3A_20 : i32
    "tpu.region"() ({
      %run_scoped3A = tpu.sem_alloc : memref<!tpu.dma_semaphore, #tpu.memory_space<semaphore_mem>>
      %dma_start3A = arith.constant 0 : i32
      %dma_start3A_36 = tpu.memref_slice %arg8[%add3A_21, %dma_start3A] : memref<10112x128xf32, #tpu.memory_space<vmem_shared>> -> memref<128x128xf32, #tpu.memory_space<vmem_shared>>
      %dma_start3A_37 = arith.constant 0 : i32
      %dma_start3A_38 = tpu.memref_slice %arg8[%add3A_21, %dma_start3A_37] : memref<10112x128xf32, #tpu.memory_space<vmem_shared>> -> memref<128x128xf32, #tpu.memory_space<vmem_shared>>
      tpu.enqueue_dma source(%dma_start3A_38 : memref<128x128xf32, #tpu.memory_space<vmem_shared>>) target(%arg7 : memref<128x128xf32, #tpu.memory_space<vmem>>) target_semaphore(%run_scoped3A : memref<!tpu.dma_semaphore, #tpu.memory_space<semaphore_mem>>)
      %dma_wait3A = arith.constant 0 : i32
      %dma_wait3A_39 = tpu.memref_slice %arg8[%add3A_21, %dma_wait3A] : memref<10112x128xf32, #tpu.memory_space<vmem_shared>> -> memref<128x128xf32, #tpu.memory_space<vmem_shared>>
      %dma_wait3A_40 = arith.constant 0 : i32
      %dma_wait3A_41 = tpu.memref_slice %arg8[%add3A_21, %dma_wait3A_40] : memref<10112x128xf32, #tpu.memory_space<vmem_shared>> -> memref<128x128xf32, #tpu.memory_space<vmem_shared>>
      tpu.wait_dma2 semaphore(%run_scoped3A : memref<!tpu.dma_semaphore, #tpu.memory_space<semaphore_mem>>) src(%dma_wait3A_41 : memref<128x128xf32, #tpu.memory_space<vmem_shared>>) dst(%arg7 : memref<128x128xf32, #tpu.memory_space<vmem>>)
      tpu.yield
    }) : () -> ()
    %add3A_22 = arith.constant 128 : i32
    %add3A_23 = arith.addi %mul3A_0, %add3A_22 : i32
    "tpu.region"() ({
      %run_scoped3A = tpu.sem_alloc : memref<!tpu.dma_semaphore, #tpu.memory_space<semaphore_mem>>
      %dma_start3A = arith.constant 0 : i32
      %dma_start3A_36 = tpu.memref_slice %arg5[%arg0, %add3A_23, %dma_start3A] : memref<2x10112x128xf32, #tpu.memory_space<hbm>> -> memref<1x128x128xf32, #tpu.memory_space<hbm>>
      %dma_start3A_37 = tpu.memref_squeeze %dma_start3A_36 : memref<1x128x128xf32, #tpu.memory_space<hbm>> -> memref<128x128xf32, #tpu.memory_space<hbm>>
      %dma_start3A_38 = arith.constant 0 : i32
      %dma_start3A_39 = tpu.memref_slice %arg5[%arg0, %add3A_23, %dma_start3A_38] : memref<2x10112x128xf32, #tpu.memory_space<hbm>> -> memref<1x128x128xf32, #tpu.memory_space<hbm>>
      %dma_start3A_40 = tpu.memref_squeeze %dma_start3A_39 : memref<1x128x128xf32, #tpu.memory_space<hbm>> -> memref<128x128xf32, #tpu.memory_space<hbm>>
      tpu.enqueue_dma source(%arg7 : memref<128x128xf32, #tpu.memory_space<vmem>>) target(%dma_start3A_40 : memref<128x128xf32, #tpu.memory_space<hbm>>) target_semaphore(%run_scoped3A : memref<!tpu.dma_semaphore, #tpu.memory_space<semaphore_mem>>)
      %dma_wait3A = arith.constant 0 : i32
      %dma_wait3A_41 = tpu.memref_slice %arg5[%arg0, %add3A_23, %dma_wait3A] : memref<2x10112x128xf32, #tpu.memory_space<hbm>> -> memref<1x128x128xf32, #tpu.memory_space<hbm>>
      %dma_wait3A_42 = tpu.memref_squeeze %dma_wait3A_41 : memref<1x128x128xf32, #tpu.memory_space<hbm>> -> memref<128x128xf32, #tpu.memory_space<hbm>>
      %dma_wait3A_43 = arith.constant 0 : i32
      %dma_wait3A_44 = tpu.memref_slice %arg5[%arg0, %add3A_23, %dma_wait3A_43] : memref<2x10112x128xf32, #tpu.memory_space<hbm>> -> memref<1x128x128xf32, #tpu.memory_space<hbm>>
      %dma_wait3A_45 = tpu.memref_squeeze %dma_wait3A_44 : memref<1x128x128xf32, #tpu.memory_space<hbm>> -> memref<128x128xf32, #tpu.memory_space<hbm>>
      tpu.wait_dma2 semaphore(%run_scoped3A : memref<!tpu.dma_semaphore, #tpu.memory_space<semaphore_mem>>) src(%arg7 : memref<128x128xf32, #tpu.memory_space<vmem>>) dst(%dma_wait3A_45 : memref<128x128xf32, #tpu.memory_space<hbm>>)
      tpu.yield
    }) : () -> ()
    %add3A_24 = arith.constant 256 : i32
    %add3A_25 = arith.addi %mul3A_0, %add3A_24 : i32
    "tpu.region"() ({
      %run_scoped3A = tpu.sem_alloc : memref<!tpu.dma_semaphore, #tpu.memory_space<semaphore_mem>>
      %dma_start3A = arith.constant 0 : i32
      %dma_start3A_36 = tpu.memref_slice %arg8[%add3A_25, %dma_start3A] : memref<10112x128xf32, #tpu.memory_space<vmem_shared>> -> memref<128x128xf32, #tpu.memory_space<vmem_shared>>
      %dma_start3A_37 = arith.constant 0 : i32
      %dma_start3A_38 = tpu.memref_slice %arg8[%add3A_25, %dma_start3A_37] : memref<10112x128xf32, #tpu.memory_space<vmem_shared>> -> memref<128x128xf32, #tpu.memory_space<vmem_shared>>
      tpu.enqueue_dma source(%dma_start3A_38 : memref<128x128xf32, #tpu.memory_space<vmem_shared>>) target(%arg7 : memref<128x128xf32, #tpu.memory_space<vmem>>) target_semaphore(%run_scoped3A : memref<!tpu.dma_semaphore, #tpu.memory_space<semaphore_mem>>)
      %dma_wait3A = arith.constant 0 : i32
      %dma_wait3A_39 = tpu.memref_slice %arg8[%add3A_25, %dma_wait3A] : memref<10112x128xf32, #tpu.memory_space<vmem_shared>> -> memref<128x128xf32, #tpu.memory_space<vmem_shared>>
      %dma_wait3A_40 = arith.constant 0 : i32
      %dma_wait3A_41 = tpu.memref_slice %arg8[%add3A_25, %dma_wait3A_40] : memref<10112x128xf32, #tpu.memory_space<vmem_shared>> -> memref<128x128xf32, #tpu.memory_space<vmem_shared>>
      tpu.wait_dma2 semaphore(%run_scoped3A : memref<!tpu.dma_semaphore, #tpu.memory_space<semaphore_mem>>) src(%dma_wait3A_41 : memref<128x128xf32, #tpu.memory_space<vmem_shared>>) dst(%arg7 : memref<128x128xf32, #tpu.memory_space<vmem>>)
      tpu.yield
    }) : () -> ()
    %add3A_26 = arith.constant 256 : i32
    %add3A_27 = arith.addi %mul3A_0, %add3A_26 : i32
    "tpu.region"() ({
      %run_scoped3A = tpu.sem_alloc : memref<!tpu.dma_semaphore, #tpu.memory_space<semaphore_mem>>
      %dma_start3A = arith.constant 0 : i32
      %dma_start3A_36 = tpu.memref_slice %arg5[%arg0, %add3A_27, %dma_start3A] : memref<2x10112x128xf32, #tpu.memory_space<hbm>> -> memref<1x128x128xf32, #tpu.memory_space<hbm>>
      %dma_start3A_37 = tpu.memref_squeeze %dma_start3A_36 : memref<1x128x128xf32, #tpu.memory_space<hbm>> -> memref<128x128xf32, #tpu.memory_space<hbm>>
      %dma_start3A_38 = arith.constant 0 : i32
      %dma_start3A_39 = tpu.memref_slice %arg5[%arg0, %add3A_27, %dma_start3A_38] : memref<2x10112x128xf32, #tpu.memory_space<hbm>> -> memref<1x128x128xf32, #tpu.memory_space<hbm>>
      %dma_start3A_40 = tpu.memref_squeeze %dma_start3A_39 : memref<1x128x128xf32, #tpu.memory_space<hbm>> -> memref<128x128xf32, #tpu.memory_space<hbm>>
      tpu.enqueue_dma source(%arg7 : memref<128x128xf32, #tpu.memory_space<vmem>>) target(%dma_start3A_40 : memref<128x128xf32, #tpu.memory_space<hbm>>) target_semaphore(%run_scoped3A : memref<!tpu.dma_semaphore, #tpu.memory_space<semaphore_mem>>)
      %dma_wait3A = arith.constant 0 : i32
      %dma_wait3A_41 = tpu.memref_slice %arg5[%arg0, %add3A_27, %dma_wait3A] : memref<2x10112x128xf32, #tpu.memory_space<hbm>> -> memref<1x128x128xf32, #tpu.memory_space<hbm>>
      %dma_wait3A_42 = tpu.memref_squeeze %dma_wait3A_41 : memref<1x128x128xf32, #tpu.memory_space<hbm>> -> memref<128x128xf32, #tpu.memory_space<hbm>>
      %dma_wait3A_43 = arith.constant 0 : i32
      %dma_wait3A_44 = tpu.memref_slice %arg5[%arg0, %add3A_27, %dma_wait3A_43] : memref<2x10112x128xf32, #tpu.memory_space<hbm>> -> memref<1x128x128xf32, #tpu.memory_space<hbm>>
      %dma_wait3A_45 = tpu.memref_squeeze %dma_wait3A_44 : memref<1x128x128xf32, #tpu.memory_space<hbm>> -> memref<128x128xf32, #tpu.memory_space<hbm>>
      tpu.wait_dma2 semaphore(%run_scoped3A : memref<!tpu.dma_semaphore, #tpu.memory_space<semaphore_mem>>) src(%arg7 : memref<128x128xf32, #tpu.memory_space<vmem>>) dst(%dma_wait3A_45 : memref<128x128xf32, #tpu.memory_space<hbm>>)
      tpu.yield
    }) : () -> ()
    %add3A_28 = arith.constant 384 : i32
    %add3A_29 = arith.addi %mul3A_0, %add3A_28 : i32
    "tpu.region"() ({
      %run_scoped3A = tpu.sem_alloc : memref<!tpu.dma_semaphore, #tpu.memory_space<semaphore_mem>>
      %dma_start3A = arith.constant 0 : i32
      %dma_start3A_36 = tpu.memref_slice %arg8[%add3A_29, %dma_start3A] : memref<10112x128xf32, #tpu.memory_space<vmem_shared>> -> memref<128x128xf32, #tpu.memory_space<vmem_shared>>
      %dma_start3A_37 = arith.constant 0 : i32
      %dma_start3A_38 = tpu.memref_slice %arg8[%add3A_29, %dma_start3A_37] : memref<10112x128xf32, #tpu.memory_space<vmem_shared>> -> memref<128x128xf32, #tpu.memory_space<vmem_shared>>
      tpu.enqueue_dma source(%dma_start3A_38 : memref<128x128xf32, #tpu.memory_space<vmem_shared>>) target(%arg7 : memref<128x128xf32, #tpu.memory_space<vmem>>) target_semaphore(%run_scoped3A : memref<!tpu.dma_semaphore, #tpu.memory_space<semaphore_mem>>)
      %dma_wait3A = arith.constant 0 : i32
      %dma_wait3A_39 = tpu.memref_slice %arg8[%add3A_29, %dma_wait3A] : memref<10112x128xf32, #tpu.memory_space<vmem_shared>> -> memref<128x128xf32, #tpu.memory_space<vmem_shared>>
      %dma_wait3A_40 = arith.constant 0 : i32
      %dma_wait3A_41 = tpu.memref_slice %arg8[%add3A_29, %dma_wait3A_40] : memref<10112x128xf32, #tpu.memory_space<vmem_shared>> -> memref<128x128xf32, #tpu.memory_space<vmem_shared>>
      tpu.wait_dma2 semaphore(%run_scoped3A : memref<!tpu.dma_semaphore, #tpu.memory_space<semaphore_mem>>) src(%dma_wait3A_41 : memref<128x128xf32, #tpu.memory_space<vmem_shared>>) dst(%arg7 : memref<128x128xf32, #tpu.memory_space<vmem>>)
      tpu.yield
    }) : () -> ()
    %add3A_30 = arith.constant 384 : i32
    %add3A_31 = arith.addi %mul3A_0, %add3A_30 : i32
    "tpu.region"() ({
      %run_scoped3A = tpu.sem_alloc : memref<!tpu.dma_semaphore, #tpu.memory_space<semaphore_mem>>
      %dma_start3A = arith.constant 0 : i32
      %dma_start3A_36 = tpu.memref_slice %arg5[%arg0, %add3A_31, %dma_start3A] : memref<2x10112x128xf32, #tpu.memory_space<hbm>> -> memref<1x128x128xf32, #tpu.memory_space<hbm>>
      %dma_start3A_37 = tpu.memref_squeeze %dma_start3A_36 : memref<1x128x128xf32, #tpu.memory_space<hbm>> -> memref<128x128xf32, #tpu.memory_space<hbm>>
      %dma_start3A_38 = arith.constant 0 : i32
      %dma_start3A_39 = tpu.memref_slice %arg5[%arg0, %add3A_31, %dma_start3A_38] : memref<2x10112x128xf32, #tpu.memory_space<hbm>> -> memref<1x128x128xf32, #tpu.memory_space<hbm>>
      %dma_start3A_40 = tpu.memref_squeeze %dma_start3A_39 : memref<1x128x128xf32, #tpu.memory_space<hbm>> -> memref<128x128xf32, #tpu.memory_space<hbm>>
      tpu.enqueue_dma source(%arg7 : memref<128x128xf32, #tpu.memory_space<vmem>>) target(%dma_start3A_40 : memref<128x128xf32, #tpu.memory_space<hbm>>) target_semaphore(%run_scoped3A : memref<!tpu.dma_semaphore, #tpu.memory_space<semaphore_mem>>)
      %dma_wait3A = arith.constant 0 : i32
      %dma_wait3A_41 = tpu.memref_slice %arg5[%arg0, %add3A_31, %dma_wait3A] : memref<2x10112x128xf32, #tpu.memory_space<hbm>> -> memref<1x128x128xf32, #tpu.memory_space<hbm>>
      %dma_wait3A_42 = tpu.memref_squeeze %dma_wait3A_41 : memref<1x128x128xf32, #tpu.memory_space<hbm>> -> memref<128x128xf32, #tpu.memory_space<hbm>>
      %dma_wait3A_43 = arith.constant 0 : i32
      %dma_wait3A_44 = tpu.memref_slice %arg5[%arg0, %add3A_31, %dma_wait3A_43] : memref<2x10112x128xf32, #tpu.memory_space<hbm>> -> memref<1x128x128xf32, #tpu.memory_space<hbm>>
      %dma_wait3A_45 = tpu.memref_squeeze %dma_wait3A_44 : memref<1x128x128xf32, #tpu.memory_space<hbm>> -> memref<128x128xf32, #tpu.memory_space<hbm>>
      tpu.wait_dma2 semaphore(%run_scoped3A : memref<!tpu.dma_semaphore, #tpu.memory_space<semaphore_mem>>) src(%arg7 : memref<128x128xf32, #tpu.memory_space<vmem>>) dst(%dma_wait3A_45 : memref<128x128xf32, #tpu.memory_space<hbm>>)
      tpu.yield
    }) : () -> ()
    %add3A_32 = arith.constant 512 : i32
    %add3A_33 = arith.addi %mul3A_0, %add3A_32 : i32
    "tpu.region"() ({
      %run_scoped3A = tpu.sem_alloc : memref<!tpu.dma_semaphore, #tpu.memory_space<semaphore_mem>>
      %dma_start3A = arith.constant 0 : i32
      %dma_start3A_36 = arith.constant 0 : i32
      %dma_start3A_37 = tpu.memref_slice %arg7[%dma_start3A, %dma_start3A_36] : memref<128x128xf32, #tpu.memory_space<vmem>> -> memref<120x128xf32, #tpu.memory_space<vmem>>
      %dma_start3A_38 = arith.constant 0 : i32
      %dma_start3A_39 = tpu.memref_slice %arg8[%add3A_33, %dma_start3A_38] : memref<10112x128xf32, #tpu.memory_space<vmem_shared>> -> memref<120x128xf32, #tpu.memory_space<vmem_shared>>
      %dma_start3A_40 = arith.constant 0 : i32
      %dma_start3A_41 = arith.constant 0 : i32
      %dma_start3A_42 = tpu.memref_slice %arg7[%dma_start3A_40, %dma_start3A_41] : memref<128x128xf32, #tpu.memory_space<vmem>> -> memref<120x128xf32, #tpu.memory_space<vmem>>
      %dma_start3A_43 = arith.constant 0 : i32
      %dma_start3A_44 = tpu.memref_slice %arg8[%add3A_33, %dma_start3A_43] : memref<10112x128xf32, #tpu.memory_space<vmem_shared>> -> memref<120x128xf32, #tpu.memory_space<vmem_shared>>
      tpu.enqueue_dma source(%dma_start3A_44 : memref<120x128xf32, #tpu.memory_space<vmem_shared>>) target(%dma_start3A_42 : memref<120x128xf32, #tpu.memory_space<vmem>>) target_semaphore(%run_scoped3A : memref<!tpu.dma_semaphore, #tpu.memory_space<semaphore_mem>>)
      %dma_wait3A = arith.constant 0 : i32
      %dma_wait3A_45 = arith.constant 0 : i32
      %dma_wait3A_46 = tpu.memref_slice %arg7[%dma_wait3A, %dma_wait3A_45] : memref<128x128xf32, #tpu.memory_space<vmem>> -> memref<120x128xf32, #tpu.memory_space<vmem>>
      %dma_wait3A_47 = arith.constant 0 : i32
      %dma_wait3A_48 = tpu.memref_slice %arg8[%add3A_33, %dma_wait3A_47] : memref<10112x128xf32, #tpu.memory_space<vmem_shared>> -> memref<120x128xf32, #tpu.memory_space<vmem_shared>>
      %dma_wait3A_49 = arith.constant 0 : i32
      %dma_wait3A_50 = arith.constant 0 : i32
      %dma_wait3A_51 = tpu.memref_slice %arg7[%dma_wait3A_49, %dma_wait3A_50] : memref<128x128xf32, #tpu.memory_space<vmem>> -> memref<120x128xf32, #tpu.memory_space<vmem>>
      %dma_wait3A_52 = arith.constant 0 : i32
      %dma_wait3A_53 = tpu.memref_slice %arg8[%add3A_33, %dma_wait3A_52] : memref<10112x128xf32, #tpu.memory_space<vmem_shared>> -> memref<120x128xf32, #tpu.memory_space<vmem_shared>>
      tpu.wait_dma2 semaphore(%run_scoped3A : memref<!tpu.dma_semaphore, #tpu.memory_space<semaphore_mem>>) src(%dma_wait3A_53 : memref<120x128xf32, #tpu.memory_space<vmem_shared>>) dst(%dma_wait3A_51 : memref<120x128xf32, #tpu.memory_space<vmem>>)
      tpu.yield
    }) : () -> ()
    %add3A_34 = arith.constant 512 : i32
    %add3A_35 = arith.addi %mul3A_0, %add3A_34 : i32
    "tpu.region"() ({
      %run_scoped3A = tpu.sem_alloc : memref<!tpu.dma_semaphore, #tpu.memory_space<semaphore_mem>>
      %dma_start3A = arith.constant 0 : i32
      %dma_start3A_36 = arith.constant 0 : i32
      %dma_start3A_37 = tpu.memref_slice %arg7[%dma_start3A, %dma_start3A_36] : memref<128x128xf32, #tpu.memory_space<vmem>> -> memref<120x128xf32, #tpu.memory_space<vmem>>
      %dma_start3A_38 = arith.constant 0 : i32
      %dma_start3A_39 = tpu.memref_slice %arg5[%arg0, %add3A_35, %dma_start3A_38] : memref<2x10112x128xf32, #tpu.memory_space<hbm>> -> memref<1x120x128xf32, #tpu.memory_space<hbm>>
      %dma_start3A_40 = tpu.memref_squeeze %dma_start3A_39 : memref<1x120x128xf32, #tpu.memory_space<hbm>> -> memref<120x128xf32, #tpu.memory_space<hbm>>
      %dma_start3A_41 = arith.constant 0 : i32
      %dma_start3A_42 = tpu.memref_slice %arg5[%arg0, %add3A_35, %dma_start3A_41] : memref<2x10112x128xf32, #tpu.memory_space<hbm>> -> memref<1x120x128xf32, #tpu.memory_space<hbm>>
      %dma_start3A_43 = tpu.memref_squeeze %dma_start3A_42 : memref<1x120x128xf32, #tpu.memory_space<hbm>> -> memref<120x128xf32, #tpu.memory_space<hbm>>
      %dma_start3A_44 = arith.constant 0 : i32
      %dma_start3A_45 = arith.constant 0 : i32
      %dma_start3A_46 = tpu.memref_slice %arg7[%dma_start3A_44, %dma_start3A_45] : memref<128x128xf32, #tpu.memory_space<vmem>> -> memref<120x128xf32, #tpu.memory_space<vmem>>
      tpu.enqueue_dma source(%dma_start3A_46 : memref<120x128xf32, #tpu.memory_space<vmem>>) target(%dma_start3A_43 : memref<120x128xf32, #tpu.memory_space<hbm>>) target_semaphore(%run_scoped3A : memref<!tpu.dma_semaphore, #tpu.memory_space<semaphore_mem>>)
      %dma_wait3A = arith.constant 0 : i32
      %dma_wait3A_47 = arith.constant 0 : i32
      %dma_wait3A_48 = tpu.memref_slice %arg7[%dma_wait3A, %dma_wait3A_47] : memref<128x128xf32, #tpu.memory_space<vmem>> -> memref<120x128xf32, #tpu.memory_space<vmem>>
      %dma_wait3A_49 = arith.constant 0 : i32
      %dma_wait3A_50 = tpu.memref_slice %arg5[%arg0, %add3A_35, %dma_wait3A_49] : memref<2x10112x128xf32, #tpu.memory_space<hbm>> -> memref<1x120x128xf32, #tpu.memory_space<hbm>>
      %dma_wait3A_51 = tpu.memref_squeeze %dma_wait3A_50 : memref<1x120x128xf32, #tpu.memory_space<hbm>> -> memref<120x128xf32, #tpu.memory_space<hbm>>
      %dma_wait3A_52 = arith.constant 0 : i32
      %dma_wait3A_53 = tpu.memref_slice %arg5[%arg0, %add3A_35, %dma_wait3A_52] : memref<2x10112x128xf32, #tpu.memory_space<hbm>> -> memref<1x120x128xf32, #tpu.memory_space<hbm>>
      %dma_wait3A_54 = tpu.memref_squeeze %dma_wait3A_53 : memref<1x120x128xf32, #tpu.memory_space<hbm>> -> memref<120x128xf32, #tpu.memory_space<hbm>>
      %dma_wait3A_55 = arith.constant 0 : i32
      %dma_wait3A_56 = arith.constant 0 : i32
      %dma_wait3A_57 = tpu.memref_slice %arg7[%dma_wait3A_55, %dma_wait3A_56] : memref<128x128xf32, #tpu.memory_space<vmem>> -> memref<120x128xf32, #tpu.memory_space<vmem>>
      tpu.wait_dma2 semaphore(%run_scoped3A : memref<!tpu.dma_semaphore, #tpu.memory_space<semaphore_mem>>) src(%dma_wait3A_57 : memref<120x128xf32, #tpu.memory_space<vmem>>) dst(%dma_wait3A_54 : memref<120x128xf32, #tpu.memory_space<hbm>>)
      tpu.yield
    }) : () -> ()
    return
  }
}

#map = affine_map<(d0, d1) -> (0, 0)>
#map1 = affine_map<(d0, d1) -> (0, 0, 0)>
module attributes {stable_mosaic.version = 14 : i64} {
  func.func @_agg_body(%arg0: i32, %arg1: i32, %arg2: memref<10112x128xf32, #tpu.memory_space<hbm>>, %arg3: memref<10112x128xf32, #tpu.memory_space<hbm>>, %arg4: memref<16x160x128xi32, #tpu.memory_space<hbm>>, %arg5: memref<16x160x128xi32, #tpu.memory_space<hbm>>, %arg6: memref<128x128xf32, #tpu.memory_space<hbm>>, %arg7: memref<2x10112x128xf32, #tpu.memory_space<hbm>>, %arg8: memref<4x128xi32, #tpu.memory_space<vmem>>, %arg9: memref<4x128xi32, #tpu.memory_space<vmem>>, %arg10: memref<128x128xf32, #tpu.memory_space<vmem>>, %arg11: memref<128x128xf32, #tpu.memory_space<vmem>>, %arg12: memref<128x128xf32, #tpu.memory_space<vmem>>, %arg13: memref<10112x128xf32, #tpu.memory_space<vmem_shared>>, %arg14: memref<!tpu.dma_semaphore, #tpu.memory_space<semaphore_mem>>, %arg15: memref<!tpu.dma_semaphore, #tpu.memory_space<semaphore_mem>>, %arg16: memref<!tpu.dma_semaphore, #tpu.memory_space<semaphore_mem>>, %arg17: memref<!tpu.dma_semaphore, #tpu.memory_space<semaphore_mem>>) attributes {dimension_semantics = [#tpu.dimension_semantics<core_parallel>, #tpu.dimension_semantics<subcore_parallel>], iteration_bounds = array<i64: 2, 16>, scalar_prefetch = 0 : i64, scratch_operands = 10 : i64, tpu.core_type = #tpu.core_type<sc_vector_subcore>, window_params = [{transform_indices = #map}, {transform_indices = #map}, {transform_indices = #map1}, {transform_indices = #map1}, {transform_indices = #map}, {transform_indices = #map1}]} {
    %mul3A = arith.constant 632 : i32
    %mul3A_0 = arith.muli %arg1, %mul3A : i32
    "tpu.region"() ({
      %run_scoped3A = tpu.sem_alloc : memref<!tpu.dma_semaphore, #tpu.memory_space<semaphore_mem>>
      tpu.enqueue_dma source(%arg6 : memref<128x128xf32, #tpu.memory_space<hbm>>) target(%arg10 : memref<128x128xf32, #tpu.memory_space<vmem>>) target_semaphore(%run_scoped3A : memref<!tpu.dma_semaphore, #tpu.memory_space<semaphore_mem>>)
      tpu.wait_dma2 semaphore(%run_scoped3A : memref<!tpu.dma_semaphore, #tpu.memory_space<semaphore_mem>>) src(%arg6 : memref<128x128xf32, #tpu.memory_space<hbm>>) dst(%arg10 : memref<128x128xf32, #tpu.memory_space<vmem>>)
      tpu.yield
    }) : () -> ()
    %add3A = arith.constant 0 : i32
    %add3A_1 = arith.addi %mul3A_0, %add3A : i32
    "tpu.region"() ({
      %run_scoped3A = tpu.sem_alloc : memref<!tpu.dma_semaphore, #tpu.memory_space<semaphore_mem>>
      %dma_start3A = arith.constant 0 : i32
      %dma_start3A_38 = tpu.memref_slice %arg13[%add3A_1, %dma_start3A] : memref<10112x128xf32, #tpu.memory_space<vmem_shared>> -> memref<128x128xf32, #tpu.memory_space<vmem_shared>>
      %dma_start3A_39 = arith.constant 0 : i32
      %dma_start3A_40 = tpu.memref_slice %arg13[%add3A_1, %dma_start3A_39] : memref<10112x128xf32, #tpu.memory_space<vmem_shared>> -> memref<128x128xf32, #tpu.memory_space<vmem_shared>>
      tpu.enqueue_dma source(%arg10 : memref<128x128xf32, #tpu.memory_space<vmem>>) target(%dma_start3A_40 : memref<128x128xf32, #tpu.memory_space<vmem_shared>>) target_semaphore(%run_scoped3A : memref<!tpu.dma_semaphore, #tpu.memory_space<semaphore_mem>>)
      %dma_wait3A = arith.constant 0 : i32
      %dma_wait3A_41 = tpu.memref_slice %arg13[%add3A_1, %dma_wait3A] : memref<10112x128xf32, #tpu.memory_space<vmem_shared>> -> memref<128x128xf32, #tpu.memory_space<vmem_shared>>
      %dma_wait3A_42 = arith.constant 0 : i32
      %dma_wait3A_43 = tpu.memref_slice %arg13[%add3A_1, %dma_wait3A_42] : memref<10112x128xf32, #tpu.memory_space<vmem_shared>> -> memref<128x128xf32, #tpu.memory_space<vmem_shared>>
      tpu.wait_dma2 semaphore(%run_scoped3A : memref<!tpu.dma_semaphore, #tpu.memory_space<semaphore_mem>>) src(%arg10 : memref<128x128xf32, #tpu.memory_space<vmem>>) dst(%dma_wait3A_43 : memref<128x128xf32, #tpu.memory_space<vmem_shared>>)
      tpu.yield
    }) : () -> ()
    %add3A_2 = arith.constant 128 : i32
    %add3A_3 = arith.addi %mul3A_0, %add3A_2 : i32
    "tpu.region"() ({
      %run_scoped3A = tpu.sem_alloc : memref<!tpu.dma_semaphore, #tpu.memory_space<semaphore_mem>>
      %dma_start3A = arith.constant 0 : i32
      %dma_start3A_38 = tpu.memref_slice %arg13[%add3A_3, %dma_start3A] : memref<10112x128xf32, #tpu.memory_space<vmem_shared>> -> memref<128x128xf32, #tpu.memory_space<vmem_shared>>
      %dma_start3A_39 = arith.constant 0 : i32
      %dma_start3A_40 = tpu.memref_slice %arg13[%add3A_3, %dma_start3A_39] : memref<10112x128xf32, #tpu.memory_space<vmem_shared>> -> memref<128x128xf32, #tpu.memory_space<vmem_shared>>
      tpu.enqueue_dma source(%arg10 : memref<128x128xf32, #tpu.memory_space<vmem>>) target(%dma_start3A_40 : memref<128x128xf32, #tpu.memory_space<vmem_shared>>) target_semaphore(%run_scoped3A : memref<!tpu.dma_semaphore, #tpu.memory_space<semaphore_mem>>)
      %dma_wait3A = arith.constant 0 : i32
      %dma_wait3A_41 = tpu.memref_slice %arg13[%add3A_3, %dma_wait3A] : memref<10112x128xf32, #tpu.memory_space<vmem_shared>> -> memref<128x128xf32, #tpu.memory_space<vmem_shared>>
      %dma_wait3A_42 = arith.constant 0 : i32
      %dma_wait3A_43 = tpu.memref_slice %arg13[%add3A_3, %dma_wait3A_42] : memref<10112x128xf32, #tpu.memory_space<vmem_shared>> -> memref<128x128xf32, #tpu.memory_space<vmem_shared>>
      tpu.wait_dma2 semaphore(%run_scoped3A : memref<!tpu.dma_semaphore, #tpu.memory_space<semaphore_mem>>) src(%arg10 : memref<128x128xf32, #tpu.memory_space<vmem>>) dst(%dma_wait3A_43 : memref<128x128xf32, #tpu.memory_space<vmem_shared>>)
      tpu.yield
    }) : () -> ()
    %add3A_4 = arith.constant 256 : i32
    %add3A_5 = arith.addi %mul3A_0, %add3A_4 : i32
    "tpu.region"() ({
      %run_scoped3A = tpu.sem_alloc : memref<!tpu.dma_semaphore, #tpu.memory_space<semaphore_mem>>
      %dma_start3A = arith.constant 0 : i32
      %dma_start3A_38 = tpu.memref_slice %arg13[%add3A_5, %dma_start3A] : memref<10112x128xf32, #tpu.memory_space<vmem_shared>> -> memref<128x128xf32, #tpu.memory_space<vmem_shared>>
      %dma_start3A_39 = arith.constant 0 : i32
      %dma_start3A_40 = tpu.memref_slice %arg13[%add3A_5, %dma_start3A_39] : memref<10112x128xf32, #tpu.memory_space<vmem_shared>> -> memref<128x128xf32, #tpu.memory_space<vmem_shared>>
      tpu.enqueue_dma source(%arg10 : memref<128x128xf32, #tpu.memory_space<vmem>>) target(%dma_start3A_40 : memref<128x128xf32, #tpu.memory_space<vmem_shared>>) target_semaphore(%run_scoped3A : memref<!tpu.dma_semaphore, #tpu.memory_space<semaphore_mem>>)
      %dma_wait3A = arith.constant 0 : i32
      %dma_wait3A_41 = tpu.memref_slice %arg13[%add3A_5, %dma_wait3A] : memref<10112x128xf32, #tpu.memory_space<vmem_shared>> -> memref<128x128xf32, #tpu.memory_space<vmem_shared>>
      %dma_wait3A_42 = arith.constant 0 : i32
      %dma_wait3A_43 = tpu.memref_slice %arg13[%add3A_5, %dma_wait3A_42] : memref<10112x128xf32, #tpu.memory_space<vmem_shared>> -> memref<128x128xf32, #tpu.memory_space<vmem_shared>>
      tpu.wait_dma2 semaphore(%run_scoped3A : memref<!tpu.dma_semaphore, #tpu.memory_space<semaphore_mem>>) src(%arg10 : memref<128x128xf32, #tpu.memory_space<vmem>>) dst(%dma_wait3A_43 : memref<128x128xf32, #tpu.memory_space<vmem_shared>>)
      tpu.yield
    }) : () -> ()
    %add3A_6 = arith.constant 384 : i32
    %add3A_7 = arith.addi %mul3A_0, %add3A_6 : i32
    "tpu.region"() ({
      %run_scoped3A = tpu.sem_alloc : memref<!tpu.dma_semaphore, #tpu.memory_space<semaphore_mem>>
      %dma_start3A = arith.constant 0 : i32
      %dma_start3A_38 = tpu.memref_slice %arg13[%add3A_7, %dma_start3A] : memref<10112x128xf32, #tpu.memory_space<vmem_shared>> -> memref<128x128xf32, #tpu.memory_space<vmem_shared>>
      %dma_start3A_39 = arith.constant 0 : i32
      %dma_start3A_40 = tpu.memref_slice %arg13[%add3A_7, %dma_start3A_39] : memref<10112x128xf32, #tpu.memory_space<vmem_shared>> -> memref<128x128xf32, #tpu.memory_space<vmem_shared>>
      tpu.enqueue_dma source(%arg10 : memref<128x128xf32, #tpu.memory_space<vmem>>) target(%dma_start3A_40 : memref<128x128xf32, #tpu.memory_space<vmem_shared>>) target_semaphore(%run_scoped3A : memref<!tpu.dma_semaphore, #tpu.memory_space<semaphore_mem>>)
      %dma_wait3A = arith.constant 0 : i32
      %dma_wait3A_41 = tpu.memref_slice %arg13[%add3A_7, %dma_wait3A] : memref<10112x128xf32, #tpu.memory_space<vmem_shared>> -> memref<128x128xf32, #tpu.memory_space<vmem_shared>>
      %dma_wait3A_42 = arith.constant 0 : i32
      %dma_wait3A_43 = tpu.memref_slice %arg13[%add3A_7, %dma_wait3A_42] : memref<10112x128xf32, #tpu.memory_space<vmem_shared>> -> memref<128x128xf32, #tpu.memory_space<vmem_shared>>
      tpu.wait_dma2 semaphore(%run_scoped3A : memref<!tpu.dma_semaphore, #tpu.memory_space<semaphore_mem>>) src(%arg10 : memref<128x128xf32, #tpu.memory_space<vmem>>) dst(%dma_wait3A_43 : memref<128x128xf32, #tpu.memory_space<vmem_shared>>)
      tpu.yield
    }) : () -> ()
    %add3A_8 = arith.constant 512 : i32
    %add3A_9 = arith.addi %mul3A_0, %add3A_8 : i32
    "tpu.region"() ({
      %run_scoped3A = tpu.sem_alloc : memref<!tpu.dma_semaphore, #tpu.memory_space<semaphore_mem>>
      %dma_start3A = arith.constant 0 : i32
      %dma_start3A_38 = arith.constant 0 : i32
      %dma_start3A_39 = tpu.memref_slice %arg10[%dma_start3A, %dma_start3A_38] : memref<128x128xf32, #tpu.memory_space<vmem>> -> memref<120x128xf32, #tpu.memory_space<vmem>>
      %dma_start3A_40 = arith.constant 0 : i32
      %dma_start3A_41 = tpu.memref_slice %arg13[%add3A_9, %dma_start3A_40] : memref<10112x128xf32, #tpu.memory_space<vmem_shared>> -> memref<120x128xf32, #tpu.memory_space<vmem_shared>>
      %dma_start3A_42 = arith.constant 0 : i32
      %dma_start3A_43 = tpu.memref_slice %arg13[%add3A_9, %dma_start3A_42] : memref<10112x128xf32, #tpu.memory_space<vmem_shared>> -> memref<120x128xf32, #tpu.memory_space<vmem_shared>>
      %dma_start3A_44 = arith.constant 0 : i32
      %dma_start3A_45 = arith.constant 0 : i32
      %dma_start3A_46 = tpu.memref_slice %arg10[%dma_start3A_44, %dma_start3A_45] : memref<128x128xf32, #tpu.memory_space<vmem>> -> memref<120x128xf32, #tpu.memory_space<vmem>>
      tpu.enqueue_dma source(%dma_start3A_46 : memref<120x128xf32, #tpu.memory_space<vmem>>) target(%dma_start3A_43 : memref<120x128xf32, #tpu.memory_space<vmem_shared>>) target_semaphore(%run_scoped3A : memref<!tpu.dma_semaphore, #tpu.memory_space<semaphore_mem>>)
      %dma_wait3A = arith.constant 0 : i32
      %dma_wait3A_47 = arith.constant 0 : i32
      %dma_wait3A_48 = tpu.memref_slice %arg10[%dma_wait3A, %dma_wait3A_47] : memref<128x128xf32, #tpu.memory_space<vmem>> -> memref<120x128xf32, #tpu.memory_space<vmem>>
      %dma_wait3A_49 = arith.constant 0 : i32
      %dma_wait3A_50 = tpu.memref_slice %arg13[%add3A_9, %dma_wait3A_49] : memref<10112x128xf32, #tpu.memory_space<vmem_shared>> -> memref<120x128xf32, #tpu.memory_space<vmem_shared>>
      %dma_wait3A_51 = arith.constant 0 : i32
      %dma_wait3A_52 = tpu.memref_slice %arg13[%add3A_9, %dma_wait3A_51] : memref<10112x128xf32, #tpu.memory_space<vmem_shared>> -> memref<120x128xf32, #tpu.memory_space<vmem_shared>>
      %dma_wait3A_53 = arith.constant 0 : i32
      %dma_wait3A_54 = arith.constant 0 : i32
      %dma_wait3A_55 = tpu.memref_slice %arg10[%dma_wait3A_53, %dma_wait3A_54] : memref<128x128xf32, #tpu.memory_space<vmem>> -> memref<120x128xf32, #tpu.memory_space<vmem>>
      tpu.wait_dma2 semaphore(%run_scoped3A : memref<!tpu.dma_semaphore, #tpu.memory_space<semaphore_mem>>) src(%dma_wait3A_55 : memref<120x128xf32, #tpu.memory_space<vmem>>) dst(%dma_wait3A_52 : memref<120x128xf32, #tpu.memory_space<vmem_shared>>)
      tpu.yield
    }) : () -> ()
    %barrier3A = arith.constant 0 : index
    tpu.barrier barrier_id(%barrier3A)
    %eq3A = arith.constant 0 : i32
    %eq3A_10 = arith.cmpi eq, %arg0, %eq3A : i32
    %convert_element_type3A = arith.extui %eq3A_10 : i1 to i32
    %cond3A = arith.constant 0 : i32
    %cond3A_11 = arith.cmpi ne, %convert_element_type3A, %cond3A : i32
    scf.if %cond3A_11 {
      %scan3A = arith.constant 0 : i32
      %scan3A_38 = arith.constant 0 : i32
      %scan3A_39 = arith.constant 40 : i32
      %scan3A_40 = arith.addi %scan3A_38, %scan3A_39 : i32
      %scan3A_41 = arith.constant 1 : i32
      scf.for %scan3A_43 = %scan3A_38 to %scan3A_40 step %scan3A_41  : i32 {
        %mul3A_44 = arith.constant 4 : i32
        %mul3A_45 = arith.muli %scan3A_43, %mul3A_44 : i32
        "tpu.region"() ({
          %run_scoped3A = tpu.sem_alloc : memref<!tpu.dma_semaphore, #tpu.memory_space<semaphore_mem>>
          %dma_start3A_158 = arith.constant 0 : i32
          %dma_start3A_159 = tpu.memref_slice %arg4[%arg1, %mul3A_45, %dma_start3A_158] : memref<16x160x128xi32, #tpu.memory_space<hbm>> -> memref<1x4x128xi32, #tpu.memory_space<hbm>>
          %dma_start3A_160 = tpu.memref_squeeze %dma_start3A_159 : memref<1x4x128xi32, #tpu.memory_space<hbm>> -> memref<4x128xi32, #tpu.memory_space<hbm>>
          %dma_start3A_161 = arith.constant 0 : i32
          %dma_start3A_162 = tpu.memref_slice %arg4[%arg1, %mul3A_45, %dma_start3A_161] : memref<16x160x128xi32, #tpu.memory_space<hbm>> -> memref<1x4x128xi32, #tpu.memory_space<hbm>>
          %dma_start3A_163 = tpu.memref_squeeze %dma_start3A_162 : memref<1x4x128xi32, #tpu.memory_space<hbm>> -> memref<4x128xi32, #tpu.memory_space<hbm>>
          tpu.enqueue_dma source(%dma_start3A_163 : memref<4x128xi32, #tpu.memory_space<hbm>>) target(%arg8 : memref<4x128xi32, #tpu.memory_space<vmem>>) target_semaphore(%run_scoped3A : memref<!tpu.dma_semaphore, #tpu.memory_space<semaphore_mem>>)
          %dma_wait3A_164 = arith.constant 0 : i32
          %dma_wait3A_165 = tpu.memref_slice %arg4[%arg1, %mul3A_45, %dma_wait3A_164] : memref<16x160x128xi32, #tpu.memory_space<hbm>> -> memref<1x4x128xi32, #tpu.memory_space<hbm>>
          %dma_wait3A_166 = tpu.memref_squeeze %dma_wait3A_165 : memref<1x4x128xi32, #tpu.memory_space<hbm>> -> memref<4x128xi32, #tpu.memory_space<hbm>>
          %dma_wait3A_167 = arith.constant 0 : i32
          %dma_wait3A_168 = tpu.memref_slice %arg4[%arg1, %mul3A_45, %dma_wait3A_167] : memref<16x160x128xi32, #tpu.memory_space<hbm>> -> memref<1x4x128xi32, #tpu.memory_space<hbm>>
          %dma_wait3A_169 = tpu.memref_squeeze %dma_wait3A_168 : memref<1x4x128xi32, #tpu.memory_space<hbm>> -> memref<4x128xi32, #tpu.memory_space<hbm>>
          tpu.wait_dma2 semaphore(%run_scoped3A : memref<!tpu.dma_semaphore, #tpu.memory_space<semaphore_mem>>) src(%dma_wait3A_169 : memref<4x128xi32, #tpu.memory_space<hbm>>) dst(%arg8 : memref<4x128xi32, #tpu.memory_space<vmem>>)
          tpu.yield
        }) : () -> ()
        %mul3A_46 = arith.constant 4 : i32
        %mul3A_47 = arith.muli %scan3A_43, %mul3A_46 : i32
        "tpu.region"() ({
          %run_scoped3A = tpu.sem_alloc : memref<!tpu.dma_semaphore, #tpu.memory_space<semaphore_mem>>
          %dma_start3A_158 = arith.constant 0 : i32
          %dma_start3A_159 = tpu.memref_slice %arg5[%arg1, %mul3A_47, %dma_start3A_158] : memref<16x160x128xi32, #tpu.memory_space<hbm>> -> memref<1x4x128xi32, #tpu.memory_space<hbm>>
          %dma_start3A_160 = tpu.memref_squeeze %dma_start3A_159 : memref<1x4x128xi32, #tpu.memory_space<hbm>> -> memref<4x128xi32, #tpu.memory_space<hbm>>
          %dma_start3A_161 = arith.constant 0 : i32
          %dma_start3A_162 = tpu.memref_slice %arg5[%arg1, %mul3A_47, %dma_start3A_161] : memref<16x160x128xi32, #tpu.memory_space<hbm>> -> memref<1x4x128xi32, #tpu.memory_space<hbm>>
          %dma_start3A_163 = tpu.memref_squeeze %dma_start3A_162 : memref<1x4x128xi32, #tpu.memory_space<hbm>> -> memref<4x128xi32, #tpu.memory_space<hbm>>
          tpu.enqueue_dma source(%dma_start3A_163 : memref<4x128xi32, #tpu.memory_space<hbm>>) target(%arg9 : memref<4x128xi32, #tpu.memory_space<vmem>>) target_semaphore(%run_scoped3A : memref<!tpu.dma_semaphore, #tpu.memory_space<semaphore_mem>>)
          %dma_wait3A_164 = arith.constant 0 : i32
          %dma_wait3A_165 = tpu.memref_slice %arg5[%arg1, %mul3A_47, %dma_wait3A_164] : memref<16x160x128xi32, #tpu.memory_space<hbm>> -> memref<1x4x128xi32, #tpu.memory_space<hbm>>
          %dma_wait3A_166 = tpu.memref_squeeze %dma_wait3A_165 : memref<1x4x128xi32, #tpu.memory_space<hbm>> -> memref<4x128xi32, #tpu.memory_space<hbm>>
          %dma_wait3A_167 = arith.constant 0 : i32
          %dma_wait3A_168 = tpu.memref_slice %arg5[%arg1, %mul3A_47, %dma_wait3A_167] : memref<16x160x128xi32, #tpu.memory_space<hbm>> -> memref<1x4x128xi32, #tpu.memory_space<hbm>>
          %dma_wait3A_169 = tpu.memref_squeeze %dma_wait3A_168 : memref<1x4x128xi32, #tpu.memory_space<hbm>> -> memref<4x128xi32, #tpu.memory_space<hbm>>
          tpu.wait_dma2 semaphore(%run_scoped3A : memref<!tpu.dma_semaphore, #tpu.memory_space<semaphore_mem>>) src(%dma_wait3A_169 : memref<4x128xi32, #tpu.memory_space<hbm>>) dst(%arg9 : memref<4x128xi32, #tpu.memory_space<vmem>>)
          tpu.yield
        }) : () -> ()
        %dma_start3A = arith.constant 0 : i32
        %dma_start3A_48 = arith.constant 0 : i32
        %dma_start3A_49 = tpu.memref_slice %arg8[%dma_start3A, %dma_start3A_48] : memref<4x128xi32, #tpu.memory_space<vmem>> -> memref<1x128xi32, #tpu.memory_space<vmem>>
        %dma_start3A_50 = tpu.memref_squeeze %dma_start3A_49 : memref<1x128xi32, #tpu.memory_space<vmem>> -> memref<128xi32, #tpu.memory_space<vmem>>
        %dma_start3A_51 = arith.constant 0 : i32
        %dma_start3A_52 = arith.constant 0 : i32
        %dma_start3A_53 = tpu.memref_slice %arg2[%dma_start3A_51, %dma_start3A_52] : memref<10112x128xf32, #tpu.memory_space<hbm>> -> memref<10112x128xf32, #tpu.memory_space<hbm>>
        tpu.enqueue_indirect_dma source(%dma_start3A_53 : memref<10112x128xf32, #tpu.memory_space<hbm>>) target(%arg10 : memref<128x128xf32, #tpu.memory_space<vmem>>) offsets(%dma_start3A_50 : memref<128xi32, #tpu.memory_space<vmem>>) semaphore(%arg14 : memref<!tpu.dma_semaphore, #tpu.memory_space<semaphore_mem>>)
        %dma_start3A_54 = arith.constant 1 : i32
        %dma_start3A_55 = arith.constant 0 : i32
        %dma_start3A_56 = tpu.memref_slice %arg8[%dma_start3A_54, %dma_start3A_55] : memref<4x128xi32, #tpu.memory_space<vmem>> -> memref<1x128xi32, #tpu.memory_space<vmem>>
        %dma_start3A_57 = tpu.memref_squeeze %dma_start3A_56 : memref<1x128xi32, #tpu.memory_space<vmem>> -> memref<128xi32, #tpu.memory_space<vmem>>
        %dma_start3A_58 = arith.constant 0 : i32
        %dma_start3A_59 = arith.constant 0 : i32
        %dma_start3A_60 = tpu.memref_slice %arg2[%dma_start3A_58, %dma_start3A_59] : memref<10112x128xf32, #tpu.memory_space<hbm>> -> memref<10112x128xf32, #tpu.memory_space<hbm>>
        tpu.enqueue_indirect_dma source(%dma_start3A_60 : memref<10112x128xf32, #tpu.memory_space<hbm>>) target(%arg11 : memref<128x128xf32, #tpu.memory_space<vmem>>) offsets(%dma_start3A_57 : memref<128xi32, #tpu.memory_space<vmem>>) semaphore(%arg15 : memref<!tpu.dma_semaphore, #tpu.memory_space<semaphore_mem>>)
        %dma_wait3A = arith.constant 0 : i32
        %dma_wait3A_61 = arith.constant 0 : i32
        %dma_wait3A_62 = tpu.memref_slice %arg8[%dma_wait3A, %dma_wait3A_61] : memref<4x128xi32, #tpu.memory_space<vmem>> -> memref<1x128xi32, #tpu.memory_space<vmem>>
        %dma_wait3A_63 = tpu.memref_squeeze %dma_wait3A_62 : memref<1x128xi32, #tpu.memory_space<vmem>> -> memref<128xi32, #tpu.memory_space<vmem>>
        %dma_wait3A_64 = arith.constant 0 : i32
        %dma_wait3A_65 = arith.constant 0 : i32
        %dma_wait3A_66 = tpu.memref_slice %arg2[%dma_wait3A_64, %dma_wait3A_65] : memref<10112x128xf32, #tpu.memory_space<hbm>> -> memref<10112x128xf32, #tpu.memory_space<hbm>>
        tpu.wait_indirect_dma semaphore(%arg14 : memref<!tpu.dma_semaphore, #tpu.memory_space<semaphore_mem>>) src(%dma_wait3A_66 : memref<10112x128xf32, #tpu.memory_space<hbm>>) dst(%arg10 : memref<128x128xf32, #tpu.memory_space<vmem>>)
        %dma_start3A_67 = arith.constant 2 : i32
        %dma_start3A_68 = arith.constant 0 : i32
        %dma_start3A_69 = tpu.memref_slice %arg8[%dma_start3A_67, %dma_start3A_68] : memref<4x128xi32, #tpu.memory_space<vmem>> -> memref<1x128xi32, #tpu.memory_space<vmem>>
        %dma_start3A_70 = tpu.memref_squeeze %dma_start3A_69 : memref<1x128xi32, #tpu.memory_space<vmem>> -> memref<128xi32, #tpu.memory_space<vmem>>
        %dma_start3A_71 = arith.constant 0 : i32
        %dma_start3A_72 = arith.constant 0 : i32
        %dma_start3A_73 = tpu.memref_slice %arg2[%dma_start3A_71, %dma_start3A_72] : memref<10112x128xf32, #tpu.memory_space<hbm>> -> memref<10112x128xf32, #tpu.memory_space<hbm>>
        tpu.enqueue_indirect_dma source(%dma_start3A_73 : memref<10112x128xf32, #tpu.memory_space<hbm>>) target(%arg12 : memref<128x128xf32, #tpu.memory_space<vmem>>) offsets(%dma_start3A_70 : memref<128xi32, #tpu.memory_space<vmem>>) semaphore(%arg14 : memref<!tpu.dma_semaphore, #tpu.memory_space<semaphore_mem>>)
        %dma_start3A_74 = arith.constant 0 : i32
        %dma_start3A_75 = arith.constant 0 : i32
        %dma_start3A_76 = tpu.memref_slice %arg9[%dma_start3A_74, %dma_start3A_75] : memref<4x128xi32, #tpu.memory_space<vmem>> -> memref<1x128xi32, #tpu.memory_space<vmem>>
        %dma_start3A_77 = tpu.memref_squeeze %dma_start3A_76 : memref<1x128xi32, #tpu.memory_space<vmem>> -> memref<128xi32, #tpu.memory_space<vmem>>
        %dma_start3A_78 = arith.constant 0 : i32
        %dma_start3A_79 = arith.constant 0 : i32
        %dma_start3A_80 = tpu.memref_slice %arg13[%dma_start3A_78, %dma_start3A_79] : memref<10112x128xf32, #tpu.memory_space<vmem_shared>> -> memref<10112x128xf32, #tpu.memory_space<vmem_shared>>
        tpu.enqueue_indirect_dma source(%arg10 : memref<128x128xf32, #tpu.memory_space<vmem>>) target(%dma_start3A_80 : memref<10112x128xf32, #tpu.memory_space<vmem_shared>>) offsets(%dma_start3A_77 : memref<128xi32, #tpu.memory_space<vmem>>) semaphore(%arg16 : memref<!tpu.dma_semaphore, #tpu.memory_space<semaphore_mem>>) {add = true}
        %dma_wait3A_81 = arith.constant 1 : i32
        %dma_wait3A_82 = arith.constant 0 : i32
        %dma_wait3A_83 = tpu.memref_slice %arg8[%dma_wait3A_81, %dma_wait3A_82] : memref<4x128xi32, #tpu.memory_space<vmem>> -> memref<1x128xi32, #tpu.memory_space<vmem>>
        %dma_wait3A_84 = tpu.memref_squeeze %dma_wait3A_83 : memref<1x128xi32, #tpu.memory_space<vmem>> -> memref<128xi32, #tpu.memory_space<vmem>>
        %dma_wait3A_85 = arith.constant 0 : i32
        %dma_wait3A_86 = arith.constant 0 : i32
        %dma_wait3A_87 = tpu.memref_slice %arg2[%dma_wait3A_85, %dma_wait3A_86] : memref<10112x128xf32, #tpu.memory_space<hbm>> -> memref<10112x128xf32, #tpu.memory_space<hbm>>
        tpu.wait_indirect_dma semaphore(%arg15 : memref<!tpu.dma_semaphore, #tpu.memory_space<semaphore_mem>>) src(%dma_wait3A_87 : memref<10112x128xf32, #tpu.memory_space<hbm>>) dst(%arg11 : memref<128x128xf32, #tpu.memory_space<vmem>>)
        %dma_wait3A_88 = arith.constant 0 : i32
        %dma_wait3A_89 = arith.constant 0 : i32
        %dma_wait3A_90 = tpu.memref_slice %arg9[%dma_wait3A_88, %dma_wait3A_89] : memref<4x128xi32, #tpu.memory_space<vmem>> -> memref<1x128xi32, #tpu.memory_space<vmem>>
        %dma_wait3A_91 = tpu.memref_squeeze %dma_wait3A_90 : memref<1x128xi32, #tpu.memory_space<vmem>> -> memref<128xi32, #tpu.memory_space<vmem>>
        %dma_wait3A_92 = arith.constant 0 : i32
        %dma_wait3A_93 = arith.constant 0 : i32
        %dma_wait3A_94 = tpu.memref_slice %arg13[%dma_wait3A_92, %dma_wait3A_93] : memref<10112x128xf32, #tpu.memory_space<vmem_shared>> -> memref<10112x128xf32, #tpu.memory_space<vmem_shared>>
        tpu.wait_indirect_dma semaphore(%arg16 : memref<!tpu.dma_semaphore, #tpu.memory_space<semaphore_mem>>) src(%arg10 : memref<128x128xf32, #tpu.memory_space<vmem>>) dst(%dma_wait3A_94 : memref<10112x128xf32, #tpu.memory_space<vmem_shared>>)
        %dma_start3A_95 = arith.constant 3 : i32
        %dma_start3A_96 = arith.constant 0 : i32
        %dma_start3A_97 = tpu.memref_slice %arg8[%dma_start3A_95, %dma_start3A_96] : memref<4x128xi32, #tpu.memory_space<vmem>> -> memref<1x128xi32, #tpu.memory_space<vmem>>
        %dma_start3A_98 = tpu.memref_squeeze %dma_start3A_97 : memref<1x128xi32, #tpu.memory_space<vmem>> -> memref<128xi32, #tpu.memory_space<vmem>>
        %dma_start3A_99 = arith.constant 0 : i32
        %dma_start3A_100 = arith.constant 0 : i32
        %dma_start3A_101 = tpu.memref_slice %arg2[%dma_start3A_99, %dma_start3A_100] : memref<10112x128xf32, #tpu.memory_space<hbm>> -> memref<10112x128xf32, #tpu.memory_space<hbm>>
        tpu.enqueue_indirect_dma source(%dma_start3A_101 : memref<10112x128xf32, #tpu.memory_space<hbm>>) target(%arg10 : memref<128x128xf32, #tpu.memory_space<vmem>>) offsets(%dma_start3A_98 : memref<128xi32, #tpu.memory_space<vmem>>) semaphore(%arg15 : memref<!tpu.dma_semaphore, #tpu.memory_space<semaphore_mem>>)
        %dma_start3A_102 = arith.constant 1 : i32
        %dma_start3A_103 = arith.constant 0 : i32
        %dma_start3A_104 = tpu.memref_slice %arg9[%dma_start3A_102, %dma_start3A_103] : memref<4x128xi32, #tpu.memory_space<vmem>> -> memref<1x128xi32, #tpu.memory_space<vmem>>
        %dma_start3A_105 = tpu.memref_squeeze %dma_start3A_104 : memref<1x128xi32, #tpu.memory_space<vmem>> -> memref<128xi32, #tpu.memory_space<vmem>>
        %dma_start3A_106 = arith.constant 0 : i32
        %dma_start3A_107 = arith.constant 0 : i32
        %dma_start3A_108 = tpu.memref_slice %arg13[%dma_start3A_106, %dma_start3A_107] : memref<10112x128xf32, #tpu.memory_space<vmem_shared>> -> memref<10112x128xf32, #tpu.memory_space<vmem_shared>>
        tpu.enqueue_indirect_dma source(%arg11 : memref<128x128xf32, #tpu.memory_space<vmem>>) target(%dma_start3A_108 : memref<10112x128xf32, #tpu.memory_space<vmem_shared>>) offsets(%dma_start3A_105 : memref<128xi32, #tpu.memory_space<vmem>>) semaphore(%arg17 : memref<!tpu.dma_semaphore, #tpu.memory_space<semaphore_mem>>) {add = true}
        %dma_wait3A_109 = arith.constant 2 : i32
        %dma_wait3A_110 = arith.constant 0 : i32
        %dma_wait3A_111 = tpu.memref_slice %arg8[%dma_wait3A_109, %dma_wait3A_110] : memref<4x128xi32, #tpu.memory_space<vmem>> -> memref<1x128xi32, #tpu.memory_space<vmem>>
        %dma_wait3A_112 = tpu.memref_squeeze %dma_wait3A_111 : memref<1x128xi32, #tpu.memory_space<vmem>> -> memref<128xi32, #tpu.memory_space<vmem>>
        %dma_wait3A_113 = arith.constant 0 : i32
        %dma_wait3A_114 = arith.constant 0 : i32
        %dma_wait3A_115 = tpu.memref_slice %arg2[%dma_wait3A_113, %dma_wait3A_114] : memref<10112x128xf32, #tpu.memory_space<hbm>> -> memref<10112x128xf32, #tpu.memory_space<hbm>>
        tpu.wait_indirect_dma semaphore(%arg14 : memref<!tpu.dma_semaphore, #tpu.memory_space<semaphore_mem>>) src(%dma_wait3A_115 : memref<10112x128xf32, #tpu.memory_space<hbm>>) dst(%arg12 : memref<128x128xf32, #tpu.memory_space<vmem>>)
        %dma_start3A_116 = arith.constant 2 : i32
        %dma_start3A_117 = arith.constant 0 : i32
        %dma_start3A_118 = tpu.memref_slice %arg9[%dma_start3A_116, %dma_start3A_117] : memref<4x128xi32, #tpu.memory_space<vmem>> -> memref<1x128xi32, #tpu.memory_space<vmem>>
        %dma_start3A_119 = tpu.memref_squeeze %dma_start3A_118 : memref<1x128xi32, #tpu.memory_space<vmem>> -> memref<128xi32, #tpu.memory_space<vmem>>
        %dma_start3A_120 = arith.constant 0 : i32
        %dma_start3A_121 = arith.constant 0 : i32
        %dma_start3A_122 = tpu.memref_slice %arg13[%dma_start3A_120, %dma_start3A_121] : memref<10112x128xf32, #tpu.memory_space<vmem_shared>> -> memref<10112x128xf32, #tpu.memory_space<vmem_shared>>
        tpu.enqueue_indirect_dma source(%arg12 : memref<128x128xf32, #tpu.memory_space<vmem>>) target(%dma_start3A_122 : memref<10112x128xf32, #tpu.memory_space<vmem_shared>>) offsets(%dma_start3A_119 : memref<128xi32, #tpu.memory_space<vmem>>) semaphore(%arg16 : memref<!tpu.dma_semaphore, #tpu.memory_space<semaphore_mem>>) {add = true}
        %dma_wait3A_123 = arith.constant 3 : i32
        %dma_wait3A_124 = arith.constant 0 : i32
        %dma_wait3A_125 = tpu.memref_slice %arg8[%dma_wait3A_123, %dma_wait3A_124] : memref<4x128xi32, #tpu.memory_space<vmem>> -> memref<1x128xi32, #tpu.memory_space<vmem>>
        %dma_wait3A_126 = tpu.memref_squeeze %dma_wait3A_125 : memref<1x128xi32, #tpu.memory_space<vmem>> -> memref<128xi32, #tpu.memory_space<vmem>>
        %dma_wait3A_127 = arith.constant 0 : i32
        %dma_wait3A_128 = arith.constant 0 : i32
        %dma_wait3A_129 = tpu.memref_slice %arg2[%dma_wait3A_127, %dma_wait3A_128] : memref<10112x128xf32, #tpu.memory_space<hbm>> -> memref<10112x128xf32, #tpu.memory_space<hbm>>
        tpu.wait_indirect_dma semaphore(%arg15 : memref<!tpu.dma_semaphore, #tpu.memory_space<semaphore_mem>>) src(%dma_wait3A_129 : memref<10112x128xf32, #tpu.memory_space<hbm>>) dst(%arg10 : memref<128x128xf32, #tpu.memory_space<vmem>>)
        %dma_start3A_130 = arith.constant 3 : i32
        %dma_start3A_131 = arith.constant 0 : i32
        %dma_start3A_132 = tpu.memref_slice %arg9[%dma_start3A_130, %dma_start3A_131] : memref<4x128xi32, #tpu.memory_space<vmem>> -> memref<1x128xi32, #tpu.memory_space<vmem>>
        %dma_start3A_133 = tpu.memref_squeeze %dma_start3A_132 : memref<1x128xi32, #tpu.memory_space<vmem>> -> memref<128xi32, #tpu.memory_space<vmem>>
        %dma_start3A_134 = arith.constant 0 : i32
        %dma_start3A_135 = arith.constant 0 : i32
        %dma_start3A_136 = tpu.memref_slice %arg13[%dma_start3A_134, %dma_start3A_135] : memref<10112x128xf32, #tpu.memory_space<vmem_shared>> -> memref<10112x128xf32, #tpu.memory_space<vmem_shared>>
        tpu.enqueue_indirect_dma source(%arg10 : memref<128x128xf32, #tpu.memory_space<vmem>>) target(%dma_start3A_136 : memref<10112x128xf32, #tpu.memory_space<vmem_shared>>) offsets(%dma_start3A_133 : memref<128xi32, #tpu.memory_space<vmem>>) semaphore(%arg17 : memref<!tpu.dma_semaphore, #tpu.memory_space<semaphore_mem>>) {add = true}
        %dma_wait3A_137 = arith.constant 1 : i32
        %dma_wait3A_138 = arith.constant 0 : i32
        %dma_wait3A_139 = tpu.memref_slice %arg9[%dma_wait3A_137, %dma_wait3A_138] : memref<4x128xi32, #tpu.memory_space<vmem>> -> memref<1x128xi32, #tpu.memory_space<vmem>>
        %dma_wait3A_140 = tpu.memref_squeeze %dma_wait3A_139 : memref<1x128xi32, #tpu.memory_space<vmem>> -> memref<128xi32, #tpu.memory_space<vmem>>
        %dma_wait3A_141 = arith.constant 0 : i32
        %dma_wait3A_142 = arith.constant 0 : i32
        %dma_wait3A_143 = tpu.memref_slice %arg13[%dma_wait3A_141, %dma_wait3A_142] : memref<10112x128xf32, #tpu.memory_space<vmem_shared>> -> memref<10112x128xf32, #tpu.memory_space<vmem_shared>>
        tpu.wait_indirect_dma semaphore(%arg17 : memref<!tpu.dma_semaphore, #tpu.memory_space<semaphore_mem>>) src(%arg11 : memref<128x128xf32, #tpu.memory_space<vmem>>) dst(%dma_wait3A_143 : memref<10112x128xf32, #tpu.memory_space<vmem_shared>>)
        %dma_wait3A_144 = arith.constant 2 : i32
        %dma_wait3A_145 = arith.constant 0 : i32
        %dma_wait3A_146 = tpu.memref_slice %arg9[%dma_wait3A_144, %dma_wait3A_145] : memref<4x128xi32, #tpu.memory_space<vmem>> -> memref<1x128xi32, #tpu.memory_space<vmem>>
        %dma_wait3A_147 = tpu.memref_squeeze %dma_wait3A_146 : memref<1x128xi32, #tpu.memory_space<vmem>> -> memref<128xi32, #tpu.memory_space<vmem>>
        %dma_wait3A_148 = arith.constant 0 : i32
        %dma_wait3A_149 = arith.constant 0 : i32
        %dma_wait3A_150 = tpu.memref_slice %arg13[%dma_wait3A_148, %dma_wait3A_149] : memref<10112x128xf32, #tpu.memory_space<vmem_shared>> -> memref<10112x128xf32, #tpu.memory_space<vmem_shared>>
        tpu.wait_indirect_dma semaphore(%arg16 : memref<!tpu.dma_semaphore, #tpu.memory_space<semaphore_mem>>) src(%arg12 : memref<128x128xf32, #tpu.memory_space<vmem>>) dst(%dma_wait3A_150 : memref<10112x128xf32, #tpu.memory_space<vmem_shared>>)
        %dma_wait3A_151 = arith.constant 3 : i32
        %dma_wait3A_152 = arith.constant 0 : i32
        %dma_wait3A_153 = tpu.memref_slice %arg9[%dma_wait3A_151, %dma_wait3A_152] : memref<4x128xi32, #tpu.memory_space<vmem>> -> memref<1x128xi32, #tpu.memory_space<vmem>>
        %dma_wait3A_154 = tpu.memref_squeeze %dma_wait3A_153 : memref<1x128xi32, #tpu.memory_space<vmem>> -> memref<128xi32, #tpu.memory_space<vmem>>
        %dma_wait3A_155 = arith.constant 0 : i32
        %dma_wait3A_156 = arith.constant 0 : i32
        %dma_wait3A_157 = tpu.memref_slice %arg13[%dma_wait3A_155, %dma_wait3A_156] : memref<10112x128xf32, #tpu.memory_space<vmem_shared>> -> memref<10112x128xf32, #tpu.memory_space<vmem_shared>>
        tpu.wait_indirect_dma semaphore(%arg17 : memref<!tpu.dma_semaphore, #tpu.memory_space<semaphore_mem>>) src(%arg10 : memref<128x128xf32, #tpu.memory_space<vmem>>) dst(%dma_wait3A_157 : memref<10112x128xf32, #tpu.memory_space<vmem_shared>>)
      }
      %scan3A_42 = arith.constant 40 : i32
    } else {
    }
    %eq3A_12 = arith.constant 1 : i32
    %eq3A_13 = arith.cmpi eq, %arg0, %eq3A_12 : i32
    %convert_element_type3A_14 = arith.extui %eq3A_13 : i1 to i32
    %cond3A_15 = arith.constant 0 : i32
    %cond3A_16 = arith.cmpi ne, %convert_element_type3A_14, %cond3A_15 : i32
    scf.if %cond3A_16 {
      %scan3A = arith.constant 0 : i32
      %scan3A_38 = arith.constant 0 : i32
      %scan3A_39 = arith.constant 40 : i32
      %scan3A_40 = arith.addi %scan3A_38, %scan3A_39 : i32
      %scan3A_41 = arith.constant 1 : i32
      scf.for %scan3A_43 = %scan3A_38 to %scan3A_40 step %scan3A_41  : i32 {
        %mul3A_44 = arith.constant 4 : i32
        %mul3A_45 = arith.muli %scan3A_43, %mul3A_44 : i32
        "tpu.region"() ({
          %run_scoped3A = tpu.sem_alloc : memref<!tpu.dma_semaphore, #tpu.memory_space<semaphore_mem>>
          %dma_start3A_158 = arith.constant 0 : i32
          %dma_start3A_159 = tpu.memref_slice %arg4[%arg1, %mul3A_45, %dma_start3A_158] : memref<16x160x128xi32, #tpu.memory_space<hbm>> -> memref<1x4x128xi32, #tpu.memory_space<hbm>>
          %dma_start3A_160 = tpu.memref_squeeze %dma_start3A_159 : memref<1x4x128xi32, #tpu.memory_space<hbm>> -> memref<4x128xi32, #tpu.memory_space<hbm>>
          %dma_start3A_161 = arith.constant 0 : i32
          %dma_start3A_162 = tpu.memref_slice %arg4[%arg1, %mul3A_45, %dma_start3A_161] : memref<16x160x128xi32, #tpu.memory_space<hbm>> -> memref<1x4x128xi32, #tpu.memory_space<hbm>>
          %dma_start3A_163 = tpu.memref_squeeze %dma_start3A_162 : memref<1x4x128xi32, #tpu.memory_space<hbm>> -> memref<4x128xi32, #tpu.memory_space<hbm>>
          tpu.enqueue_dma source(%dma_start3A_163 : memref<4x128xi32, #tpu.memory_space<hbm>>) target(%arg8 : memref<4x128xi32, #tpu.memory_space<vmem>>) target_semaphore(%run_scoped3A : memref<!tpu.dma_semaphore, #tpu.memory_space<semaphore_mem>>)
          %dma_wait3A_164 = arith.constant 0 : i32
          %dma_wait3A_165 = tpu.memref_slice %arg4[%arg1, %mul3A_45, %dma_wait3A_164] : memref<16x160x128xi32, #tpu.memory_space<hbm>> -> memref<1x4x128xi32, #tpu.memory_space<hbm>>
          %dma_wait3A_166 = tpu.memref_squeeze %dma_wait3A_165 : memref<1x4x128xi32, #tpu.memory_space<hbm>> -> memref<4x128xi32, #tpu.memory_space<hbm>>
          %dma_wait3A_167 = arith.constant 0 : i32
          %dma_wait3A_168 = tpu.memref_slice %arg4[%arg1, %mul3A_45, %dma_wait3A_167] : memref<16x160x128xi32, #tpu.memory_space<hbm>> -> memref<1x4x128xi32, #tpu.memory_space<hbm>>
          %dma_wait3A_169 = tpu.memref_squeeze %dma_wait3A_168 : memref<1x4x128xi32, #tpu.memory_space<hbm>> -> memref<4x128xi32, #tpu.memory_space<hbm>>
          tpu.wait_dma2 semaphore(%run_scoped3A : memref<!tpu.dma_semaphore, #tpu.memory_space<semaphore_mem>>) src(%dma_wait3A_169 : memref<4x128xi32, #tpu.memory_space<hbm>>) dst(%arg8 : memref<4x128xi32, #tpu.memory_space<vmem>>)
          tpu.yield
        }) : () -> ()
        %mul3A_46 = arith.constant 4 : i32
        %mul3A_47 = arith.muli %scan3A_43, %mul3A_46 : i32
        "tpu.region"() ({
          %run_scoped3A = tpu.sem_alloc : memref<!tpu.dma_semaphore, #tpu.memory_space<semaphore_mem>>
          %dma_start3A_158 = arith.constant 0 : i32
          %dma_start3A_159 = tpu.memref_slice %arg5[%arg1, %mul3A_47, %dma_start3A_158] : memref<16x160x128xi32, #tpu.memory_space<hbm>> -> memref<1x4x128xi32, #tpu.memory_space<hbm>>
          %dma_start3A_160 = tpu.memref_squeeze %dma_start3A_159 : memref<1x4x128xi32, #tpu.memory_space<hbm>> -> memref<4x128xi32, #tpu.memory_space<hbm>>
          %dma_start3A_161 = arith.constant 0 : i32
          %dma_start3A_162 = tpu.memref_slice %arg5[%arg1, %mul3A_47, %dma_start3A_161] : memref<16x160x128xi32, #tpu.memory_space<hbm>> -> memref<1x4x128xi32, #tpu.memory_space<hbm>>
          %dma_start3A_163 = tpu.memref_squeeze %dma_start3A_162 : memref<1x4x128xi32, #tpu.memory_space<hbm>> -> memref<4x128xi32, #tpu.memory_space<hbm>>
          tpu.enqueue_dma source(%dma_start3A_163 : memref<4x128xi32, #tpu.memory_space<hbm>>) target(%arg9 : memref<4x128xi32, #tpu.memory_space<vmem>>) target_semaphore(%run_scoped3A : memref<!tpu.dma_semaphore, #tpu.memory_space<semaphore_mem>>)
          %dma_wait3A_164 = arith.constant 0 : i32
          %dma_wait3A_165 = tpu.memref_slice %arg5[%arg1, %mul3A_47, %dma_wait3A_164] : memref<16x160x128xi32, #tpu.memory_space<hbm>> -> memref<1x4x128xi32, #tpu.memory_space<hbm>>
          %dma_wait3A_166 = tpu.memref_squeeze %dma_wait3A_165 : memref<1x4x128xi32, #tpu.memory_space<hbm>> -> memref<4x128xi32, #tpu.memory_space<hbm>>
          %dma_wait3A_167 = arith.constant 0 : i32
          %dma_wait3A_168 = tpu.memref_slice %arg5[%arg1, %mul3A_47, %dma_wait3A_167] : memref<16x160x128xi32, #tpu.memory_space<hbm>> -> memref<1x4x128xi32, #tpu.memory_space<hbm>>
          %dma_wait3A_169 = tpu.memref_squeeze %dma_wait3A_168 : memref<1x4x128xi32, #tpu.memory_space<hbm>> -> memref<4x128xi32, #tpu.memory_space<hbm>>
          tpu.wait_dma2 semaphore(%run_scoped3A : memref<!tpu.dma_semaphore, #tpu.memory_space<semaphore_mem>>) src(%dma_wait3A_169 : memref<4x128xi32, #tpu.memory_space<hbm>>) dst(%arg9 : memref<4x128xi32, #tpu.memory_space<vmem>>)
          tpu.yield
        }) : () -> ()
        %dma_start3A = arith.constant 0 : i32
        %dma_start3A_48 = arith.constant 0 : i32
        %dma_start3A_49 = tpu.memref_slice %arg9[%dma_start3A, %dma_start3A_48] : memref<4x128xi32, #tpu.memory_space<vmem>> -> memref<1x128xi32, #tpu.memory_space<vmem>>
        %dma_start3A_50 = tpu.memref_squeeze %dma_start3A_49 : memref<1x128xi32, #tpu.memory_space<vmem>> -> memref<128xi32, #tpu.memory_space<vmem>>
        %dma_start3A_51 = arith.constant 0 : i32
        %dma_start3A_52 = arith.constant 0 : i32
        %dma_start3A_53 = tpu.memref_slice %arg3[%dma_start3A_51, %dma_start3A_52] : memref<10112x128xf32, #tpu.memory_space<hbm>> -> memref<10112x128xf32, #tpu.memory_space<hbm>>
        tpu.enqueue_indirect_dma source(%dma_start3A_53 : memref<10112x128xf32, #tpu.memory_space<hbm>>) target(%arg10 : memref<128x128xf32, #tpu.memory_space<vmem>>) offsets(%dma_start3A_50 : memref<128xi32, #tpu.memory_space<vmem>>) semaphore(%arg14 : memref<!tpu.dma_semaphore, #tpu.memory_space<semaphore_mem>>)
        %dma_start3A_54 = arith.constant 1 : i32
        %dma_start3A_55 = arith.constant 0 : i32
        %dma_start3A_56 = tpu.memref_slice %arg9[%dma_start3A_54, %dma_start3A_55] : memref<4x128xi32, #tpu.memory_space<vmem>> -> memref<1x128xi32, #tpu.memory_space<vmem>>
        %dma_start3A_57 = tpu.memref_squeeze %dma_start3A_56 : memref<1x128xi32, #tpu.memory_space<vmem>> -> memref<128xi32, #tpu.memory_space<vmem>>
        %dma_start3A_58 = arith.constant 0 : i32
        %dma_start3A_59 = arith.constant 0 : i32
        %dma_start3A_60 = tpu.memref_slice %arg3[%dma_start3A_58, %dma_start3A_59] : memref<10112x128xf32, #tpu.memory_space<hbm>> -> memref<10112x128xf32, #tpu.memory_space<hbm>>
        tpu.enqueue_indirect_dma source(%dma_start3A_60 : memref<10112x128xf32, #tpu.memory_space<hbm>>) target(%arg11 : memref<128x128xf32, #tpu.memory_space<vmem>>) offsets(%dma_start3A_57 : memref<128xi32, #tpu.memory_space<vmem>>) semaphore(%arg15 : memref<!tpu.dma_semaphore, #tpu.memory_space<semaphore_mem>>)
        %dma_wait3A = arith.constant 0 : i32
        %dma_wait3A_61 = arith.constant 0 : i32
        %dma_wait3A_62 = tpu.memref_slice %arg9[%dma_wait3A, %dma_wait3A_61] : memref<4x128xi32, #tpu.memory_space<vmem>> -> memref<1x128xi32, #tpu.memory_space<vmem>>
        %dma_wait3A_63 = tpu.memref_squeeze %dma_wait3A_62 : memref<1x128xi32, #tpu.memory_space<vmem>> -> memref<128xi32, #tpu.memory_space<vmem>>
        %dma_wait3A_64 = arith.constant 0 : i32
        %dma_wait3A_65 = arith.constant 0 : i32
        %dma_wait3A_66 = tpu.memref_slice %arg3[%dma_wait3A_64, %dma_wait3A_65] : memref<10112x128xf32, #tpu.memory_space<hbm>> -> memref<10112x128xf32, #tpu.memory_space<hbm>>
        tpu.wait_indirect_dma semaphore(%arg14 : memref<!tpu.dma_semaphore, #tpu.memory_space<semaphore_mem>>) src(%dma_wait3A_66 : memref<10112x128xf32, #tpu.memory_space<hbm>>) dst(%arg10 : memref<128x128xf32, #tpu.memory_space<vmem>>)
        %dma_start3A_67 = arith.constant 2 : i32
        %dma_start3A_68 = arith.constant 0 : i32
        %dma_start3A_69 = tpu.memref_slice %arg9[%dma_start3A_67, %dma_start3A_68] : memref<4x128xi32, #tpu.memory_space<vmem>> -> memref<1x128xi32, #tpu.memory_space<vmem>>
        %dma_start3A_70 = tpu.memref_squeeze %dma_start3A_69 : memref<1x128xi32, #tpu.memory_space<vmem>> -> memref<128xi32, #tpu.memory_space<vmem>>
        %dma_start3A_71 = arith.constant 0 : i32
        %dma_start3A_72 = arith.constant 0 : i32
        %dma_start3A_73 = tpu.memref_slice %arg3[%dma_start3A_71, %dma_start3A_72] : memref<10112x128xf32, #tpu.memory_space<hbm>> -> memref<10112x128xf32, #tpu.memory_space<hbm>>
        tpu.enqueue_indirect_dma source(%dma_start3A_73 : memref<10112x128xf32, #tpu.memory_space<hbm>>) target(%arg12 : memref<128x128xf32, #tpu.memory_space<vmem>>) offsets(%dma_start3A_70 : memref<128xi32, #tpu.memory_space<vmem>>) semaphore(%arg14 : memref<!tpu.dma_semaphore, #tpu.memory_space<semaphore_mem>>)
        %dma_start3A_74 = arith.constant 0 : i32
        %dma_start3A_75 = arith.constant 0 : i32
        %dma_start3A_76 = tpu.memref_slice %arg8[%dma_start3A_74, %dma_start3A_75] : memref<4x128xi32, #tpu.memory_space<vmem>> -> memref<1x128xi32, #tpu.memory_space<vmem>>
        %dma_start3A_77 = tpu.memref_squeeze %dma_start3A_76 : memref<1x128xi32, #tpu.memory_space<vmem>> -> memref<128xi32, #tpu.memory_space<vmem>>
        %dma_start3A_78 = arith.constant 0 : i32
        %dma_start3A_79 = arith.constant 0 : i32
        %dma_start3A_80 = tpu.memref_slice %arg13[%dma_start3A_78, %dma_start3A_79] : memref<10112x128xf32, #tpu.memory_space<vmem_shared>> -> memref<10112x128xf32, #tpu.memory_space<vmem_shared>>
        tpu.enqueue_indirect_dma source(%arg10 : memref<128x128xf32, #tpu.memory_space<vmem>>) target(%dma_start3A_80 : memref<10112x128xf32, #tpu.memory_space<vmem_shared>>) offsets(%dma_start3A_77 : memref<128xi32, #tpu.memory_space<vmem>>) semaphore(%arg16 : memref<!tpu.dma_semaphore, #tpu.memory_space<semaphore_mem>>) {add = true}
        %dma_wait3A_81 = arith.constant 1 : i32
        %dma_wait3A_82 = arith.constant 0 : i32
        %dma_wait3A_83 = tpu.memref_slice %arg9[%dma_wait3A_81, %dma_wait3A_82] : memref<4x128xi32, #tpu.memory_space<vmem>> -> memref<1x128xi32, #tpu.memory_space<vmem>>
        %dma_wait3A_84 = tpu.memref_squeeze %dma_wait3A_83 : memref<1x128xi32, #tpu.memory_space<vmem>> -> memref<128xi32, #tpu.memory_space<vmem>>
        %dma_wait3A_85 = arith.constant 0 : i32
        %dma_wait3A_86 = arith.constant 0 : i32
        %dma_wait3A_87 = tpu.memref_slice %arg3[%dma_wait3A_85, %dma_wait3A_86] : memref<10112x128xf32, #tpu.memory_space<hbm>> -> memref<10112x128xf32, #tpu.memory_space<hbm>>
        tpu.wait_indirect_dma semaphore(%arg15 : memref<!tpu.dma_semaphore, #tpu.memory_space<semaphore_mem>>) src(%dma_wait3A_87 : memref<10112x128xf32, #tpu.memory_space<hbm>>) dst(%arg11 : memref<128x128xf32, #tpu.memory_space<vmem>>)
        %dma_wait3A_88 = arith.constant 0 : i32
        %dma_wait3A_89 = arith.constant 0 : i32
        %dma_wait3A_90 = tpu.memref_slice %arg8[%dma_wait3A_88, %dma_wait3A_89] : memref<4x128xi32, #tpu.memory_space<vmem>> -> memref<1x128xi32, #tpu.memory_space<vmem>>
        %dma_wait3A_91 = tpu.memref_squeeze %dma_wait3A_90 : memref<1x128xi32, #tpu.memory_space<vmem>> -> memref<128xi32, #tpu.memory_space<vmem>>
        %dma_wait3A_92 = arith.constant 0 : i32
        %dma_wait3A_93 = arith.constant 0 : i32
        %dma_wait3A_94 = tpu.memref_slice %arg13[%dma_wait3A_92, %dma_wait3A_93] : memref<10112x128xf32, #tpu.memory_space<vmem_shared>> -> memref<10112x128xf32, #tpu.memory_space<vmem_shared>>
        tpu.wait_indirect_dma semaphore(%arg16 : memref<!tpu.dma_semaphore, #tpu.memory_space<semaphore_mem>>) src(%arg10 : memref<128x128xf32, #tpu.memory_space<vmem>>) dst(%dma_wait3A_94 : memref<10112x128xf32, #tpu.memory_space<vmem_shared>>)
        %dma_start3A_95 = arith.constant 3 : i32
        %dma_start3A_96 = arith.constant 0 : i32
        %dma_start3A_97 = tpu.memref_slice %arg9[%dma_start3A_95, %dma_start3A_96] : memref<4x128xi32, #tpu.memory_space<vmem>> -> memref<1x128xi32, #tpu.memory_space<vmem>>
        %dma_start3A_98 = tpu.memref_squeeze %dma_start3A_97 : memref<1x128xi32, #tpu.memory_space<vmem>> -> memref<128xi32, #tpu.memory_space<vmem>>
        %dma_start3A_99 = arith.constant 0 : i32
        %dma_start3A_100 = arith.constant 0 : i32
        %dma_start3A_101 = tpu.memref_slice %arg3[%dma_start3A_99, %dma_start3A_100] : memref<10112x128xf32, #tpu.memory_space<hbm>> -> memref<10112x128xf32, #tpu.memory_space<hbm>>
        tpu.enqueue_indirect_dma source(%dma_start3A_101 : memref<10112x128xf32, #tpu.memory_space<hbm>>) target(%arg10 : memref<128x128xf32, #tpu.memory_space<vmem>>) offsets(%dma_start3A_98 : memref<128xi32, #tpu.memory_space<vmem>>) semaphore(%arg15 : memref<!tpu.dma_semaphore, #tpu.memory_space<semaphore_mem>>)
        %dma_start3A_102 = arith.constant 1 : i32
        %dma_start3A_103 = arith.constant 0 : i32
        %dma_start3A_104 = tpu.memref_slice %arg8[%dma_start3A_102, %dma_start3A_103] : memref<4x128xi32, #tpu.memory_space<vmem>> -> memref<1x128xi32, #tpu.memory_space<vmem>>
        %dma_start3A_105 = tpu.memref_squeeze %dma_start3A_104 : memref<1x128xi32, #tpu.memory_space<vmem>> -> memref<128xi32, #tpu.memory_space<vmem>>
        %dma_start3A_106 = arith.constant 0 : i32
        %dma_start3A_107 = arith.constant 0 : i32
        %dma_start3A_108 = tpu.memref_slice %arg13[%dma_start3A_106, %dma_start3A_107] : memref<10112x128xf32, #tpu.memory_space<vmem_shared>> -> memref<10112x128xf32, #tpu.memory_space<vmem_shared>>
        tpu.enqueue_indirect_dma source(%arg11 : memref<128x128xf32, #tpu.memory_space<vmem>>) target(%dma_start3A_108 : memref<10112x128xf32, #tpu.memory_space<vmem_shared>>) offsets(%dma_start3A_105 : memref<128xi32, #tpu.memory_space<vmem>>) semaphore(%arg17 : memref<!tpu.dma_semaphore, #tpu.memory_space<semaphore_mem>>) {add = true}
        %dma_wait3A_109 = arith.constant 2 : i32
        %dma_wait3A_110 = arith.constant 0 : i32
        %dma_wait3A_111 = tpu.memref_slice %arg9[%dma_wait3A_109, %dma_wait3A_110] : memref<4x128xi32, #tpu.memory_space<vmem>> -> memref<1x128xi32, #tpu.memory_space<vmem>>
        %dma_wait3A_112 = tpu.memref_squeeze %dma_wait3A_111 : memref<1x128xi32, #tpu.memory_space<vmem>> -> memref<128xi32, #tpu.memory_space<vmem>>
        %dma_wait3A_113 = arith.constant 0 : i32
        %dma_wait3A_114 = arith.constant 0 : i32
        %dma_wait3A_115 = tpu.memref_slice %arg3[%dma_wait3A_113, %dma_wait3A_114] : memref<10112x128xf32, #tpu.memory_space<hbm>> -> memref<10112x128xf32, #tpu.memory_space<hbm>>
        tpu.wait_indirect_dma semaphore(%arg14 : memref<!tpu.dma_semaphore, #tpu.memory_space<semaphore_mem>>) src(%dma_wait3A_115 : memref<10112x128xf32, #tpu.memory_space<hbm>>) dst(%arg12 : memref<128x128xf32, #tpu.memory_space<vmem>>)
        %dma_start3A_116 = arith.constant 2 : i32
        %dma_start3A_117 = arith.constant 0 : i32
        %dma_start3A_118 = tpu.memref_slice %arg8[%dma_start3A_116, %dma_start3A_117] : memref<4x128xi32, #tpu.memory_space<vmem>> -> memref<1x128xi32, #tpu.memory_space<vmem>>
        %dma_start3A_119 = tpu.memref_squeeze %dma_start3A_118 : memref<1x128xi32, #tpu.memory_space<vmem>> -> memref<128xi32, #tpu.memory_space<vmem>>
        %dma_start3A_120 = arith.constant 0 : i32
        %dma_start3A_121 = arith.constant 0 : i32
        %dma_start3A_122 = tpu.memref_slice %arg13[%dma_start3A_120, %dma_start3A_121] : memref<10112x128xf32, #tpu.memory_space<vmem_shared>> -> memref<10112x128xf32, #tpu.memory_space<vmem_shared>>
        tpu.enqueue_indirect_dma source(%arg12 : memref<128x128xf32, #tpu.memory_space<vmem>>) target(%dma_start3A_122 : memref<10112x128xf32, #tpu.memory_space<vmem_shared>>) offsets(%dma_start3A_119 : memref<128xi32, #tpu.memory_space<vmem>>) semaphore(%arg16 : memref<!tpu.dma_semaphore, #tpu.memory_space<semaphore_mem>>) {add = true}
        %dma_wait3A_123 = arith.constant 3 : i32
        %dma_wait3A_124 = arith.constant 0 : i32
        %dma_wait3A_125 = tpu.memref_slice %arg9[%dma_wait3A_123, %dma_wait3A_124] : memref<4x128xi32, #tpu.memory_space<vmem>> -> memref<1x128xi32, #tpu.memory_space<vmem>>
        %dma_wait3A_126 = tpu.memref_squeeze %dma_wait3A_125 : memref<1x128xi32, #tpu.memory_space<vmem>> -> memref<128xi32, #tpu.memory_space<vmem>>
        %dma_wait3A_127 = arith.constant 0 : i32
        %dma_wait3A_128 = arith.constant 0 : i32
        %dma_wait3A_129 = tpu.memref_slice %arg3[%dma_wait3A_127, %dma_wait3A_128] : memref<10112x128xf32, #tpu.memory_space<hbm>> -> memref<10112x128xf32, #tpu.memory_space<hbm>>
        tpu.wait_indirect_dma semaphore(%arg15 : memref<!tpu.dma_semaphore, #tpu.memory_space<semaphore_mem>>) src(%dma_wait3A_129 : memref<10112x128xf32, #tpu.memory_space<hbm>>) dst(%arg10 : memref<128x128xf32, #tpu.memory_space<vmem>>)
        %dma_start3A_130 = arith.constant 3 : i32
        %dma_start3A_131 = arith.constant 0 : i32
        %dma_start3A_132 = tpu.memref_slice %arg8[%dma_start3A_130, %dma_start3A_131] : memref<4x128xi32, #tpu.memory_space<vmem>> -> memref<1x128xi32, #tpu.memory_space<vmem>>
        %dma_start3A_133 = tpu.memref_squeeze %dma_start3A_132 : memref<1x128xi32, #tpu.memory_space<vmem>> -> memref<128xi32, #tpu.memory_space<vmem>>
        %dma_start3A_134 = arith.constant 0 : i32
        %dma_start3A_135 = arith.constant 0 : i32
        %dma_start3A_136 = tpu.memref_slice %arg13[%dma_start3A_134, %dma_start3A_135] : memref<10112x128xf32, #tpu.memory_space<vmem_shared>> -> memref<10112x128xf32, #tpu.memory_space<vmem_shared>>
        tpu.enqueue_indirect_dma source(%arg10 : memref<128x128xf32, #tpu.memory_space<vmem>>) target(%dma_start3A_136 : memref<10112x128xf32, #tpu.memory_space<vmem_shared>>) offsets(%dma_start3A_133 : memref<128xi32, #tpu.memory_space<vmem>>) semaphore(%arg17 : memref<!tpu.dma_semaphore, #tpu.memory_space<semaphore_mem>>) {add = true}
        %dma_wait3A_137 = arith.constant 1 : i32
        %dma_wait3A_138 = arith.constant 0 : i32
        %dma_wait3A_139 = tpu.memref_slice %arg8[%dma_wait3A_137, %dma_wait3A_138] : memref<4x128xi32, #tpu.memory_space<vmem>> -> memref<1x128xi32, #tpu.memory_space<vmem>>
        %dma_wait3A_140 = tpu.memref_squeeze %dma_wait3A_139 : memref<1x128xi32, #tpu.memory_space<vmem>> -> memref<128xi32, #tpu.memory_space<vmem>>
        %dma_wait3A_141 = arith.constant 0 : i32
        %dma_wait3A_142 = arith.constant 0 : i32
        %dma_wait3A_143 = tpu.memref_slice %arg13[%dma_wait3A_141, %dma_wait3A_142] : memref<10112x128xf32, #tpu.memory_space<vmem_shared>> -> memref<10112x128xf32, #tpu.memory_space<vmem_shared>>
        tpu.wait_indirect_dma semaphore(%arg17 : memref<!tpu.dma_semaphore, #tpu.memory_space<semaphore_mem>>) src(%arg11 : memref<128x128xf32, #tpu.memory_space<vmem>>) dst(%dma_wait3A_143 : memref<10112x128xf32, #tpu.memory_space<vmem_shared>>)
        %dma_wait3A_144 = arith.constant 2 : i32
        %dma_wait3A_145 = arith.constant 0 : i32
        %dma_wait3A_146 = tpu.memref_slice %arg8[%dma_wait3A_144, %dma_wait3A_145] : memref<4x128xi32, #tpu.memory_space<vmem>> -> memref<1x128xi32, #tpu.memory_space<vmem>>
        %dma_wait3A_147 = tpu.memref_squeeze %dma_wait3A_146 : memref<1x128xi32, #tpu.memory_space<vmem>> -> memref<128xi32, #tpu.memory_space<vmem>>
        %dma_wait3A_148 = arith.constant 0 : i32
        %dma_wait3A_149 = arith.constant 0 : i32
        %dma_wait3A_150 = tpu.memref_slice %arg13[%dma_wait3A_148, %dma_wait3A_149] : memref<10112x128xf32, #tpu.memory_space<vmem_shared>> -> memref<10112x128xf32, #tpu.memory_space<vmem_shared>>
        tpu.wait_indirect_dma semaphore(%arg16 : memref<!tpu.dma_semaphore, #tpu.memory_space<semaphore_mem>>) src(%arg12 : memref<128x128xf32, #tpu.memory_space<vmem>>) dst(%dma_wait3A_150 : memref<10112x128xf32, #tpu.memory_space<vmem_shared>>)
        %dma_wait3A_151 = arith.constant 3 : i32
        %dma_wait3A_152 = arith.constant 0 : i32
        %dma_wait3A_153 = tpu.memref_slice %arg8[%dma_wait3A_151, %dma_wait3A_152] : memref<4x128xi32, #tpu.memory_space<vmem>> -> memref<1x128xi32, #tpu.memory_space<vmem>>
        %dma_wait3A_154 = tpu.memref_squeeze %dma_wait3A_153 : memref<1x128xi32, #tpu.memory_space<vmem>> -> memref<128xi32, #tpu.memory_space<vmem>>
        %dma_wait3A_155 = arith.constant 0 : i32
        %dma_wait3A_156 = arith.constant 0 : i32
        %dma_wait3A_157 = tpu.memref_slice %arg13[%dma_wait3A_155, %dma_wait3A_156] : memref<10112x128xf32, #tpu.memory_space<vmem_shared>> -> memref<10112x128xf32, #tpu.memory_space<vmem_shared>>
        tpu.wait_indirect_dma semaphore(%arg17 : memref<!tpu.dma_semaphore, #tpu.memory_space<semaphore_mem>>) src(%arg10 : memref<128x128xf32, #tpu.memory_space<vmem>>) dst(%dma_wait3A_157 : memref<10112x128xf32, #tpu.memory_space<vmem_shared>>)
      }
      %scan3A_42 = arith.constant 40 : i32
    } else {
    }
    %barrier3A_17 = arith.constant 0 : index
    tpu.barrier barrier_id(%barrier3A_17)
    %add3A_18 = arith.constant 0 : i32
    %add3A_19 = arith.addi %mul3A_0, %add3A_18 : i32
    "tpu.region"() ({
      %run_scoped3A = tpu.sem_alloc : memref<!tpu.dma_semaphore, #tpu.memory_space<semaphore_mem>>
      %dma_start3A = arith.constant 0 : i32
      %dma_start3A_38 = tpu.memref_slice %arg13[%add3A_19, %dma_start3A] : memref<10112x128xf32, #tpu.memory_space<vmem_shared>> -> memref<128x128xf32, #tpu.memory_space<vmem_shared>>
      %dma_start3A_39 = arith.constant 0 : i32
      %dma_start3A_40 = tpu.memref_slice %arg13[%add3A_19, %dma_start3A_39] : memref<10112x128xf32, #tpu.memory_space<vmem_shared>> -> memref<128x128xf32, #tpu.memory_space<vmem_shared>>
      tpu.enqueue_dma source(%dma_start3A_40 : memref<128x128xf32, #tpu.memory_space<vmem_shared>>) target(%arg10 : memref<128x128xf32, #tpu.memory_space<vmem>>) target_semaphore(%run_scoped3A : memref<!tpu.dma_semaphore, #tpu.memory_space<semaphore_mem>>)
      %dma_wait3A = arith.constant 0 : i32
      %dma_wait3A_41 = tpu.memref_slice %arg13[%add3A_19, %dma_wait3A] : memref<10112x128xf32, #tpu.memory_space<vmem_shared>> -> memref<128x128xf32, #tpu.memory_space<vmem_shared>>
      %dma_wait3A_42 = arith.constant 0 : i32
      %dma_wait3A_43 = tpu.memref_slice %arg13[%add3A_19, %dma_wait3A_42] : memref<10112x128xf32, #tpu.memory_space<vmem_shared>> -> memref<128x128xf32, #tpu.memory_space<vmem_shared>>
      tpu.wait_dma2 semaphore(%run_scoped3A : memref<!tpu.dma_semaphore, #tpu.memory_space<semaphore_mem>>) src(%dma_wait3A_43 : memref<128x128xf32, #tpu.memory_space<vmem_shared>>) dst(%arg10 : memref<128x128xf32, #tpu.memory_space<vmem>>)
      tpu.yield
    }) : () -> ()
    %add3A_20 = arith.constant 0 : i32
    %add3A_21 = arith.addi %mul3A_0, %add3A_20 : i32
    "tpu.region"() ({
      %run_scoped3A = tpu.sem_alloc : memref<!tpu.dma_semaphore, #tpu.memory_space<semaphore_mem>>
      %dma_start3A = arith.constant 0 : i32
      %dma_start3A_38 = tpu.memref_slice %arg7[%arg0, %add3A_21, %dma_start3A] : memref<2x10112x128xf32, #tpu.memory_space<hbm>> -> memref<1x128x128xf32, #tpu.memory_space<hbm>>
      %dma_start3A_39 = tpu.memref_squeeze %dma_start3A_38 : memref<1x128x128xf32, #tpu.memory_space<hbm>> -> memref<128x128xf32, #tpu.memory_space<hbm>>
      %dma_start3A_40 = arith.constant 0 : i32
      %dma_start3A_41 = tpu.memref_slice %arg7[%arg0, %add3A_21, %dma_start3A_40] : memref<2x10112x128xf32, #tpu.memory_space<hbm>> -> memref<1x128x128xf32, #tpu.memory_space<hbm>>
      %dma_start3A_42 = tpu.memref_squeeze %dma_start3A_41 : memref<1x128x128xf32, #tpu.memory_space<hbm>> -> memref<128x128xf32, #tpu.memory_space<hbm>>
      tpu.enqueue_dma source(%arg10 : memref<128x128xf32, #tpu.memory_space<vmem>>) target(%dma_start3A_42 : memref<128x128xf32, #tpu.memory_space<hbm>>) target_semaphore(%run_scoped3A : memref<!tpu.dma_semaphore, #tpu.memory_space<semaphore_mem>>)
      %dma_wait3A = arith.constant 0 : i32
      %dma_wait3A_43 = tpu.memref_slice %arg7[%arg0, %add3A_21, %dma_wait3A] : memref<2x10112x128xf32, #tpu.memory_space<hbm>> -> memref<1x128x128xf32, #tpu.memory_space<hbm>>
      %dma_wait3A_44 = tpu.memref_squeeze %dma_wait3A_43 : memref<1x128x128xf32, #tpu.memory_space<hbm>> -> memref<128x128xf32, #tpu.memory_space<hbm>>
      %dma_wait3A_45 = arith.constant 0 : i32
      %dma_wait3A_46 = tpu.memref_slice %arg7[%arg0, %add3A_21, %dma_wait3A_45] : memref<2x10112x128xf32, #tpu.memory_space<hbm>> -> memref<1x128x128xf32, #tpu.memory_space<hbm>>
      %dma_wait3A_47 = tpu.memref_squeeze %dma_wait3A_46 : memref<1x128x128xf32, #tpu.memory_space<hbm>> -> memref<128x128xf32, #tpu.memory_space<hbm>>
      tpu.wait_dma2 semaphore(%run_scoped3A : memref<!tpu.dma_semaphore, #tpu.memory_space<semaphore_mem>>) src(%arg10 : memref<128x128xf32, #tpu.memory_space<vmem>>) dst(%dma_wait3A_47 : memref<128x128xf32, #tpu.memory_space<hbm>>)
      tpu.yield
    }) : () -> ()
    %add3A_22 = arith.constant 128 : i32
    %add3A_23 = arith.addi %mul3A_0, %add3A_22 : i32
    "tpu.region"() ({
      %run_scoped3A = tpu.sem_alloc : memref<!tpu.dma_semaphore, #tpu.memory_space<semaphore_mem>>
      %dma_start3A = arith.constant 0 : i32
      %dma_start3A_38 = tpu.memref_slice %arg13[%add3A_23, %dma_start3A] : memref<10112x128xf32, #tpu.memory_space<vmem_shared>> -> memref<128x128xf32, #tpu.memory_space<vmem_shared>>
      %dma_start3A_39 = arith.constant 0 : i32
      %dma_start3A_40 = tpu.memref_slice %arg13[%add3A_23, %dma_start3A_39] : memref<10112x128xf32, #tpu.memory_space<vmem_shared>> -> memref<128x128xf32, #tpu.memory_space<vmem_shared>>
      tpu.enqueue_dma source(%dma_start3A_40 : memref<128x128xf32, #tpu.memory_space<vmem_shared>>) target(%arg10 : memref<128x128xf32, #tpu.memory_space<vmem>>) target_semaphore(%run_scoped3A : memref<!tpu.dma_semaphore, #tpu.memory_space<semaphore_mem>>)
      %dma_wait3A = arith.constant 0 : i32
      %dma_wait3A_41 = tpu.memref_slice %arg13[%add3A_23, %dma_wait3A] : memref<10112x128xf32, #tpu.memory_space<vmem_shared>> -> memref<128x128xf32, #tpu.memory_space<vmem_shared>>
      %dma_wait3A_42 = arith.constant 0 : i32
      %dma_wait3A_43 = tpu.memref_slice %arg13[%add3A_23, %dma_wait3A_42] : memref<10112x128xf32, #tpu.memory_space<vmem_shared>> -> memref<128x128xf32, #tpu.memory_space<vmem_shared>>
      tpu.wait_dma2 semaphore(%run_scoped3A : memref<!tpu.dma_semaphore, #tpu.memory_space<semaphore_mem>>) src(%dma_wait3A_43 : memref<128x128xf32, #tpu.memory_space<vmem_shared>>) dst(%arg10 : memref<128x128xf32, #tpu.memory_space<vmem>>)
      tpu.yield
    }) : () -> ()
    %add3A_24 = arith.constant 128 : i32
    %add3A_25 = arith.addi %mul3A_0, %add3A_24 : i32
    "tpu.region"() ({
      %run_scoped3A = tpu.sem_alloc : memref<!tpu.dma_semaphore, #tpu.memory_space<semaphore_mem>>
      %dma_start3A = arith.constant 0 : i32
      %dma_start3A_38 = tpu.memref_slice %arg7[%arg0, %add3A_25, %dma_start3A] : memref<2x10112x128xf32, #tpu.memory_space<hbm>> -> memref<1x128x128xf32, #tpu.memory_space<hbm>>
      %dma_start3A_39 = tpu.memref_squeeze %dma_start3A_38 : memref<1x128x128xf32, #tpu.memory_space<hbm>> -> memref<128x128xf32, #tpu.memory_space<hbm>>
      %dma_start3A_40 = arith.constant 0 : i32
      %dma_start3A_41 = tpu.memref_slice %arg7[%arg0, %add3A_25, %dma_start3A_40] : memref<2x10112x128xf32, #tpu.memory_space<hbm>> -> memref<1x128x128xf32, #tpu.memory_space<hbm>>
      %dma_start3A_42 = tpu.memref_squeeze %dma_start3A_41 : memref<1x128x128xf32, #tpu.memory_space<hbm>> -> memref<128x128xf32, #tpu.memory_space<hbm>>
      tpu.enqueue_dma source(%arg10 : memref<128x128xf32, #tpu.memory_space<vmem>>) target(%dma_start3A_42 : memref<128x128xf32, #tpu.memory_space<hbm>>) target_semaphore(%run_scoped3A : memref<!tpu.dma_semaphore, #tpu.memory_space<semaphore_mem>>)
      %dma_wait3A = arith.constant 0 : i32
      %dma_wait3A_43 = tpu.memref_slice %arg7[%arg0, %add3A_25, %dma_wait3A] : memref<2x10112x128xf32, #tpu.memory_space<hbm>> -> memref<1x128x128xf32, #tpu.memory_space<hbm>>
      %dma_wait3A_44 = tpu.memref_squeeze %dma_wait3A_43 : memref<1x128x128xf32, #tpu.memory_space<hbm>> -> memref<128x128xf32, #tpu.memory_space<hbm>>
      %dma_wait3A_45 = arith.constant 0 : i32
      %dma_wait3A_46 = tpu.memref_slice %arg7[%arg0, %add3A_25, %dma_wait3A_45] : memref<2x10112x128xf32, #tpu.memory_space<hbm>> -> memref<1x128x128xf32, #tpu.memory_space<hbm>>
      %dma_wait3A_47 = tpu.memref_squeeze %dma_wait3A_46 : memref<1x128x128xf32, #tpu.memory_space<hbm>> -> memref<128x128xf32, #tpu.memory_space<hbm>>
      tpu.wait_dma2 semaphore(%run_scoped3A : memref<!tpu.dma_semaphore, #tpu.memory_space<semaphore_mem>>) src(%arg10 : memref<128x128xf32, #tpu.memory_space<vmem>>) dst(%dma_wait3A_47 : memref<128x128xf32, #tpu.memory_space<hbm>>)
      tpu.yield
    }) : () -> ()
    %add3A_26 = arith.constant 256 : i32
    %add3A_27 = arith.addi %mul3A_0, %add3A_26 : i32
    "tpu.region"() ({
      %run_scoped3A = tpu.sem_alloc : memref<!tpu.dma_semaphore, #tpu.memory_space<semaphore_mem>>
      %dma_start3A = arith.constant 0 : i32
      %dma_start3A_38 = tpu.memref_slice %arg13[%add3A_27, %dma_start3A] : memref<10112x128xf32, #tpu.memory_space<vmem_shared>> -> memref<128x128xf32, #tpu.memory_space<vmem_shared>>
      %dma_start3A_39 = arith.constant 0 : i32
      %dma_start3A_40 = tpu.memref_slice %arg13[%add3A_27, %dma_start3A_39] : memref<10112x128xf32, #tpu.memory_space<vmem_shared>> -> memref<128x128xf32, #tpu.memory_space<vmem_shared>>
      tpu.enqueue_dma source(%dma_start3A_40 : memref<128x128xf32, #tpu.memory_space<vmem_shared>>) target(%arg10 : memref<128x128xf32, #tpu.memory_space<vmem>>) target_semaphore(%run_scoped3A : memref<!tpu.dma_semaphore, #tpu.memory_space<semaphore_mem>>)
      %dma_wait3A = arith.constant 0 : i32
      %dma_wait3A_41 = tpu.memref_slice %arg13[%add3A_27, %dma_wait3A] : memref<10112x128xf32, #tpu.memory_space<vmem_shared>> -> memref<128x128xf32, #tpu.memory_space<vmem_shared>>
      %dma_wait3A_42 = arith.constant 0 : i32
      %dma_wait3A_43 = tpu.memref_slice %arg13[%add3A_27, %dma_wait3A_42] : memref<10112x128xf32, #tpu.memory_space<vmem_shared>> -> memref<128x128xf32, #tpu.memory_space<vmem_shared>>
      tpu.wait_dma2 semaphore(%run_scoped3A : memref<!tpu.dma_semaphore, #tpu.memory_space<semaphore_mem>>) src(%dma_wait3A_43 : memref<128x128xf32, #tpu.memory_space<vmem_shared>>) dst(%arg10 : memref<128x128xf32, #tpu.memory_space<vmem>>)
      tpu.yield
    }) : () -> ()
    %add3A_28 = arith.constant 256 : i32
    %add3A_29 = arith.addi %mul3A_0, %add3A_28 : i32
    "tpu.region"() ({
      %run_scoped3A = tpu.sem_alloc : memref<!tpu.dma_semaphore, #tpu.memory_space<semaphore_mem>>
      %dma_start3A = arith.constant 0 : i32
      %dma_start3A_38 = tpu.memref_slice %arg7[%arg0, %add3A_29, %dma_start3A] : memref<2x10112x128xf32, #tpu.memory_space<hbm>> -> memref<1x128x128xf32, #tpu.memory_space<hbm>>
      %dma_start3A_39 = tpu.memref_squeeze %dma_start3A_38 : memref<1x128x128xf32, #tpu.memory_space<hbm>> -> memref<128x128xf32, #tpu.memory_space<hbm>>
      %dma_start3A_40 = arith.constant 0 : i32
      %dma_start3A_41 = tpu.memref_slice %arg7[%arg0, %add3A_29, %dma_start3A_40] : memref<2x10112x128xf32, #tpu.memory_space<hbm>> -> memref<1x128x128xf32, #tpu.memory_space<hbm>>
      %dma_start3A_42 = tpu.memref_squeeze %dma_start3A_41 : memref<1x128x128xf32, #tpu.memory_space<hbm>> -> memref<128x128xf32, #tpu.memory_space<hbm>>
      tpu.enqueue_dma source(%arg10 : memref<128x128xf32, #tpu.memory_space<vmem>>) target(%dma_start3A_42 : memref<128x128xf32, #tpu.memory_space<hbm>>) target_semaphore(%run_scoped3A : memref<!tpu.dma_semaphore, #tpu.memory_space<semaphore_mem>>)
      %dma_wait3A = arith.constant 0 : i32
      %dma_wait3A_43 = tpu.memref_slice %arg7[%arg0, %add3A_29, %dma_wait3A] : memref<2x10112x128xf32, #tpu.memory_space<hbm>> -> memref<1x128x128xf32, #tpu.memory_space<hbm>>
      %dma_wait3A_44 = tpu.memref_squeeze %dma_wait3A_43 : memref<1x128x128xf32, #tpu.memory_space<hbm>> -> memref<128x128xf32, #tpu.memory_space<hbm>>
      %dma_wait3A_45 = arith.constant 0 : i32
      %dma_wait3A_46 = tpu.memref_slice %arg7[%arg0, %add3A_29, %dma_wait3A_45] : memref<2x10112x128xf32, #tpu.memory_space<hbm>> -> memref<1x128x128xf32, #tpu.memory_space<hbm>>
      %dma_wait3A_47 = tpu.memref_squeeze %dma_wait3A_46 : memref<1x128x128xf32, #tpu.memory_space<hbm>> -> memref<128x128xf32, #tpu.memory_space<hbm>>
      tpu.wait_dma2 semaphore(%run_scoped3A : memref<!tpu.dma_semaphore, #tpu.memory_space<semaphore_mem>>) src(%arg10 : memref<128x128xf32, #tpu.memory_space<vmem>>) dst(%dma_wait3A_47 : memref<128x128xf32, #tpu.memory_space<hbm>>)
      tpu.yield
    }) : () -> ()
    %add3A_30 = arith.constant 384 : i32
    %add3A_31 = arith.addi %mul3A_0, %add3A_30 : i32
    "tpu.region"() ({
      %run_scoped3A = tpu.sem_alloc : memref<!tpu.dma_semaphore, #tpu.memory_space<semaphore_mem>>
      %dma_start3A = arith.constant 0 : i32
      %dma_start3A_38 = tpu.memref_slice %arg13[%add3A_31, %dma_start3A] : memref<10112x128xf32, #tpu.memory_space<vmem_shared>> -> memref<128x128xf32, #tpu.memory_space<vmem_shared>>
      %dma_start3A_39 = arith.constant 0 : i32
      %dma_start3A_40 = tpu.memref_slice %arg13[%add3A_31, %dma_start3A_39] : memref<10112x128xf32, #tpu.memory_space<vmem_shared>> -> memref<128x128xf32, #tpu.memory_space<vmem_shared>>
      tpu.enqueue_dma source(%dma_start3A_40 : memref<128x128xf32, #tpu.memory_space<vmem_shared>>) target(%arg10 : memref<128x128xf32, #tpu.memory_space<vmem>>) target_semaphore(%run_scoped3A : memref<!tpu.dma_semaphore, #tpu.memory_space<semaphore_mem>>)
      %dma_wait3A = arith.constant 0 : i32
      %dma_wait3A_41 = tpu.memref_slice %arg13[%add3A_31, %dma_wait3A] : memref<10112x128xf32, #tpu.memory_space<vmem_shared>> -> memref<128x128xf32, #tpu.memory_space<vmem_shared>>
      %dma_wait3A_42 = arith.constant 0 : i32
      %dma_wait3A_43 = tpu.memref_slice %arg13[%add3A_31, %dma_wait3A_42] : memref<10112x128xf32, #tpu.memory_space<vmem_shared>> -> memref<128x128xf32, #tpu.memory_space<vmem_shared>>
      tpu.wait_dma2 semaphore(%run_scoped3A : memref<!tpu.dma_semaphore, #tpu.memory_space<semaphore_mem>>) src(%dma_wait3A_43 : memref<128x128xf32, #tpu.memory_space<vmem_shared>>) dst(%arg10 : memref<128x128xf32, #tpu.memory_space<vmem>>)
      tpu.yield
    }) : () -> ()
    %add3A_32 = arith.constant 384 : i32
    %add3A_33 = arith.addi %mul3A_0, %add3A_32 : i32
    "tpu.region"() ({
      %run_scoped3A = tpu.sem_alloc : memref<!tpu.dma_semaphore, #tpu.memory_space<semaphore_mem>>
      %dma_start3A = arith.constant 0 : i32
      %dma_start3A_38 = tpu.memref_slice %arg7[%arg0, %add3A_33, %dma_start3A] : memref<2x10112x128xf32, #tpu.memory_space<hbm>> -> memref<1x128x128xf32, #tpu.memory_space<hbm>>
      %dma_start3A_39 = tpu.memref_squeeze %dma_start3A_38 : memref<1x128x128xf32, #tpu.memory_space<hbm>> -> memref<128x128xf32, #tpu.memory_space<hbm>>
      %dma_start3A_40 = arith.constant 0 : i32
      %dma_start3A_41 = tpu.memref_slice %arg7[%arg0, %add3A_33, %dma_start3A_40] : memref<2x10112x128xf32, #tpu.memory_space<hbm>> -> memref<1x128x128xf32, #tpu.memory_space<hbm>>
      %dma_start3A_42 = tpu.memref_squeeze %dma_start3A_41 : memref<1x128x128xf32, #tpu.memory_space<hbm>> -> memref<128x128xf32, #tpu.memory_space<hbm>>
      tpu.enqueue_dma source(%arg10 : memref<128x128xf32, #tpu.memory_space<vmem>>) target(%dma_start3A_42 : memref<128x128xf32, #tpu.memory_space<hbm>>) target_semaphore(%run_scoped3A : memref<!tpu.dma_semaphore, #tpu.memory_space<semaphore_mem>>)
      %dma_wait3A = arith.constant 0 : i32
      %dma_wait3A_43 = tpu.memref_slice %arg7[%arg0, %add3A_33, %dma_wait3A] : memref<2x10112x128xf32, #tpu.memory_space<hbm>> -> memref<1x128x128xf32, #tpu.memory_space<hbm>>
      %dma_wait3A_44 = tpu.memref_squeeze %dma_wait3A_43 : memref<1x128x128xf32, #tpu.memory_space<hbm>> -> memref<128x128xf32, #tpu.memory_space<hbm>>
      %dma_wait3A_45 = arith.constant 0 : i32
      %dma_wait3A_46 = tpu.memref_slice %arg7[%arg0, %add3A_33, %dma_wait3A_45] : memref<2x10112x128xf32, #tpu.memory_space<hbm>> -> memref<1x128x128xf32, #tpu.memory_space<hbm>>
      %dma_wait3A_47 = tpu.memref_squeeze %dma_wait3A_46 : memref<1x128x128xf32, #tpu.memory_space<hbm>> -> memref<128x128xf32, #tpu.memory_space<hbm>>
      tpu.wait_dma2 semaphore(%run_scoped3A : memref<!tpu.dma_semaphore, #tpu.memory_space<semaphore_mem>>) src(%arg10 : memref<128x128xf32, #tpu.memory_space<vmem>>) dst(%dma_wait3A_47 : memref<128x128xf32, #tpu.memory_space<hbm>>)
      tpu.yield
    }) : () -> ()
    %add3A_34 = arith.constant 512 : i32
    %add3A_35 = arith.addi %mul3A_0, %add3A_34 : i32
    "tpu.region"() ({
      %run_scoped3A = tpu.sem_alloc : memref<!tpu.dma_semaphore, #tpu.memory_space<semaphore_mem>>
      %dma_start3A = arith.constant 0 : i32
      %dma_start3A_38 = arith.constant 0 : i32
      %dma_start3A_39 = tpu.memref_slice %arg10[%dma_start3A, %dma_start3A_38] : memref<128x128xf32, #tpu.memory_space<vmem>> -> memref<120x128xf32, #tpu.memory_space<vmem>>
      %dma_start3A_40 = arith.constant 0 : i32
      %dma_start3A_41 = tpu.memref_slice %arg13[%add3A_35, %dma_start3A_40] : memref<10112x128xf32, #tpu.memory_space<vmem_shared>> -> memref<120x128xf32, #tpu.memory_space<vmem_shared>>
      %dma_start3A_42 = arith.constant 0 : i32
      %dma_start3A_43 = arith.constant 0 : i32
      %dma_start3A_44 = tpu.memref_slice %arg10[%dma_start3A_42, %dma_start3A_43] : memref<128x128xf32, #tpu.memory_space<vmem>> -> memref<120x128xf32, #tpu.memory_space<vmem>>
      %dma_start3A_45 = arith.constant 0 : i32
      %dma_start3A_46 = tpu.memref_slice %arg13[%add3A_35, %dma_start3A_45] : memref<10112x128xf32, #tpu.memory_space<vmem_shared>> -> memref<120x128xf32, #tpu.memory_space<vmem_shared>>
      tpu.enqueue_dma source(%dma_start3A_46 : memref<120x128xf32, #tpu.memory_space<vmem_shared>>) target(%dma_start3A_44 : memref<120x128xf32, #tpu.memory_space<vmem>>) target_semaphore(%run_scoped3A : memref<!tpu.dma_semaphore, #tpu.memory_space<semaphore_mem>>)
      %dma_wait3A = arith.constant 0 : i32
      %dma_wait3A_47 = arith.constant 0 : i32
      %dma_wait3A_48 = tpu.memref_slice %arg10[%dma_wait3A, %dma_wait3A_47] : memref<128x128xf32, #tpu.memory_space<vmem>> -> memref<120x128xf32, #tpu.memory_space<vmem>>
      %dma_wait3A_49 = arith.constant 0 : i32
      %dma_wait3A_50 = tpu.memref_slice %arg13[%add3A_35, %dma_wait3A_49] : memref<10112x128xf32, #tpu.memory_space<vmem_shared>> -> memref<120x128xf32, #tpu.memory_space<vmem_shared>>
      %dma_wait3A_51 = arith.constant 0 : i32
      %dma_wait3A_52 = arith.constant 0 : i32
      %dma_wait3A_53 = tpu.memref_slice %arg10[%dma_wait3A_51, %dma_wait3A_52] : memref<128x128xf32, #tpu.memory_space<vmem>> -> memref<120x128xf32, #tpu.memory_space<vmem>>
      %dma_wait3A_54 = arith.constant 0 : i32
      %dma_wait3A_55 = tpu.memref_slice %arg13[%add3A_35, %dma_wait3A_54] : memref<10112x128xf32, #tpu.memory_space<vmem_shared>> -> memref<120x128xf32, #tpu.memory_space<vmem_shared>>
      tpu.wait_dma2 semaphore(%run_scoped3A : memref<!tpu.dma_semaphore, #tpu.memory_space<semaphore_mem>>) src(%dma_wait3A_55 : memref<120x128xf32, #tpu.memory_space<vmem_shared>>) dst(%dma_wait3A_53 : memref<120x128xf32, #tpu.memory_space<vmem>>)
      tpu.yield
    }) : () -> ()
    %add3A_36 = arith.constant 512 : i32
    %add3A_37 = arith.addi %mul3A_0, %add3A_36 : i32
    "tpu.region"() ({
      %run_scoped3A = tpu.sem_alloc : memref<!tpu.dma_semaphore, #tpu.memory_space<semaphore_mem>>
      %dma_start3A = arith.constant 0 : i32
      %dma_start3A_38 = arith.constant 0 : i32
      %dma_start3A_39 = tpu.memref_slice %arg10[%dma_start3A, %dma_start3A_38] : memref<128x128xf32, #tpu.memory_space<vmem>> -> memref<120x128xf32, #tpu.memory_space<vmem>>
      %dma_start3A_40 = arith.constant 0 : i32
      %dma_start3A_41 = tpu.memref_slice %arg7[%arg0, %add3A_37, %dma_start3A_40] : memref<2x10112x128xf32, #tpu.memory_space<hbm>> -> memref<1x120x128xf32, #tpu.memory_space<hbm>>
      %dma_start3A_42 = tpu.memref_squeeze %dma_start3A_41 : memref<1x120x128xf32, #tpu.memory_space<hbm>> -> memref<120x128xf32, #tpu.memory_space<hbm>>
      %dma_start3A_43 = arith.constant 0 : i32
      %dma_start3A_44 = tpu.memref_slice %arg7[%arg0, %add3A_37, %dma_start3A_43] : memref<2x10112x128xf32, #tpu.memory_space<hbm>> -> memref<1x120x128xf32, #tpu.memory_space<hbm>>
      %dma_start3A_45 = tpu.memref_squeeze %dma_start3A_44 : memref<1x120x128xf32, #tpu.memory_space<hbm>> -> memref<120x128xf32, #tpu.memory_space<hbm>>
      %dma_start3A_46 = arith.constant 0 : i32
      %dma_start3A_47 = arith.constant 0 : i32
      %dma_start3A_48 = tpu.memref_slice %arg10[%dma_start3A_46, %dma_start3A_47] : memref<128x128xf32, #tpu.memory_space<vmem>> -> memref<120x128xf32, #tpu.memory_space<vmem>>
      tpu.enqueue_dma source(%dma_start3A_48 : memref<120x128xf32, #tpu.memory_space<vmem>>) target(%dma_start3A_45 : memref<120x128xf32, #tpu.memory_space<hbm>>) target_semaphore(%run_scoped3A : memref<!tpu.dma_semaphore, #tpu.memory_space<semaphore_mem>>)
      %dma_wait3A = arith.constant 0 : i32
      %dma_wait3A_49 = arith.constant 0 : i32
      %dma_wait3A_50 = tpu.memref_slice %arg10[%dma_wait3A, %dma_wait3A_49] : memref<128x128xf32, #tpu.memory_space<vmem>> -> memref<120x128xf32, #tpu.memory_space<vmem>>
      %dma_wait3A_51 = arith.constant 0 : i32
      %dma_wait3A_52 = tpu.memref_slice %arg7[%arg0, %add3A_37, %dma_wait3A_51] : memref<2x10112x128xf32, #tpu.memory_space<hbm>> -> memref<1x120x128xf32, #tpu.memory_space<hbm>>
      %dma_wait3A_53 = tpu.memref_squeeze %dma_wait3A_52 : memref<1x120x128xf32, #tpu.memory_space<hbm>> -> memref<120x128xf32, #tpu.memory_space<hbm>>
      %dma_wait3A_54 = arith.constant 0 : i32
      %dma_wait3A_55 = tpu.memref_slice %arg7[%arg0, %add3A_37, %dma_wait3A_54] : memref<2x10112x128xf32, #tpu.memory_space<hbm>> -> memref<1x120x128xf32, #tpu.memory_space<hbm>>
      %dma_wait3A_56 = tpu.memref_squeeze %dma_wait3A_55 : memref<1x120x128xf32, #tpu.memory_space<hbm>> -> memref<120x128xf32, #tpu.memory_space<hbm>>
      %dma_wait3A_57 = arith.constant 0 : i32
      %dma_wait3A_58 = arith.constant 0 : i32
      %dma_wait3A_59 = tpu.memref_slice %arg10[%dma_wait3A_57, %dma_wait3A_58] : memref<128x128xf32, #tpu.memory_space<vmem>> -> memref<120x128xf32, #tpu.memory_space<vmem>>
      tpu.wait_dma2 semaphore(%run_scoped3A : memref<!tpu.dma_semaphore, #tpu.memory_space<semaphore_mem>>) src(%dma_wait3A_59 : memref<120x128xf32, #tpu.memory_space<vmem>>) dst(%dma_wait3A_56 : memref<120x128xf32, #tpu.memory_space<hbm>>)
      tpu.yield
    }) : () -> ()
    return
  }
}

#map = affine_map<(d0, d1) -> (0, 0)>
#map1 = affine_map<(d0, d1) -> (0, 0, 0)>
module attributes {stable_mosaic.version = 14 : i64} {
  func.func @_cls_body(%arg0: i32, %arg1: i32, %arg2: memref<10112x128xf32, #tpu.memory_space<hbm>>, %arg3: memref<10112x128xf32, #tpu.memory_space<hbm>>, %arg4: memref<32x4x128xi32, #tpu.memory_space<hbm>>, %arg5: memref<32x4x128xi32, #tpu.memory_space<hbm>>, %arg6: memref<128x128xf32, #tpu.memory_space<hbm>>, %arg7: memref<16384x128xf32, #tpu.memory_space<hbm>>, %arg8: memref<4x128xi32, #tpu.memory_space<vmem>>, %arg9: memref<4x128xi32, #tpu.memory_space<vmem>>, %arg10: memref<128x128xf32, #tpu.memory_space<vmem>>, %arg11: memref<128x128xf32, #tpu.memory_space<vmem>>, %arg12: memref<128x128xf32, #tpu.memory_space<vmem>>, %arg13: memref<!tpu.dma_semaphore, #tpu.memory_space<semaphore_mem>>) attributes {dimension_semantics = [#tpu.dimension_semantics<core_parallel>, #tpu.dimension_semantics<subcore_parallel>], iteration_bounds = array<i64: 2, 16>, scalar_prefetch = 0 : i64, scratch_operands = 6 : i64, tpu.core_type = #tpu.core_type<sc_vector_subcore>, window_params = [{transform_indices = #map}, {transform_indices = #map}, {transform_indices = #map1}, {transform_indices = #map1}, {transform_indices = #map}, {transform_indices = #map}]} {
    %mul3A = arith.constant 16 : i32
    %mul3A_0 = arith.muli %arg0, %mul3A : i32
    %add3A = arith.addi %mul3A_0, %arg1 : i32
    "tpu.region"() ({
      %run_scoped3A = tpu.sem_alloc : memref<!tpu.dma_semaphore, #tpu.memory_space<semaphore_mem>>
      %dma_start3A = arith.constant 0 : i32
      %dma_start3A_6 = arith.constant 0 : i32
      %dma_start3A_7 = tpu.memref_slice %arg4[%add3A, %dma_start3A, %dma_start3A_6] : memref<32x4x128xi32, #tpu.memory_space<hbm>> -> memref<1x4x128xi32, #tpu.memory_space<hbm>>
      %dma_start3A_8 = tpu.memref_squeeze %dma_start3A_7 : memref<1x4x128xi32, #tpu.memory_space<hbm>> -> memref<4x128xi32, #tpu.memory_space<hbm>>
      %dma_start3A_9 = arith.constant 0 : i32
      %dma_start3A_10 = arith.constant 0 : i32
      %dma_start3A_11 = tpu.memref_slice %arg4[%add3A, %dma_start3A_9, %dma_start3A_10] : memref<32x4x128xi32, #tpu.memory_space<hbm>> -> memref<1x4x128xi32, #tpu.memory_space<hbm>>
      %dma_start3A_12 = tpu.memref_squeeze %dma_start3A_11 : memref<1x4x128xi32, #tpu.memory_space<hbm>> -> memref<4x128xi32, #tpu.memory_space<hbm>>
      tpu.enqueue_dma source(%dma_start3A_12 : memref<4x128xi32, #tpu.memory_space<hbm>>) target(%arg8 : memref<4x128xi32, #tpu.memory_space<vmem>>) target_semaphore(%run_scoped3A : memref<!tpu.dma_semaphore, #tpu.memory_space<semaphore_mem>>)
      %dma_wait3A = arith.constant 0 : i32
      %dma_wait3A_13 = arith.constant 0 : i32
      %dma_wait3A_14 = tpu.memref_slice %arg4[%add3A, %dma_wait3A, %dma_wait3A_13] : memref<32x4x128xi32, #tpu.memory_space<hbm>> -> memref<1x4x128xi32, #tpu.memory_space<hbm>>
      %dma_wait3A_15 = tpu.memref_squeeze %dma_wait3A_14 : memref<1x4x128xi32, #tpu.memory_space<hbm>> -> memref<4x128xi32, #tpu.memory_space<hbm>>
      %dma_wait3A_16 = arith.constant 0 : i32
      %dma_wait3A_17 = arith.constant 0 : i32
      %dma_wait3A_18 = tpu.memref_slice %arg4[%add3A, %dma_wait3A_16, %dma_wait3A_17] : memref<32x4x128xi32, #tpu.memory_space<hbm>> -> memref<1x4x128xi32, #tpu.memory_space<hbm>>
      %dma_wait3A_19 = tpu.memref_squeeze %dma_wait3A_18 : memref<1x4x128xi32, #tpu.memory_space<hbm>> -> memref<4x128xi32, #tpu.memory_space<hbm>>
      tpu.wait_dma2 semaphore(%run_scoped3A : memref<!tpu.dma_semaphore, #tpu.memory_space<semaphore_mem>>) src(%dma_wait3A_19 : memref<4x128xi32, #tpu.memory_space<hbm>>) dst(%arg8 : memref<4x128xi32, #tpu.memory_space<vmem>>)
      tpu.yield
    }) : () -> ()
    "tpu.region"() ({
      %run_scoped3A = tpu.sem_alloc : memref<!tpu.dma_semaphore, #tpu.memory_space<semaphore_mem>>
      %dma_start3A = arith.constant 0 : i32
      %dma_start3A_6 = arith.constant 0 : i32
      %dma_start3A_7 = tpu.memref_slice %arg5[%add3A, %dma_start3A, %dma_start3A_6] : memref<32x4x128xi32, #tpu.memory_space<hbm>> -> memref<1x4x128xi32, #tpu.memory_space<hbm>>
      %dma_start3A_8 = tpu.memref_squeeze %dma_start3A_7 : memref<1x4x128xi32, #tpu.memory_space<hbm>> -> memref<4x128xi32, #tpu.memory_space<hbm>>
      %dma_start3A_9 = arith.constant 0 : i32
      %dma_start3A_10 = arith.constant 0 : i32
      %dma_start3A_11 = tpu.memref_slice %arg5[%add3A, %dma_start3A_9, %dma_start3A_10] : memref<32x4x128xi32, #tpu.memory_space<hbm>> -> memref<1x4x128xi32, #tpu.memory_space<hbm>>
      %dma_start3A_12 = tpu.memref_squeeze %dma_start3A_11 : memref<1x4x128xi32, #tpu.memory_space<hbm>> -> memref<4x128xi32, #tpu.memory_space<hbm>>
      tpu.enqueue_dma source(%dma_start3A_12 : memref<4x128xi32, #tpu.memory_space<hbm>>) target(%arg9 : memref<4x128xi32, #tpu.memory_space<vmem>>) target_semaphore(%run_scoped3A : memref<!tpu.dma_semaphore, #tpu.memory_space<semaphore_mem>>)
      %dma_wait3A = arith.constant 0 : i32
      %dma_wait3A_13 = arith.constant 0 : i32
      %dma_wait3A_14 = tpu.memref_slice %arg5[%add3A, %dma_wait3A, %dma_wait3A_13] : memref<32x4x128xi32, #tpu.memory_space<hbm>> -> memref<1x4x128xi32, #tpu.memory_space<hbm>>
      %dma_wait3A_15 = tpu.memref_squeeze %dma_wait3A_14 : memref<1x4x128xi32, #tpu.memory_space<hbm>> -> memref<4x128xi32, #tpu.memory_space<hbm>>
      %dma_wait3A_16 = arith.constant 0 : i32
      %dma_wait3A_17 = arith.constant 0 : i32
      %dma_wait3A_18 = tpu.memref_slice %arg5[%add3A, %dma_wait3A_16, %dma_wait3A_17] : memref<32x4x128xi32, #tpu.memory_space<hbm>> -> memref<1x4x128xi32, #tpu.memory_space<hbm>>
      %dma_wait3A_19 = tpu.memref_squeeze %dma_wait3A_18 : memref<1x4x128xi32, #tpu.memory_space<hbm>> -> memref<4x128xi32, #tpu.memory_space<hbm>>
      tpu.wait_dma2 semaphore(%run_scoped3A : memref<!tpu.dma_semaphore, #tpu.memory_space<semaphore_mem>>) src(%dma_wait3A_19 : memref<4x128xi32, #tpu.memory_space<hbm>>) dst(%arg9 : memref<4x128xi32, #tpu.memory_space<vmem>>)
      tpu.yield
    }) : () -> ()
    "tpu.region"() ({
      %run_scoped3A = tpu.sem_alloc : memref<!tpu.dma_semaphore, #tpu.memory_space<semaphore_mem>>
      tpu.enqueue_dma source(%arg6 : memref<128x128xf32, #tpu.memory_space<hbm>>) target(%arg12 : memref<128x128xf32, #tpu.memory_space<vmem>>) target_semaphore(%run_scoped3A : memref<!tpu.dma_semaphore, #tpu.memory_space<semaphore_mem>>)
      tpu.wait_dma2 semaphore(%run_scoped3A : memref<!tpu.dma_semaphore, #tpu.memory_space<semaphore_mem>>) src(%arg6 : memref<128x128xf32, #tpu.memory_space<hbm>>) dst(%arg12 : memref<128x128xf32, #tpu.memory_space<vmem>>)
      tpu.yield
    }) : () -> ()
    %scan3A = arith.constant 0 : i32
    %scan3A_1 = arith.constant 0 : i32
    %scan3A_2 = arith.constant 4 : i32
    %scan3A_3 = arith.addi %scan3A_1, %scan3A_2 : i32
    %scan3A_4 = arith.constant 1 : i32
    scf.for %scan3A_6 = %scan3A_1 to %scan3A_3 step %scan3A_4  : i32 {
      %dma_start3A = arith.constant 0 : i32
      %dma_start3A_7 = tpu.memref_slice %arg8[%scan3A_6, %dma_start3A] : memref<4x128xi32, #tpu.memory_space<vmem>> -> memref<1x128xi32, #tpu.memory_space<vmem>>
      %dma_start3A_8 = tpu.memref_squeeze %dma_start3A_7 : memref<1x128xi32, #tpu.memory_space<vmem>> -> memref<128xi32, #tpu.memory_space<vmem>>
      %dma_start3A_9 = arith.constant 0 : i32
      %dma_start3A_10 = arith.constant 0 : i32
      %dma_start3A_11 = tpu.memref_slice %arg2[%dma_start3A_9, %dma_start3A_10] : memref<10112x128xf32, #tpu.memory_space<hbm>> -> memref<10112x128xf32, #tpu.memory_space<hbm>>
      tpu.enqueue_indirect_dma source(%dma_start3A_11 : memref<10112x128xf32, #tpu.memory_space<hbm>>) target(%arg10 : memref<128x128xf32, #tpu.memory_space<vmem>>) offsets(%dma_start3A_8 : memref<128xi32, #tpu.memory_space<vmem>>) semaphore(%arg13 : memref<!tpu.dma_semaphore, #tpu.memory_space<semaphore_mem>>)
      %dma_wait3A = arith.constant 0 : i32
      %dma_wait3A_12 = tpu.memref_slice %arg8[%scan3A_6, %dma_wait3A] : memref<4x128xi32, #tpu.memory_space<vmem>> -> memref<1x128xi32, #tpu.memory_space<vmem>>
      %dma_wait3A_13 = tpu.memref_squeeze %dma_wait3A_12 : memref<1x128xi32, #tpu.memory_space<vmem>> -> memref<128xi32, #tpu.memory_space<vmem>>
      %dma_wait3A_14 = arith.constant 0 : i32
      %dma_wait3A_15 = arith.constant 0 : i32
      %dma_wait3A_16 = tpu.memref_slice %arg2[%dma_wait3A_14, %dma_wait3A_15] : memref<10112x128xf32, #tpu.memory_space<hbm>> -> memref<10112x128xf32, #tpu.memory_space<hbm>>
      tpu.wait_indirect_dma semaphore(%arg13 : memref<!tpu.dma_semaphore, #tpu.memory_space<semaphore_mem>>) src(%dma_wait3A_16 : memref<10112x128xf32, #tpu.memory_space<hbm>>) dst(%arg10 : memref<128x128xf32, #tpu.memory_space<vmem>>)
      %dma_start3A_17 = arith.constant 0 : i32
      %dma_start3A_18 = tpu.memref_slice %arg9[%scan3A_6, %dma_start3A_17] : memref<4x128xi32, #tpu.memory_space<vmem>> -> memref<1x128xi32, #tpu.memory_space<vmem>>
      %dma_start3A_19 = tpu.memref_squeeze %dma_start3A_18 : memref<1x128xi32, #tpu.memory_space<vmem>> -> memref<128xi32, #tpu.memory_space<vmem>>
      %dma_start3A_20 = arith.constant 0 : i32
      %dma_start3A_21 = arith.constant 0 : i32
      %dma_start3A_22 = tpu.memref_slice %arg3[%dma_start3A_20, %dma_start3A_21] : memref<10112x128xf32, #tpu.memory_space<hbm>> -> memref<10112x128xf32, #tpu.memory_space<hbm>>
      tpu.enqueue_indirect_dma source(%dma_start3A_22 : memref<10112x128xf32, #tpu.memory_space<hbm>>) target(%arg11 : memref<128x128xf32, #tpu.memory_space<vmem>>) offsets(%dma_start3A_19 : memref<128xi32, #tpu.memory_space<vmem>>) semaphore(%arg13 : memref<!tpu.dma_semaphore, #tpu.memory_space<semaphore_mem>>)
      %dma_wait3A_23 = arith.constant 0 : i32
      %dma_wait3A_24 = tpu.memref_slice %arg9[%scan3A_6, %dma_wait3A_23] : memref<4x128xi32, #tpu.memory_space<vmem>> -> memref<1x128xi32, #tpu.memory_space<vmem>>
      %dma_wait3A_25 = tpu.memref_squeeze %dma_wait3A_24 : memref<1x128xi32, #tpu.memory_space<vmem>> -> memref<128xi32, #tpu.memory_space<vmem>>
      %dma_wait3A_26 = arith.constant 0 : i32
      %dma_wait3A_27 = arith.constant 0 : i32
      %dma_wait3A_28 = tpu.memref_slice %arg3[%dma_wait3A_26, %dma_wait3A_27] : memref<10112x128xf32, #tpu.memory_space<hbm>> -> memref<10112x128xf32, #tpu.memory_space<hbm>>
      tpu.wait_indirect_dma semaphore(%arg13 : memref<!tpu.dma_semaphore, #tpu.memory_space<semaphore_mem>>) src(%dma_wait3A_28 : memref<10112x128xf32, #tpu.memory_space<hbm>>) dst(%arg11 : memref<128x128xf32, #tpu.memory_space<vmem>>)
      %scan3A_29 = arith.constant 0 : i32
      %scan3A_30 = arith.constant 0 : i32
      %scan3A_31 = arith.constant 128 : i32
      %scan3A_32 = arith.addi %scan3A_30, %scan3A_31 : i32
      %scan3A_33 = arith.constant 1 : i32
      scf.for %scan3A_40 = %scan3A_30 to %scan3A_32 step %scan3A_33  : i32 {
        %broadcast_in_dim3A = arith.constant 0.000000e+00 : f32
        %broadcast_in_dim3A_41 = vector.broadcast %broadcast_in_dim3A : f32 to vector<16xf32>
        %get3A = arith.index_cast %scan3A_40 : i32 to index
        %get3A_42 = arith.constant 0 : index
        %get3A_43 = tpu.vector_load %arg10[%get3A, %get3A_42] {strides = array<i32>} : memref<128x128xf32, #tpu.memory_space<vmem>>, vector<1x16xf32>,
        %get3A_44 = vector.shape_cast %get3A_43 : vector<1x16xf32> to vector<16xf32>
        %get3A_45 = arith.index_cast %scan3A_40 : i32 to index
        %get3A_46 = arith.constant 0 : index
        %get3A_47 = tpu.vector_load %arg11[%get3A_45, %get3A_46] {strides = array<i32>} : memref<128x128xf32, #tpu.memory_space<vmem>>, vector<1x16xf32>,
        %get3A_48 = vector.shape_cast %get3A_47 : vector<1x16xf32> to vector<16xf32>
        %mul3A_49 = arith.mulf %get3A_44, %get3A_48 : vector<16xf32>
        %add3A_50 = arith.addf %broadcast_in_dim3A_41, %mul3A_49 : vector<16xf32>
        %get3A_51 = arith.index_cast %scan3A_40 : i32 to index
        %get3A_52 = arith.constant 16 : index
        %get3A_53 = tpu.vector_load %arg10[%get3A_51, %get3A_52] {strides = array<i32>} : memref<128x128xf32, #tpu.memory_space<vmem>>, vector<1x16xf32>,
        %get3A_54 = vector.shape_cast %get3A_53 : vector<1x16xf32> to vector<16xf32>
        %get3A_55 = arith.index_cast %scan3A_40 : i32 to index
        %get3A_56 = arith.constant 16 : index
        %get3A_57 = tpu.vector_load %arg11[%get3A_55, %get3A_56] {strides = array<i32>} : memref<128x128xf32, #tpu.memory_space<vmem>>, vector<1x16xf32>,
        %get3A_58 = vector.shape_cast %get3A_57 : vector<1x16xf32> to vector<16xf32>
        %mul3A_59 = arith.mulf %get3A_54, %get3A_58 : vector<16xf32>
        %add3A_60 = arith.addf %add3A_50, %mul3A_59 : vector<16xf32>
        %get3A_61 = arith.index_cast %scan3A_40 : i32 to index
        %get3A_62 = arith.constant 32 : index
        %get3A_63 = tpu.vector_load %arg10[%get3A_61, %get3A_62] {strides = array<i32>} : memref<128x128xf32, #tpu.memory_space<vmem>>, vector<1x16xf32>,
        %get3A_64 = vector.shape_cast %get3A_63 : vector<1x16xf32> to vector<16xf32>
        %get3A_65 = arith.index_cast %scan3A_40 : i32 to index
        %get3A_66 = arith.constant 32 : index
        %get3A_67 = tpu.vector_load %arg11[%get3A_65, %get3A_66] {strides = array<i32>} : memref<128x128xf32, #tpu.memory_space<vmem>>, vector<1x16xf32>,
        %get3A_68 = vector.shape_cast %get3A_67 : vector<1x16xf32> to vector<16xf32>
        %mul3A_69 = arith.mulf %get3A_64, %get3A_68 : vector<16xf32>
        %add3A_70 = arith.addf %add3A_60, %mul3A_69 : vector<16xf32>
        %get3A_71 = arith.index_cast %scan3A_40 : i32 to index
        %get3A_72 = arith.constant 48 : index
        %get3A_73 = tpu.vector_load %arg10[%get3A_71, %get3A_72] {strides = array<i32>} : memref<128x128xf32, #tpu.memory_space<vmem>>, vector<1x16xf32>,
        %get3A_74 = vector.shape_cast %get3A_73 : vector<1x16xf32> to vector<16xf32>
        %get3A_75 = arith.index_cast %scan3A_40 : i32 to index
        %get3A_76 = arith.constant 48 : index
        %get3A_77 = tpu.vector_load %arg11[%get3A_75, %get3A_76] {strides = array<i32>} : memref<128x128xf32, #tpu.memory_space<vmem>>, vector<1x16xf32>,
        %get3A_78 = vector.shape_cast %get3A_77 : vector<1x16xf32> to vector<16xf32>
        %mul3A_79 = arith.mulf %get3A_74, %get3A_78 : vector<16xf32>
        %add3A_80 = arith.addf %add3A_70, %mul3A_79 : vector<16xf32>
        %get3A_81 = arith.index_cast %scan3A_40 : i32 to index
        %get3A_82 = arith.constant 64 : index
        %get3A_83 = tpu.vector_load %arg10[%get3A_81, %get3A_82] {strides = array<i32>} : memref<128x128xf32, #tpu.memory_space<vmem>>, vector<1x16xf32>,
        %get3A_84 = vector.shape_cast %get3A_83 : vector<1x16xf32> to vector<16xf32>
        %get3A_85 = arith.index_cast %scan3A_40 : i32 to index
        %get3A_86 = arith.constant 64 : index
        %get3A_87 = tpu.vector_load %arg11[%get3A_85, %get3A_86] {strides = array<i32>} : memref<128x128xf32, #tpu.memory_space<vmem>>, vector<1x16xf32>,
        %get3A_88 = vector.shape_cast %get3A_87 : vector<1x16xf32> to vector<16xf32>
        %mul3A_89 = arith.mulf %get3A_84, %get3A_88 : vector<16xf32>
        %add3A_90 = arith.addf %add3A_80, %mul3A_89 : vector<16xf32>
        %get3A_91 = arith.index_cast %scan3A_40 : i32 to index
        %get3A_92 = arith.constant 80 : index
        %get3A_93 = tpu.vector_load %arg10[%get3A_91, %get3A_92] {strides = array<i32>} : memref<128x128xf32, #tpu.memory_space<vmem>>, vector<1x16xf32>,
        %get3A_94 = vector.shape_cast %get3A_93 : vector<1x16xf32> to vector<16xf32>
        %get3A_95 = arith.index_cast %scan3A_40 : i32 to index
        %get3A_96 = arith.constant 80 : index
        %get3A_97 = tpu.vector_load %arg11[%get3A_95, %get3A_96] {strides = array<i32>} : memref<128x128xf32, #tpu.memory_space<vmem>>, vector<1x16xf32>,
        %get3A_98 = vector.shape_cast %get3A_97 : vector<1x16xf32> to vector<16xf32>
        %mul3A_99 = arith.mulf %get3A_94, %get3A_98 : vector<16xf32>
        %add3A_100 = arith.addf %add3A_90, %mul3A_99 : vector<16xf32>
        %get3A_101 = arith.index_cast %scan3A_40 : i32 to index
        %get3A_102 = arith.constant 96 : index
        %get3A_103 = tpu.vector_load %arg10[%get3A_101, %get3A_102] {strides = array<i32>} : memref<128x128xf32, #tpu.memory_space<vmem>>, vector<1x16xf32>,
        %get3A_104 = vector.shape_cast %get3A_103 : vector<1x16xf32> to vector<16xf32>
        %get3A_105 = arith.index_cast %scan3A_40 : i32 to index
        %get3A_106 = arith.constant 96 : index
        %get3A_107 = tpu.vector_load %arg11[%get3A_105, %get3A_106] {strides = array<i32>} : memref<128x128xf32, #tpu.memory_space<vmem>>, vector<1x16xf32>,
        %get3A_108 = vector.shape_cast %get3A_107 : vector<1x16xf32> to vector<16xf32>
        %mul3A_109 = arith.mulf %get3A_104, %get3A_108 : vector<16xf32>
        %add3A_110 = arith.addf %add3A_100, %mul3A_109 : vector<16xf32>
        %get3A_111 = arith.index_cast %scan3A_40 : i32 to index
        %get3A_112 = arith.constant 112 : index
        %get3A_113 = tpu.vector_load %arg10[%get3A_111, %get3A_112] {strides = array<i32>} : memref<128x128xf32, #tpu.memory_space<vmem>>, vector<1x16xf32>,
        %get3A_114 = vector.shape_cast %get3A_113 : vector<1x16xf32> to vector<16xf32>
        %get3A_115 = arith.index_cast %scan3A_40 : i32 to index
        %get3A_116 = arith.constant 112 : index
        %get3A_117 = tpu.vector_load %arg11[%get3A_115, %get3A_116] {strides = array<i32>} : memref<128x128xf32, #tpu.memory_space<vmem>>, vector<1x16xf32>,
        %get3A_118 = vector.shape_cast %get3A_117 : vector<1x16xf32> to vector<16xf32>
        %mul3A_119 = arith.mulf %get3A_114, %get3A_118 : vector<16xf32>
        %add3A_120 = arith.addf %add3A_110, %mul3A_119 : vector<16xf32>
        %swap3A = arith.index_cast %scan3A_40 : i32 to index
        %swap3A_121 = arith.constant 0 : index
        %swap3A_122 = tpu.vector_load %arg12[%swap3A, %swap3A_121] {strides = array<i32>} : memref<128x128xf32, #tpu.memory_space<vmem>>, vector<1x16xf32>,
        %swap3A_123 = vector.shape_cast %swap3A_122 : vector<1x16xf32> to vector<16xf32>
        %swap3A_124 = vector.shape_cast %add3A_120 : vector<16xf32> to vector<1x16xf32>
        tpu.vector_store %arg12[%swap3A, %swap3A_121], %swap3A_124 {strides = array<i32>} : memref<128x128xf32, #tpu.memory_space<vmem>>, vector<1x16xf32>,
      }
      %scan3A_34 = arith.constant 128 : i32
      %mul3A_35 = arith.constant 512 : i32
      %mul3A_36 = arith.muli %add3A, %mul3A_35 : i32
      %mul3A_37 = arith.constant 128 : i32
      %mul3A_38 = arith.muli %scan3A_6, %mul3A_37 : i32
      %add3A_39 = arith.addi %mul3A_36, %mul3A_38 : i32
      "tpu.region"() ({
        %run_scoped3A = tpu.sem_alloc : memref<!tpu.dma_semaphore, #tpu.memory_space<semaphore_mem>>
        %dma_start3A_40 = arith.constant 0 : i32
        %dma_start3A_41 = tpu.memref_slice %arg7[%add3A_39, %dma_start3A_40] : memref<16384x128xf32, #tpu.memory_space<hbm>> -> memref<128x128xf32, #tpu.memory_space<hbm>>
        %dma_start3A_42 = arith.constant 0 : i32
        %dma_start3A_43 = tpu.memref_slice %arg7[%add3A_39, %dma_start3A_42] : memref<16384x128xf32, #tpu.memory_space<hbm>> -> memref<128x128xf32, #tpu.memory_space<hbm>>
        tpu.enqueue_dma source(%arg12 : memref<128x128xf32, #tpu.memory_space<vmem>>) target(%dma_start3A_43 : memref<128x128xf32, #tpu.memory_space<hbm>>) target_semaphore(%run_scoped3A : memref<!tpu.dma_semaphore, #tpu.memory_space<semaphore_mem>>)
        %dma_wait3A_44 = arith.constant 0 : i32
        %dma_wait3A_45 = tpu.memref_slice %arg7[%add3A_39, %dma_wait3A_44] : memref<16384x128xf32, #tpu.memory_space<hbm>> -> memref<128x128xf32, #tpu.memory_space<hbm>>
        %dma_wait3A_46 = arith.constant 0 : i32
        %dma_wait3A_47 = tpu.memref_slice %arg7[%add3A_39, %dma_wait3A_46] : memref<16384x128xf32, #tpu.memory_space<hbm>> -> memref<128x128xf32, #tpu.memory_space<hbm>>
        tpu.wait_dma2 semaphore(%run_scoped3A : memref<!tpu.dma_semaphore, #tpu.memory_space<semaphore_mem>>) src(%arg12 : memref<128x128xf32, #tpu.memory_space<vmem>>) dst(%dma_wait3A_47 : memref<128x128xf32, #tpu.memory_space<hbm>>)
        tpu.yield
      }) : () -> ()
    }
    %scan3A_5 = arith.constant 4 : i32
    return
  }
}

module attributes {stable_mosaic.version = 14 : i64} {
  func.func @_pre_body(%arg0: i32, %arg1: memref<632x128xf32, #tpu.memory_space<vmem>>, %arg2: memref<632x128xf32, #tpu.memory_space<vmem>>, %arg3: memref<128x128xf32, #tpu.memory_space<vmem>>, %arg4: memref<128x128xf32, #tpu.memory_space<vmem>>, %arg5: memref<632x128xf32, #tpu.memory_space<vmem>>, %arg6: memref<632x128xf32, #tpu.memory_space<vmem>>) attributes {dimension_semantics = [#tpu.dimension_semantics<arbitrary>], iteration_bounds = array<i64: 16>, scalar_prefetch = 0 : i64, scratch_operands = 0 : i64, tpu.core_type = #tpu.core_type<tc>, window_params = [{transform_indices = @transform_0, window_bounds = array<i64: 632, 128>}, {transform_indices = @transform_1, window_bounds = array<i64: 632, 128>}, {pipeline_mode = #tpu.pipeline_mode<synchronous>, transform_indices = @transform_2, window_bounds = array<i64: 128, 128>}, {pipeline_mode = #tpu.pipeline_mode<synchronous>, transform_indices = @transform_3, window_bounds = array<i64: 128, 128>}, {transform_indices = @transform_4, window_bounds = array<i64: 632, 128>}, {transform_indices = @transform_5, window_bounds = array<i64: 632, 128>}]} {
    %get3A = arith.constant 0 : index
    %get3A_0 = arith.constant 0 : index
    %get3A_1 = vector.load %arg1[%get3A, %get3A_0] : memref<632x128xf32, #tpu.memory_space<vmem>>, vector<632x128xf32>
    %get3A_2 = arith.constant 0 : index
    %get3A_3 = arith.constant 0 : index
    %get3A_4 = vector.load %arg3[%get3A_2, %get3A_3] : memref<128x128xf32, #tpu.memory_space<vmem>>, vector<128x128xf32>
    %dot_general3A = arith.constant dense<0.000000e+00> : vector<632x128xf32>
    %dot_general3A_5 = tpu.matmul %get3A_1, %get3A_4, %dot_general3A {dimension_numbers = #tpu.dot_dimension_numbers<[1], [0], [0], [1], [0, 0, 1, 1], [], []>, transpose_lhs_hint = false} : vector<632x128xf32>, vector<128x128xf32>, vector<632x128xf32> -> vector<632x128xf32>
    %swap3A = arith.constant 0 : index
    %swap3A_6 = arith.constant 0 : index
    %swap3A_7 = vector.load %arg5[%swap3A, %swap3A_6] : memref<632x128xf32, #tpu.memory_space<vmem>>, vector<632x128xf32>
    tpu.vector_store %arg5[%swap3A, %swap3A_6], %dot_general3A_5 {strides = array<i32>} : memref<632x128xf32, #tpu.memory_space<vmem>>, vector<632x128xf32>,
    %get3A_8 = arith.constant 0 : index
    %get3A_9 = arith.constant 0 : index
    %get3A_10 = vector.load %arg2[%get3A_8, %get3A_9] : memref<632x128xf32, #tpu.memory_space<vmem>>, vector<632x128xf32>
    %get3A_11 = arith.constant 0 : index
    %get3A_12 = arith.constant 0 : index
    %get3A_13 = vector.load %arg4[%get3A_11, %get3A_12] : memref<128x128xf32, #tpu.memory_space<vmem>>, vector<128x128xf32>
    %dot_general3A_14 = arith.constant dense<0.000000e+00> : vector<632x128xf32>
    %dot_general3A_15 = tpu.matmul %get3A_10, %get3A_13, %dot_general3A_14 {dimension_numbers = #tpu.dot_dimension_numbers<[1], [0], [0], [1], [0, 0, 1, 1], [], []>, transpose_lhs_hint = false} : vector<632x128xf32>, vector<128x128xf32>, vector<632x128xf32> -> vector<632x128xf32>
    %swap3A_16 = arith.constant 0 : index
    %swap3A_17 = arith.constant 0 : index
    %swap3A_18 = vector.load %arg6[%swap3A_16, %swap3A_17] : memref<632x128xf32, #tpu.memory_space<vmem>>, vector<632x128xf32>
    tpu.vector_store %arg6[%swap3A_16, %swap3A_17], %dot_general3A_15 {strides = array<i32>} : memref<632x128xf32, #tpu.memory_space<vmem>>, vector<632x128xf32>,
    return
  }
  func.func @transform_0(%arg0: i32) -> (i32, i32) {
    %c0_i32 = arith.constant 0 : i32
    %c0_i32_0 = arith.constant 0 : i32
    return %arg0, %c0_i32 : i32, i32
  }
  func.func @transform_1(%arg0: i32) -> (i32, i32) {
    %c0_i32 = arith.constant 0 : i32
    %c0_i32_0 = arith.constant 0 : i32
    return %arg0, %c0_i32 : i32, i32
  }
  func.func @transform_2(%arg0: i32) -> (i32, i32) {
    %c0_i32 = arith.constant 0 : i32
    %c0_i32_0 = arith.constant 0 : i32
    %c0_i32_1 = arith.constant 0 : i32
    return %c0_i32, %c0_i32_0 : i32, i32
  }
  func.func @transform_3(%arg0: i32) -> (i32, i32) {
    %c0_i32 = arith.constant 0 : i32
    %c0_i32_0 = arith.constant 0 : i32
    %c0_i32_1 = arith.constant 0 : i32
    return %c0_i32, %c0_i32_0 : i32, i32
  }
  func.func @transform_4(%arg0: i32) -> (i32, i32) {
    %c0_i32 = arith.constant 0 : i32
    %c0_i32_0 = arith.constant 0 : i32
    return %arg0, %c0_i32 : i32, i32
  }
  func.func @transform_5(%arg0: i32) -> (i32, i32) {
    %c0_i32 = arith.constant 0 : i32
    %c0_i32_0 = arith.constant 0 : i32
    return %arg0, %c0_i32 : i32, i32
  }
}

module attributes {stable_mosaic.version = 14 : i64} {
  func.func @_stage_body(%arg0: i32, %arg1: memref<632x128xf32, #tpu.memory_space<vmem>>, %arg2: memref<632x128xf32, #tpu.memory_space<vmem>>, %arg3: memref<632x128xf32, #tpu.memory_space<vmem>>, %arg4: memref<632x128xf32, #tpu.memory_space<vmem>>, %arg5: memref<632x128xf32, #tpu.memory_space<vmem>>, %arg6: memref<632x128xf32, #tpu.memory_space<vmem>>, %arg7: memref<128x128xf32, #tpu.memory_space<vmem>>, %arg8: memref<128x128xf32, #tpu.memory_space<vmem>>, %arg9: memref<128x128xf32, #tpu.memory_space<vmem>>, %arg10: memref<128x128xf32, #tpu.memory_space<vmem>>, %arg11: memref<1x128xf32, #tpu.memory_space<vmem>>, %arg12: memref<1x128xf32, #tpu.memory_space<vmem>>, %arg13: memref<1x1xf32, #tpu.memory_space<vmem>>, %arg14: memref<632x128xf32, #tpu.memory_space<vmem>>, %arg15: memref<632x128xf32, #tpu.memory_space<vmem>>, %arg16: memref<632x128xf32, #tpu.memory_space<vmem>>, %arg17: memref<632x128xf32, #tpu.memory_space<vmem>>) attributes {dimension_semantics = [#tpu.dimension_semantics<arbitrary>], iteration_bounds = array<i64: 16>, scalar_prefetch = 0 : i64, scratch_operands = 0 : i64, tpu.core_type = #tpu.core_type<tc>, window_params = [{transform_indices = @transform_0, window_bounds = array<i64: 632, 128>}, {transform_indices = @transform_1, window_bounds = array<i64: 632, 128>}, {transform_indices = @transform_2, window_bounds = array<i64: 632, 128>}, {transform_indices = @transform_3, window_bounds = array<i64: 632, 128>}, {transform_indices = @transform_4, window_bounds = array<i64: 632, 128>}, {transform_indices = @transform_5, window_bounds = array<i64: 632, 128>}, {pipeline_mode = #tpu.pipeline_mode<synchronous>, transform_indices = @transform_6, window_bounds = array<i64: 128, 128>}, {pipeline_mode = #tpu.pipeline_mode<synchronous>, transform_indices = @transform_7, window_bounds = array<i64: 128, 128>}, {pipeline_mode = #tpu.pipeline_mode<synchronous>, transform_indices = @transform_8, window_bounds = array<i64: 128, 128>}, {pipeline_mode = #tpu.pipeline_mode<synchronous>, transform_indices = @transform_9, window_bounds = array<i64: 128, 128>}, {pipeline_mode = #tpu.pipeline_mode<synchronous>, transform_indices = @transform_10, window_bounds = array<i64: 1, 128>}, {pipeline_mode = #tpu.pipeline_mode<synchronous>, transform_indices = @transform_11, window_bounds = array<i64: 1, 128>}, {pipeline_mode = #tpu.pipeline_mode<synchronous>, transform_indices = @transform_12, window_bounds = array<i64: 1, 1>}, {transform_indices = @transform_13, window_bounds = array<i64: 632, 128>}, {transform_indices = @transform_14, window_bounds = array<i64: 632, 128>}, {transform_indices = @transform_15, window_bounds = array<i64: 632, 128>}, {transform_indices = @transform_16, window_bounds = array<i64: 632, 128>}]} {
    %get3A = arith.constant 0 : index
    %get3A_0 = arith.constant 0 : index
    %get3A_1 = vector.load %arg13[%get3A, %get3A_0] : memref<1x1xf32, #tpu.memory_space<vmem>>, vector<1x1xf32>
    %get3A_2 = vector.extract %get3A_1[0, 0] : f32 from vector<1x1xf32>
    %get3A_3 = arith.constant 0 : index
    %get3A_4 = arith.constant 0 : index
    %get3A_5 = vector.load %arg1[%get3A_3, %get3A_4] : memref<632x128xf32, #tpu.memory_space<vmem>>, vector<632x128xf32>
    %get3A_6 = arith.constant 0 : index
    %get3A_7 = arith.constant 0 : index
    %get3A_8 = vector.load %arg2[%get3A_6, %get3A_7] : memref<632x128xf32, #tpu.memory_space<vmem>>, vector<632x128xf32>
    %max3A = arith.constant 1.000000e+00 : f32
    %max3A_9 = vector.broadcast %max3A : f32 to vector<632x128xf32>
    %max3A_10 = arith.maximumf %get3A_8, %max3A_9 : vector<632x128xf32>
    %div3A = arith.divf %get3A_5, %max3A_10 : vector<632x128xf32>
    %get3A_11 = arith.constant 0 : index
    %get3A_12 = arith.constant 0 : index
    %get3A_13 = vector.load %arg3[%get3A_11, %get3A_12] : memref<632x128xf32, #tpu.memory_space<vmem>>, vector<632x128xf32>
    %get3A_14 = arith.constant 0 : index
    %get3A_15 = arith.constant 0 : index
    %get3A_16 = vector.load %arg4[%get3A_14, %get3A_15] : memref<632x128xf32, #tpu.memory_space<vmem>>, vector<632x128xf32>
    %max3A_17 = arith.constant 1.000000e+00 : f32
    %max3A_18 = vector.broadcast %max3A_17 : f32 to vector<632x128xf32>
    %max3A_19 = arith.maximumf %get3A_16, %max3A_18 : vector<632x128xf32>
    %div3A_20 = arith.divf %get3A_13, %max3A_19 : vector<632x128xf32>
    %get3A_21 = arith.constant 0 : index
    %get3A_22 = arith.constant 0 : index
    %get3A_23 = vector.load %arg11[%get3A_21, %get3A_22] : memref<1x128xf32, #tpu.memory_space<vmem>>, vector<1x128xf32>
    %add3A = vector.broadcast %get3A_23 : vector<1x128xf32> to vector<632x128xf32>
    %add3A_24 = arith.addf %div3A, %add3A : vector<632x128xf32>
    %get3A_25 = arith.constant 0 : index
    %get3A_26 = arith.constant 0 : index
    %get3A_27 = vector.load %arg5[%get3A_25, %get3A_26] : memref<632x128xf32, #tpu.memory_space<vmem>>, vector<632x128xf32>
    %get3A_28 = arith.constant 0 : index
    %get3A_29 = arith.constant 0 : index
    %get3A_30 = vector.load %arg7[%get3A_28, %get3A_29] : memref<128x128xf32, #tpu.memory_space<vmem>>, vector<128x128xf32>
    %dot_general3A = arith.constant dense<0.000000e+00> : vector<632x128xf32>
    %dot_general3A_31 = tpu.matmul %get3A_27, %get3A_30, %dot_general3A {dimension_numbers = #tpu.dot_dimension_numbers<[1], [0], [0], [1], [0, 0, 1, 1], [], []>, transpose_lhs_hint = false} : vector<632x128xf32>, vector<128x128xf32>, vector<632x128xf32> -> vector<632x128xf32>
    %add3A_32 = arith.addf %add3A_24, %dot_general3A_31 : vector<632x128xf32>
    %get3A_33 = arith.constant 0 : index
    %get3A_34 = arith.constant 0 : index
    %get3A_35 = vector.load %arg12[%get3A_33, %get3A_34] : memref<1x128xf32, #tpu.memory_space<vmem>>, vector<1x128xf32>
    %add3A_36 = vector.broadcast %get3A_35 : vector<1x128xf32> to vector<632x128xf32>
    %add3A_37 = arith.addf %div3A_20, %add3A_36 : vector<632x128xf32>
    %get3A_38 = arith.constant 0 : index
    %get3A_39 = arith.constant 0 : index
    %get3A_40 = vector.load %arg6[%get3A_38, %get3A_39] : memref<632x128xf32, #tpu.memory_space<vmem>>, vector<632x128xf32>
    %get3A_41 = arith.constant 0 : index
    %get3A_42 = arith.constant 0 : index
    %get3A_43 = vector.load %arg8[%get3A_41, %get3A_42] : memref<128x128xf32, #tpu.memory_space<vmem>>, vector<128x128xf32>
    %dot_general3A_44 = arith.constant dense<0.000000e+00> : vector<632x128xf32>
    %dot_general3A_45 = tpu.matmul %get3A_40, %get3A_43, %dot_general3A_44 {dimension_numbers = #tpu.dot_dimension_numbers<[1], [0], [0], [1], [0, 0, 1, 1], [], []>, transpose_lhs_hint = false} : vector<632x128xf32>, vector<128x128xf32>, vector<632x128xf32> -> vector<632x128xf32>
    %add3A_46 = arith.addf %add3A_37, %dot_general3A_45 : vector<632x128xf32>
    %mul3A = vector.broadcast %get3A_2 : f32 to vector<632x128xf32>
    %mul3A_47 = arith.mulf %mul3A, %add3A_32 : vector<632x128xf32>
    %max3A_48 = arith.maximumf %add3A_32, %mul3A_47 : vector<632x128xf32>
    %mul3A_49 = vector.broadcast %get3A_2 : f32 to vector<632x128xf32>
    %mul3A_50 = arith.mulf %mul3A_49, %add3A_46 : vector<632x128xf32>
    %max3A_51 = arith.maximumf %add3A_46, %mul3A_50 : vector<632x128xf32>
    %swap3A = arith.constant 0 : index
    %swap3A_52 = arith.constant 0 : index
    %swap3A_53 = vector.load %arg16[%swap3A, %swap3A_52] : memref<632x128xf32, #tpu.memory_space<vmem>>, vector<632x128xf32>
    tpu.vector_store %arg16[%swap3A, %swap3A_52], %max3A_48 {strides = array<i32>} : memref<632x128xf32, #tpu.memory_space<vmem>>, vector<632x128xf32>,
    %swap3A_54 = arith.constant 0 : index
    %swap3A_55 = arith.constant 0 : index
    %swap3A_56 = vector.load %arg17[%swap3A_54, %swap3A_55] : memref<632x128xf32, #tpu.memory_space<vmem>>, vector<632x128xf32>
    tpu.vector_store %arg17[%swap3A_54, %swap3A_55], %max3A_51 {strides = array<i32>} : memref<632x128xf32, #tpu.memory_space<vmem>>, vector<632x128xf32>,
    %get3A_57 = arith.constant 0 : index
    %get3A_58 = arith.constant 0 : index
    %get3A_59 = vector.load %arg9[%get3A_57, %get3A_58] : memref<128x128xf32, #tpu.memory_space<vmem>>, vector<128x128xf32>
    %dot_general3A_60 = arith.constant dense<0.000000e+00> : vector<632x128xf32>
    %dot_general3A_61 = tpu.matmul %max3A_51, %get3A_59, %dot_general3A_60 {dimension_numbers = #tpu.dot_dimension_numbers<[1], [0], [0], [1], [0, 0, 1, 1], [], []>, transpose_lhs_hint = false} : vector<632x128xf32>, vector<128x128xf32>, vector<632x128xf32> -> vector<632x128xf32>
    %swap3A_62 = arith.constant 0 : index
    %swap3A_63 = arith.constant 0 : index
    %swap3A_64 = vector.load %arg14[%swap3A_62, %swap3A_63] : memref<632x128xf32, #tpu.memory_space<vmem>>, vector<632x128xf32>
    tpu.vector_store %arg14[%swap3A_62, %swap3A_63], %dot_general3A_61 {strides = array<i32>} : memref<632x128xf32, #tpu.memory_space<vmem>>, vector<632x128xf32>,
    %get3A_65 = arith.constant 0 : index
    %get3A_66 = arith.constant 0 : index
    %get3A_67 = vector.load %arg10[%get3A_65, %get3A_66] : memref<128x128xf32, #tpu.memory_space<vmem>>, vector<128x128xf32>
    %dot_general3A_68 = arith.constant dense<0.000000e+00> : vector<632x128xf32>
    %dot_general3A_69 = tpu.matmul %max3A_48, %get3A_67, %dot_general3A_68 {dimension_numbers = #tpu.dot_dimension_numbers<[1], [0], [0], [1], [0, 0, 1, 1], [], []>, transpose_lhs_hint = false} : vector<632x128xf32>, vector<128x128xf32>, vector<632x128xf32> -> vector<632x128xf32>
    %swap3A_70 = arith.constant 0 : index
    %swap3A_71 = arith.constant 0 : index
    %swap3A_72 = vector.load %arg15[%swap3A_70, %swap3A_71] : memref<632x128xf32, #tpu.memory_space<vmem>>, vector<632x128xf32>
    tpu.vector_store %arg15[%swap3A_70, %swap3A_71], %dot_general3A_69 {strides = array<i32>} : memref<632x128xf32, #tpu.memory_space<vmem>>, vector<632x128xf32>,
    return
  }
  func.func @transform_0(%arg0: i32) -> (i32, i32) {
    %c0_i32 = arith.constant 0 : i32
    %c0_i32_0 = arith.constant 0 : i32
    return %arg0, %c0_i32 : i32, i32
  }
  func.func @transform_1(%arg0: i32) -> (i32, i32) {
    %c0_i32 = arith.constant 0 : i32
    %c0_i32_0 = arith.constant 0 : i32
    return %arg0, %c0_i32 : i32, i32
  }
  func.func @transform_2(%arg0: i32) -> (i32, i32) {
    %c0_i32 = arith.constant 0 : i32
    %c0_i32_0 = arith.constant 0 : i32
    return %arg0, %c0_i32 : i32, i32
  }
  func.func @transform_3(%arg0: i32) -> (i32, i32) {
    %c0_i32 = arith.constant 0 : i32
    %c0_i32_0 = arith.constant 0 : i32
    return %arg0, %c0_i32 : i32, i32
  }
  func.func @transform_4(%arg0: i32) -> (i32, i32) {
    %c0_i32 = arith.constant 0 : i32
    %c0_i32_0 = arith.constant 0 : i32
    return %arg0, %c0_i32 : i32, i32
  }
  func.func @transform_5(%arg0: i32) -> (i32, i32) {
    %c0_i32 = arith.constant 0 : i32
    %c0_i32_0 = arith.constant 0 : i32
    return %arg0, %c0_i32 : i32, i32
  }
  func.func @transform_6(%arg0: i32) -> (i32, i32) {
    %c0_i32 = arith.constant 0 : i32
    %c0_i32_0 = arith.constant 0 : i32
    %c0_i32_1 = arith.constant 0 : i32
    return %c0_i32, %c0_i32_0 : i32, i32
  }
  func.func @transform_7(%arg0: i32) -> (i32, i32) {
    %c0_i32 = arith.constant 0 : i32
    %c0_i32_0 = arith.constant 0 : i32
    %c0_i32_1 = arith.constant 0 : i32
    return %c0_i32, %c0_i32_0 : i32, i32
  }
  func.func @transform_8(%arg0: i32) -> (i32, i32) {
    %c0_i32 = arith.constant 0 : i32
    %c0_i32_0 = arith.constant 0 : i32
    %c0_i32_1 = arith.constant 0 : i32
    return %c0_i32, %c0_i32_0 : i32, i32
  }
  func.func @transform_9(%arg0: i32) -> (i32, i32) {
    %c0_i32 = arith.constant 0 : i32
    %c0_i32_0 = arith.constant 0 : i32
    %c0_i32_1 = arith.constant 0 : i32
    return %c0_i32, %c0_i32_0 : i32, i32
  }
  func.func @transform_10(%arg0: i32) -> (i32, i32) {
    %c0_i32 = arith.constant 0 : i32
    %c0_i32_0 = arith.constant 0 : i32
    %c0_i32_1 = arith.constant 0 : i32
    return %c0_i32, %c0_i32_0 : i32, i32
  }
  func.func @transform_11(%arg0: i32) -> (i32, i32) {
    %c0_i32 = arith.constant 0 : i32
    %c0_i32_0 = arith.constant 0 : i32
    %c0_i32_1 = arith.constant 0 : i32
    return %c0_i32, %c0_i32_0 : i32, i32
  }
  func.func @transform_12(%arg0: i32) -> (i32, i32) {
    %c0_i32 = arith.constant 0 : i32
    %c0_i32_0 = arith.constant 0 : i32
    %c0_i32_1 = arith.constant 0 : i32
    return %c0_i32, %c0_i32_0 : i32, i32
  }
  func.func @transform_13(%arg0: i32) -> (i32, i32) {
    %c0_i32 = arith.constant 0 : i32
    %c0_i32_0 = arith.constant 0 : i32
    return %arg0, %c0_i32 : i32, i32
  }
  func.func @transform_14(%arg0: i32) -> (i32, i32) {
    %c0_i32 = arith.constant 0 : i32
    %c0_i32_0 = arith.constant 0 : i32
    return %arg0, %c0_i32 : i32, i32
  }
  func.func @transform_15(%arg0: i32) -> (i32, i32) {
    %c0_i32 = arith.constant 0 : i32
    %c0_i32_0 = arith.constant 0 : i32
    return %arg0, %c0_i32 : i32, i32
  }
  func.func @transform_16(%arg0: i32) -> (i32, i32) {
    %c0_i32 = arith.constant 0 : i32
    %c0_i32_0 = arith.constant 0 : i32
    return %arg0, %c0_i32 : i32, i32
  }
}

module attributes {stable_mosaic.version = 14 : i64} {
  func.func @_fin_body(%arg0: i32, %arg1: memref<2048x128xf32, #tpu.memory_space<vmem>>, %arg2: memref<2048x1xf32, #tpu.memory_space<vmem>>) attributes {dimension_semantics = [#tpu.dimension_semantics<arbitrary>], iteration_bounds = array<i64: 8>, scalar_prefetch = 0 : i64, scratch_operands = 0 : i64, tpu.core_type = #tpu.core_type<tc>, window_params = [{transform_indices = @transform_0, window_bounds = array<i64: 2048, 128>}, {transform_indices = @transform_1, window_bounds = array<i64: 2048, 1>}]} {
    %get3A = arith.constant 0 : index
    %get3A_0 = arith.constant 0 : index
    %get3A_1 = vector.load %arg1[%get3A, %get3A_0] : memref<2048x128xf32, #tpu.memory_space<vmem>>, vector<2048x128xf32>
    %slice3A = vector.extract_strided_slice %get3A_1 {offsets = [0, 0], sizes = [2048, 16], strides = [1, 1]} : vector<2048x128xf32> to vector<2048x16xf32>
    %reduce_sum3A = arith.constant dense<0.000000e+00> : vector<2048xf32>
    %reduce_sum3A_2 = vector.multi_reduction <add>, %slice3A, %reduce_sum3A [1] : vector<2048x16xf32> to vector<2048xf32>
    %broadcast_in_dim3A = vector.shape_cast %reduce_sum3A_2 : vector<2048xf32> to vector<2048x1xf32>
    %swap3A = arith.constant 0 : index
    %swap3A_3 = arith.constant 0 : index
    %swap3A_4 = vector.load %arg2[%swap3A, %swap3A_3] : memref<2048x1xf32, #tpu.memory_space<vmem>>, vector<2048x1xf32>
    tpu.vector_store %arg2[%swap3A, %swap3A_3], %broadcast_in_dim3A {strides = array<i32>} : memref<2048x1xf32, #tpu.memory_space<vmem>>, vector<2048x1xf32>,
    return
  }
  func.func @transform_0(%arg0: i32) -> (i32, i32) {
    %c0_i32 = arith.constant 0 : i32
    %c0_i32_0 = arith.constant 0 : i32
    return %arg0, %c0_i32 : i32, i32
  }
  func.func @transform_1(%arg0: i32) -> (i32, i32) {
    %c0_i32 = arith.constant 0 : i32
    %c0_i32_0 = arith.constant 0 : i32
    return %arg0, %c0_i32 : i32, i32
  }
}

</mosaic_0001>

<sc_bundles>
// kernel: closed_call.17.cloned.1.call-start
scs
__scs_entry_jumppad:
0x0: {  	(pc) =	sbr.rel $0x88, $3  }
0x1: {  	(tag) =	ssettag $0x0;
	lr =	simm.s32 $0x1  }
0x2: {  	[smem:$0x3F91] =	sst lr;
	_ =	strace $0xD0000000  }
0x3: {  	_ = 	snop  }
0x4: {  	_ = 	snop  }
0x5: {  	_ = 	snop  }
0x6: {  	_ = 	snop  }
0x7: {  	_ = 	snop  }
__scs_overlays_trampoline_lowered:
0x8: {  	[smem:$0x3FA0] =	sst s0  }
0x9: {  	[smem:$0x3FA1] =	sst s1  }
0xa: {  	[smem:$0x3FA2] =	sst s2  }
0xb: {  	[smem:$0x3FA3] =	sst s3  }
0xc: {  	[smem:$0x3FA4] =	sst s4  }
0xd: {  	[smem:$0x3FA5] =	sst s5  }
0xe: {  	[smem:$0x3FA6] =	sst s6  }
0xf: {  	[smem:$0x3FA7] =	sst s7  }
0x10: {  	[smem:$0x3FA8] =	sst s8  }
0x11: {  	[smem:$0x3FA9] =	sst s9;
	s0 =	simm.s32 @!p0 $0x0  }
0x12: {  	s1 =	sld [smem:$0x3F8F];
	s0 =	simm.s32 @p0 $0x1  }
0x13: {  	[smem:$0x3FAA] =	sst s0;
	s0 =	simm.s32 @!p1 $0x0  }
0x14: {  	s2 =	sld [smem:$0x3F8E];
	s0 =	simm.s32 @p1 $0x1  }
0x15: {  	[smem:$0x3FAB] =	sst s0;
	s0 =	simm.s32 @!p2 $0x0  }
0x16: {  	s3 =	sld [smem:$0x3FDB];
	s0 =	simm.s32 @p2 $0x1  }
0x17: {  	s4 =	simm.s32 $0x1BF5;
	[smem:$0x3FAD] =	sst s0  }
0x18: {  	s0 =	sld [smem:$0x3F90];
	_ =	swait.ge [sflag:s4], $0x0  }
0x19: {  	s7 =	sld [smem:$0x3F91]  }
0x1a: {  	s8 =	sadd.s32 $0xFFFFE003, lr  }
0x1b: {  	s9 =	sadd.s32 $0xFFFFFEF7, lr;
	s5 =	simm.s32 $0xFFFFFFFF;
	p2 =	slt.u32 s8, $0xFFFFF086  }
0x1c: {  	p1 =	slt.u32 s9, $0xF7A;
	s5 =	simm.s32 @!p2 $0x0  }
0x1d: {  	s5 =	simm.s32 @p1 $0x1;
	p0 =	seq.s32 s7, s2  }
0x1e: {  	s7 =	smul.u32 @!p0 $0xF7A, s2;
	p2 =	seq.s32 @!p0 s5, $0x0  }
0x1f: {  	s9 =	smul.u32 $0xF7A, s1;
	s8 =	simm.s32 @!p0 $0x1BF5;
	p2 =	por !p2, p0  }
0x20: {  	[sflag:s8] =	ssyncset.s32 @!p0 $0xFFFFF086;
	s6 =	sadd.s32 @!p0 s3, s7;
	s7 =	simm.s32 @!p0 $0x108  }
0x21: {  	s3 =	sadd.s32 s3, s9;
	s6 =	sadd.s32 @!p0 $0x88, s6;
	s7 =	simm.s32 @p2 $0x1082  }
0x22: {  	[simem:s7], [sflag:s8] =	dma.local @!p0 [hbm:s6], $0xF7A  }
0x23: {  	s9 =	sor.u32 $0xD0000000, s2;
	s6 =	simm.s32 $0x108;
	_ =	swait.ge @!p0 [sflag:s8], $0x0  }
0x24: {  	s3 =	sadd.s32 $0x88, s3;
	s6 =	simm.s32 @!p1 $0x1082;
	[sflag:s4] =	ssyncset.s32 $0xFFFFF086  }
0x25: {  	[simem:s6], [sflag:s4] =	dma.local [hbm:s3], $0xF7A  }
0x26: {  	[smem:$0x3F91] =	sst s1;
	(tag) =	ssettag s2;
	_ =	strace s9  }
0x27: {  	s1 =	sld [smem:$0x3FA1]  }
0x28: {  	s2 =	sld [smem:$0x3FA2]  }
0x29: {  	s4 =	sld [smem:$0x3FA4]  }
0x2a: {  	p0 =	seq.s32 s5, $0x0;
	s5 =	sld [smem:$0x3FA5]  }
0x2b: {  	s6 =	sld [smem:$0x3FA6]  }
0x2c: {  	s7 =	sld [smem:$0x3FA7]  }
0x2d: {  	s3 =	simm.s32 $0x108;
	s8 =	sld [smem:$0x3FA8]  }
0x2e: {  	s3 =	simm.s32 @!p0 $0x1082;
	s9 =	sld [smem:$0x3FA9]  }
0x2f: {  	lr =	sadd.s32 s0, s3;
	s0 =	sld [smem:$0x3FA0]  }
0x30: {  	s3 =	sld [smem:$0x3FA3]  }
0x31: {  	[smem:$0x3FAC] =	sst s10  }
0x32: {  	s10 =	sld [smem:$0x3FAA];
	_ =	sdelay $0x3  }
0x33: {  	p0 =	seq.s32 s10, $0x1;
	s10 =	sld [smem:$0x3FAC];
	_ =	sdelay $0x3  }
0x34: {  	[smem:$0x3FAC] =	sst s10  }
0x35: {  	s10 =	sld [smem:$0x3FAB];
	_ =	sdelay $0x3  }
0x36: {  	p1 =	seq.s32 s10, $0x1;
	s10 =	sld [smem:$0x3FAC];
	_ =	sdelay $0x3  }
0x37: {  	[smem:$0x3FAC] =	sst s10  }
0x38: {  	s10 =	sld [smem:$0x3FAD]  }
0x39: {  	_ = 	snop;
	(pc) =	sbr.ind lr, $3  }
0x3a: {  	_ = 	snop  }
0x3b: {  	_ = 	snop  }
0x3c: {  	p2 =	seq.s32 s10, $0x1;
	s10 =	sld [smem:$0x3FAC]  }
0x3d: {  	_ =	shalt  }
0x3e: {  	_ =	shalt  }
0x3f: {  	_ =	shalt  }
0x40: {  	_ =	shalt  }
0x41: {  	_ =	shalt  }
0x42: {  	_ =	shalt  }
0x43: {  	_ =	shalt  }
0x44: {  	_ =	shalt  }
0x45: {  	_ =	shalt  }
0x46: {  	_ =	shalt  }
0x47: {  	_ =	shalt  }
0x48: {  	_ =	shalt  }
0x49: {  	_ =	shalt  }
0x4a: {  	_ =	shalt  }
0x4b: {  	_ =	shalt  }
0x4c: {  	_ =	shalt  }
0x4d: {  	_ =	shalt  }
0x4e: {  	_ =	shalt  }
0x4f: {  	_ =	shalt  }
0x50: {  	_ =	shalt  }
0x51: {  	_ =	shalt  }
0x52: {  	_ =	shalt  }
0x53: {  	_ =	shalt  }
0x54: {  	_ =	shalt  }
0x55: {  	_ =	shalt  }
0x56: {  	_ =	shalt  }
0x57: {  	_ =	shalt  }
0x58: {  	_ =	shalt  }
0x59: {  	_ =	shalt  }
0x5a: {  	_ =	shalt  }
0x5b: {  	_ =	shalt  }
0x5c: {  	_ =	shalt  }
0x5d: {  	_ =	shalt  }
0x5e: {  	_ =	shalt  }
0x5f: {  	_ =	shalt  }
0x60: {  	_ =	shalt  }
0x61: {  	_ =	shalt  }
0x62: {  	_ =	shalt  }
0x63: {  	_ =	shalt  }
0x64: {  	_ =	shalt  }
0x65: {  	_ =	shalt  }
0x66: {  	_ =	shalt  }
0x67: {  	_ =	shalt  }
0x68: {  	_ =	shalt  }
0x69: {  	_ =	shalt  }
0x6a: {  	_ =	shalt  }
0x6b: {  	_ =	shalt  }
0x6c: {  	_ =	shalt  }
0x6d: {  	_ =	shalt  }
0x6e: {  	_ =	shalt  }
0x6f: {  	_ =	shalt  }
0x70: {  	_ =	shalt  }
0x71: {  	_ =	shalt  }
0x72: {  	_ =	shalt  }
0x73: {  	_ =	shalt  }
0x74: {  	_ =	shalt  }
0x75: {  	_ =	shalt  }
0x76: {  	_ =	shalt  }
0x77: {  	_ =	shalt  }
0x78: {  	_ =	shalt  }
0x79: {  	_ =	shalt  }
0x7a: {  	_ =	shalt  }
0x7b: {  	_ =	shalt  }
0x7c: {  	_ =	shalt  }
0x7d: {  	_ =	shalt  }
0x7e: {  	_ =	shalt  }
0x7f: {  	_ =	shalt  }
0x80: {  	_ =	shalt  }
0x81: {  	_ =	shalt  }
0x82: {  	_ =	shalt  }
0x83: {  	_ =	shalt  }
0x84: {  	_ =	shalt  }
0x85: {  	_ =	shalt  }
0x86: {  	_ =	shalt  }
0x87: {  	_ =	shalt  }
.Lfunc_end0:
.L_simem_size_0:
called_computation_lowered:
.L_overlay_start_0:
0x88: {  	s2 =	sld [smem:$0x3FD9]  }
0x89: {  	s3 =	sld [smem:$0x3FFE];
	_ =	sdelay $0x1  }
0x8a: {  	s1 =	srdreg.scid  }
0x8b: {  	s0 =	sand.u32 $0x1, s1  }
0x8c: {  	s16 =	sshll.u32 s0, $0xA;
	s2 =	sadd.s32 s3, s2  }
0x8d: {  	s2 =	sadd.s32 s2, s16  }
0x8e: {  	[smem:$0x3FB8] =	sst s2  }
0x8f: {  	_ = 	snop  }
0x90: {  	(tm) =	ssettm $0x1  }
0x91: {  	s17 =	sld [smem:$0x3FFB];
	_ =	sdelay $0x3  }
0x92: {  	_ =	strace s17  }
0x93: {  	s2 =	sld [smem:$0x3FFC];
	_ =	sdelay $0x3  }
0x94: {  	_ =	strace s2  }
0x95: {  	s2 =	sld [smem:$0x3FFD];
	_ =	sdelay $0x3  }
0x96: {  	_ =	strace s2  }
0x97: {  	_ =	strace $0x8FFFFFFF  }
0x98: {  	s18 =	sld [smem:$0x3FDB];
	_ =	sdelay $0x1  }
0x99: {  	s19 =	simm.s32 $_scs_section_size  }
0x9a: {  	s4 =	simm.s32 $_size__tile_overlayer_lowered;
	s5 =	simm.s32 $_tile_overlayer_lowered  }
0x9b: {  	s22 =	simm.s32 $0x1BFF;
	s21 =	sshll.u32 s5, $0x1;
	s2 =	sadd.s32 s19, s18  }
0x9c: {  	s6 =	simm.s32 $0x0;
	s20 =	sshll.u32 s4, $0x1;
	s4 =	sadd.s32 s21, s2  }
0x9d: {  	[timem:s6], [sflag:s22] =	dma.local [hbm:s4], s20  }
0x9e: {  	_ =	swait.ge [sflag:s22], s20  }
0x9f: {  	s3 =	ssub.s32 $0x0, s20;
	[sflag:s22] =	ssyncset.done $0x0  }
0xa0: {  	[sflag:s22] =	ssyncadd.s32 s3;
	_ =	sdelay $0x1  }
0xa1: {  	s23 =	simm.s32 $0x1B8B  }
0xa2: {  	_ =	swait.ge [sflag:s23], $0x1  }
0xa3: {  	[sflag:s23] =	ssyncset.done $0x0  }
0xa4: {  	s25 =	simm.s32 $0x1B8E;
	s24 =	sld [smem:$0x3FFE];
	[sflag:s23] =	ssyncadd.s32 $0xFFFFFFFF  }
0xa5: {  	s26 =	simm.s32 $execute0_lowered;
	[smem:$0x3FD2] =	sst s25  }
0xa6: {  	s4 =	sshll.u32 s26, $0x1;
	_ =	strace $0x8000004C;
	[dreg:$0x1] =	wrdreg $0xFFFFFFFF  }
0xa7: {  	s28 =	simm.s32 $_size_execute0_lowered;
	s2 =	sadd.s32 s2, s4;
	[dreg:$0x0] =	wrdreg $0x0  }
0xa8: {  	s4 =	sshll.u32 s28, $0x1;
	[dreg:$0x2] =	wrdreg s2  }
0xa9: {  	[dreg:$0x3] =	wrdreg s4  }
0xaa: {  	[dreg:$0x4] =	wrdreg $0xC0  }
0xab: {  	_ =	task [dreg:s6], $0x5FFFF  }
0xac: {  	[dreg:$0x1] =	wrdreg $0xFFFFFFFF  }
0xad: {  	[dreg:$0x0] =	wrdreg $0x60  }
0xae: {  	[dreg:$0x2] =	wrdreg s24  }
0xaf: {  	[dreg:$0x3] =	wrdreg $0xC4000  }
0xb0: {  	[dreg:$0x4] =	wrdreg $0x9  }
0xb1: {  	_ =	task.clear_ibuf [dreg:s6], $0x5FFFF;
	_ =	strace $0x9000004C  }
0xb2: {  	s29 =	simm.s32 $0x9;
	_ =	strace $0x8000004E  }
0xb3: {  	_ =	swait.ge [sflag:s29], $0x1  }
0xb4: {  	[sflag:s29] =	ssyncadd.s32 $0xFFFFFFFF  }
0xb5: {  	_ =	strace $0x9000004E  }
0xb6: {  	_ =	sfence  }
0xb7: {  	s30 =	sld [smem:$0x0];
	_ =	sdelay $0x2  }
0xb8: {  	s31 =	sshll.u32 s1, $0xD;
	s1 =	sshrl.u32 s1, $0x2  }
0xb9: {  	s3 =	sand.u32 $0x4000, s31;
	s1 =	sadd.s32 s1, s30  }
0xba: {  	s0 =	sor.u32 s3, s0;
	s1 =	sshll.u32 s1, $0x11  }
0xbb: {  	s0 =	sor.u32 s1, s0  }
0xbc: {  	s0 =	sadd.s32 $0x8F2B, s0  }
0xbd: {  	[sflag:s0] =	ssyncadd.remote.s32 $0x1  }
0xbe: {  	_ =	sfence.sel $0xFFFF  }
0xbf: {  	[dreg:$0x0] =	wrdreg $0xFFFFFFFF;
	(pc) =	sbr.abs _section_cstart, $3  }
0xc0: {  	[dreg:$0x1] =	wrdreg $0xFFFFFFFF  }
0xc1: {  	_ =	task.clear_ibuf [dreg:s6], $0x2FFFF;
	_ =	strace $0x9FFFFFFF  }
0xc2: {  	(tm) =	ssettm $0x7FFFFFFF  }
0xc3: {  	_ =	shalt  }
tec
execute0_lowered:
.L_overlay_start_1:
0x0: {  	(tag) =	ssettag $0x1  }
0x1: {  	s0 =	rddreg [dreg:$0x0]  }
0x2: {  	s1 =	rddreg [dreg:$0x1];
	s2 =	simm.s32 $0x0;
	s3 =	srdreg.scid  }
0x3: {  	s19 =	stileid.u32;
	s28 =	simm.s32 $0x1;
	s29 =	simm.s32 $0x300  }
0x4: {  	s30 =	simm.s32 $0x8400;
	s31 =	simm.s32 $0x2;
	[smem:$0x7FF] =	sst s2  }
0x5: {  	s4 =	sadd.s32 $0x72200, s0;
	s5 =	sadd.s32 $0x99A00, s0;
	s6 =	sadd.s32 $0x4800, s0  }
0x6: {  	s7 =	sadd.s32 $0xE800, s0;
	s3 =	sand.u32 $0x1, s3;
	s8 =	smul.u32 $0x4F000, s19  }
0x7: {  	s9 =	sadd.s32 $0x18800, s0;
	s14 =	smul.u32 $0x13C00, s19;
	s0 =	sadd.s32 $0xC2200, s0  }
0x8: {  	_ =	strace $0x8000004D;
	[dreg:$0x3] =	wrdreg s9;
	s24 =	ssub.s32 $0x2, s3  }
0x9: {  	s16 =	smul.u32 $0x13C000, s3;
	p0 =	seq.s32 s3, $0x1;
	s10 =	sshrl.u32 s24, $0x1  }
0xa: {  	s8 =	sshrl.u32 s8, $0x2;
	s25 =	sadd.s32 $0x4000, s14;
	s15 =	sadd.s32 $0x8000, s14  }
0xb: {  	s17 =	sadd.s32 $0xC000, s14;
	s18 =	sadd.s32 $0x10000, s14;
	s9 =	ssub.s32 s24, s10  }
0xc: {  	s10 =	sadd.s32 s8, s1;
	s20 =	sadd.s32 s25, s1;
	s11 =	sadd.s32 s15, s1  }
0xd: {  	s12 =	sadd.s32 s17, s1;
	s13 =	sadd.s32 s18, s1;
	s14 =	sadd.s32 s14, s16  }
0xe: {  	s8 =	sadd.s32 s16, s25;
	s21 =	sadd.s32 s16, s15;
	s22 =	sadd.s32 s16, s17  }
0xf: {  	s23 =	sadd.s32 s16, s18;
	s15 =	simm.s32 $0x180;
	s16 =	simm.s32 $0x4  }
0x10: {  	s17 =	simm.s32 $0x0;
	s26 =	sshrl.u32 s14, $0x3;
	s14 =	smul.u32 $0x5000, s19  }
0x11: {  	s19 =	smov.u32 s12;
	s12 =	sshrl.u32 s8, $0x3;
	s8 =	sshrl.u32 s22, $0x3  }
0x12: {  	s18 =	smov.u32 s11;
	s25 =	sshrl.u32 s23, $0x3;
	[dreg:$0x5] =	wrdreg s13  }
0x13: {  	s22 =	simm.s32 $0x5;
	s3 =	sadd.s32 s0, s26;
	[dreg:$0x4] =	wrdreg s19  }
0x14: {  	s23 =	simm.s32 $0x200;
	s24 =	sadd.s32 s0, s8;
	[dreg:$0x6] =	wrdreg s3  }
0x15: {  	s26 =	smax.u32 s9, $0x1;
	s8 =	simm.s32 $0x100;
	[dreg:$0x9] =	wrdreg s24  }
.Ltmp0:
0x16: {  	s3 =	sadd.s32 s0, s12;
	[dreg:$0xb] =	wrdreg s26;
	(pc) =	sbr.rel .LBB2_1-.Ltmp0, $4  }
0x17: {  	s24 =	simm.s32 $0x80;
	[dreg:$0x7] =	wrdreg s3;
	s3 =	sshrl.u32 s21, $0x3  }
0x18: {  	s26 =	simm.s32 $0x4400;
	s21 =	simm.s32 $0x400;
	s3 =	sadd.s32 s0, s3  }
0x19: {  	s0 =	sadd.s32 s0, s25;
	s25 =	simm.s32 $0x280;
	[dreg:$0x8] =	wrdreg s3  }
0x1a: {  	[dreg:$0xa] =	wrdreg s0;
	s0 =	simm.s32 $0x3;
	s3 =	simm.s32 $0x380  }
.LBB2_7:
0x1b: {  	s9 =	sadd.s32 s6, s20;
	[sflag:s16] =	ssyncadd.s32 $0xFFFFC000  }
0x1c: {  	[tilespmem:s2], [sflag:$0x5] =	stream.linear.gather [hbm4b:s9+s2], $0x200, $0x38;
	v63 =	vld [tilespmem:$0x0]  }
0x1d: {  	_ =	swait.ge [sflag:s22], $0x200  }
0x1e: {  	[sflag:s22] =	ssyncset.done $0x0  }
0x1f: {  	s20 =	sadd.s32 s7, s20;
	[sflag:s22] =	ssyncadd.s32 $0xFFFFFE00  }
0x20: {  	[tilespmem:s23], [sflag:$0x5] =	stream.linear.gather [hbm4b:s20+s2], $0x200, $0x38;
	v63 =	vld [tilespmem:$0x0]  }
0x21: {  	_ =	swait.ge [sflag:s22], $0x200  }
0x22: {  	[sflag:s22] =	ssyncset.done $0x0  }
0x23: {  	[sflag:s22] =	ssyncadd.s32 $0xFFFFFE00  }
0x24: {  	[tilespmem:s21], [sflag:$0x1] =	stream.indirect.gather [hbm4b:s5+s24], $0x80, s23, s24, $0xb8;
	v63 =	vld [tilespmem:$0x0]  }
0x25: {  	_ = 	snop  }
0x26: {  	[tilespmem:s26], [sflag:$0x2] =	stream.indirect.gather [hbm4b:s5+s24], $0x80, s25, s24, $0xb8;
	v63 =	vld [tilespmem:$0x0]  }
0x27: {  	_ =	swait.ge [sflag:s28], $0x4000  }
0x28: {  	[sflag:s28] =	ssyncset.done $0x0  }
0x29: {  	[sflag:s28] =	ssyncadd.s32 $0xFFFFC000  }
0x2a: {  	[tilespmem:s30], [sflag:$0x1] =	stream.indirect.gather [hbm4b:s5+s24], $0x80, s29, s24, $0xb8;
	v63 =	vld [tilespmem:$0x0]  }
0x2b: {  	_ = 	snop  }
0x2c: {  	[spmem:s1] =	stream.indirect.scatter.add.f32 [tilespmem:s21], [sflag:$0x3], $0x80, s2, s24, $0xb8;
	v63 =	vld [tilespmem:$0x0]  }
0x2d: {  	_ =	swait.ge [sflag:s31], $0x4000  }
0x2e: {  	[sflag:s31] =	ssyncset.done $0x0  }
0x2f: {  	[sflag:s31] =	ssyncadd.s32 $0xFFFFC000  }
0x30: {  	_ =	swait.ge [sflag:s0], $0x4000  }
0x31: {  	[sflag:s0] =	ssyncset.done $0x0  }
0x32: {  	[sflag:s0] =	ssyncadd.s32 $0xFFFFC000  }
0x33: {  	[tilespmem:s21], [sflag:$0x2] =	stream.indirect.gather [hbm4b:s5+s24], $0x80, s3, s24, $0xb8;
	v63 =	vld [tilespmem:$0x0]  }
0x34: {  	_ = 	snop  }
0x35: {  	[spmem:s1] =	stream.indirect.scatter.add.f32 [tilespmem:s26], [sflag:$0x4], $0x80, s24, s24, $0xb8;
	v63 =	vld [tilespmem:$0x0]  }
0x36: {  	_ =	swait.ge [sflag:s28], $0x4000  }
0x37: {  	[sflag:s28] =	ssyncset.done $0x0  }
0x38: {  	[sflag:s28] =	ssyncadd.s32 $0xFFFFC000  }
0x39: {  	[spmem:s1] =	stream.indirect.scatter.add.f32 [tilespmem:s30], [sflag:$0x3], $0x80, s8, s24, $0xb8;
	v63 =	vld [tilespmem:$0x0]  }
0x3a: {  	_ =	swait.ge [sflag:s31], $0x4000  }
0x3b: {  	[sflag:s31] =	ssyncset.done $0x0  }
0x3c: {  	[sflag:s31] =	ssyncadd.s32 $0xFFFFC000  }
0x3d: {  	[spmem:s1] =	stream.indirect.scatter.add.f32 [tilespmem:s21], [sflag:$0x4], $0x80, s15, s24, $0xb8;
	v63 =	vld [tilespmem:$0x0]  }
0x3e: {  	_ =	swait.ge [sflag:s16], $0x4000  }
0x3f: {  	[sflag:s16] =	ssyncset.done $0x0  }
0x40: {  	[sflag:s16] =	ssyncadd.s32 $0xFFFFC000  }
0x41: {  	_ =	swait.ge [sflag:s0], $0x4000  }
0x42: {  	[sflag:s0] =	ssyncset.done $0x0  }
0x43: {  	[sflag:s0] =	ssyncadd.s32 $0xFFFFC000  }
0x44: {  	_ =	swait.ge [sflag:s16], $0x4000  }
0x45: {  	[sflag:s16] =	ssyncset.done $0x0  }
0x46: {  	s10 =	smov.u32 s11;
	[sflag:s16] =	ssyncadd.s32 $0xFFFFC000  }
.LBB2_8:
0x47: {  	[bflag:$0x0] =	sbarrier.arrive $0xFFFF  }
0x48: {  	[tilespmem:s21], [sflag:$0x5] =	stream.linear.gather [spmem:s10], $0x4000, $0x38;
	v63 =	vld [tilespmem:$0x0]  }
0x49: {  	_ =	swait.ge [sflag:s22], $0x4000  }
0x4a: {  	[sflag:s22] =	ssyncset.done $0x0  }
0x4b: {  	s9 =	rddreg [dreg:$0x6];
	[sflag:s22] =	ssyncadd.s32 $0xFFFFC000  }
0x4c: {  	[hbm4b:s9+s2] =	stream.linear.scatter [tilespmem:s21], [sflag:$0x5], $0x4000, $0x38;
	v63 =	vld [tilespmem:$0x0]  }
0x4d: {  	_ =	swait.ge [sflag:s22], $0x4000  }
0x4e: {  	[sflag:s22] =	ssyncset.done $0x0  }
0x4f: {  	[sflag:s22] =	ssyncadd.s32 $0xFFFFC000  }
0x50: {  	[tilespmem:s21], [sflag:$0x5] =	stream.linear.gather [spmem:s12], $0x4000, $0x38;
	v63 =	vld [tilespmem:$0x0]  }
0x51: {  	_ =	swait.ge [sflag:s22], $0x4000  }
0x52: {  	[sflag:s22] =	ssyncset.done $0x0  }
0x53: {  	s11 =	rddreg [dreg:$0x7];
	[sflag:s22] =	ssyncadd.s32 $0xFFFFC000  }
0x54: {  	[hbm4b:s11+s2] =	stream.linear.scatter [tilespmem:s21], [sflag:$0x5], $0x4000, $0x38;
	v63 =	vld [tilespmem:$0x0]  }
0x55: {  	_ =	swait.ge [sflag:s22], $0x4000  }
0x56: {  	[sflag:s22] =	ssyncset.done $0x0  }
0x57: {  	[sflag:s22] =	ssyncadd.s32 $0xFFFFC000  }
0x58: {  	[tilespmem:s21], [sflag:$0x5] =	stream.linear.gather [spmem:s13], $0x4000, $0x38;
	v63 =	vld [tilespmem:$0x0]  }
0x59: {  	_ =	swait.ge [sflag:s22], $0x4000  }
0x5a: {  	[sflag:s22] =	ssyncset.done $0x0  }
0x5b: {  	s20 =	smov.u32 s12;
	s12 =	rddreg [dreg:$0x8];
	[sflag:s22] =	ssyncadd.s32 $0xFFFFC000  }
0x5c: {  	[hbm4b:s12+s2] =	stream.linear.scatter [tilespmem:s21], [sflag:$0x5], $0x4000, $0x38;
	v63 =	vld [tilespmem:$0x0]  }
0x5d: {  	_ =	swait.ge [sflag:s22], $0x4000  }
0x5e: {  	[sflag:s22] =	ssyncset.done $0x0  }
0x5f: {  	s19 =	rddreg [dreg:$0x4];
	[sflag:s22] =	ssyncadd.s32 $0xFFFFC000  }
0x60: {  	[tilespmem:s21], [sflag:$0x5] =	stream.linear.gather [spmem:s19], $0x4000, $0x38;
	v63 =	vld [tilespmem:$0x0]  }
0x61: {  	_ =	swait.ge [sflag:s22], $0x4000  }
0x62: {  	[sflag:s22] =	ssyncset.done $0x0  }
0x63: {  	s18 =	smov.u32 s13;
	s13 =	rddreg [dreg:$0x9];
	[sflag:s22] =	ssyncadd.s32 $0xFFFFC000  }
0x64: {  	[hbm4b:s13+s2] =	stream.linear.scatter [tilespmem:s21], [sflag:$0x5], $0x4000, $0x38;
	v63 =	vld [tilespmem:$0x0]  }
0x65: {  	_ =	swait.ge [sflag:s22], $0x4000  }
0x66: {  	[sflag:s22] =	ssyncset.done $0x0  }
0x67: {  	s13 =	rddreg [dreg:$0x5];
	[sflag:s22] =	ssyncadd.s32 $0xFFFFC000  }
0x68: {  	[tilespmem:s21], [sflag:$0x5] =	stream.linear.gather [spmem:s13], $0x3C00, $0x38;
	v63 =	vld [tilespmem:$0x0]  }
0x69: {  	_ =	swait.ge [sflag:s22], $0x3C00  }
0x6a: {  	[sflag:s22] =	ssyncset.done $0x0  }
0x6b: {  	s11 =	rddreg [dreg:$0xa];
	[sflag:s22] =	ssyncadd.s32 $0xFFFFC400  }
0x6c: {  	[hbm4b:s11+s2] =	stream.linear.scatter [tilespmem:s21], [sflag:$0x5], $0x3C00, $0x38;
	v63 =	vld [tilespmem:$0x0]  }
0x6d: {  	_ =	swait.ge [sflag:s22], $0x3C00  }
0x6e: {  	s17 =	sadd.s32 $0x1, s17;
	s12 =	rddreg [dreg:$0xb]  }
0x6f: {  	p1 =	sne.s32 s17, s12  }
.Ltmp1:
0x70: {  	_ = 	snop;
	(pc) =	sbr.rel @!p1 .LBB2_9-.Ltmp1, $3  }
0x71: {  	_ =	sdelay $0x1  }
0x72: {  	[sflag:s22] =	ssyncset.done $0x0  }
0x73: {  	[sflag:s22] =	ssyncadd.s32 $0xFFFFC400  }
.LBB2_1:
0x74: {  	s9 =	rddreg [dreg:$0x3]  }
0x75: {  	[tilespmem:s21], [sflag:$0x5] =	stream.linear.gather [hbm4b:s9+s2], $0x4000, $0x38;
	v63 =	vld [tilespmem:$0x0]  }
0x76: {  	_ =	swait.ge [sflag:s22], $0x4000  }
0x77: {  	[sflag:s22] =	ssyncset.done $0x0  }
0x78: {  	[sflag:s22] =	ssyncadd.s32 $0xFFFFC000  }
0x79: {  	[spmem:s10] =	stream.linear.scatter [tilespmem:s21], [sflag:$0x5], $0x4000, $0x38;
	v63 =	vld [tilespmem:$0x0]  }
0x7a: {  	_ =	swait.ge [sflag:s22], $0x4000  }
0x7b: {  	[sflag:s22] =	ssyncset.done $0x0  }
0x7c: {  	[sflag:s22] =	ssyncadd.s32 $0xFFFFC000  }
0x7d: {  	[spmem:s20] =	stream.linear.scatter [tilespmem:s21], [sflag:$0x5], $0x4000, $0x38;
	v63 =	vld [tilespmem:$0x0]  }
0x7e: {  	_ =	swait.ge [sflag:s22], $0x4000  }
0x7f: {  	[sflag:s22] =	ssyncset.done $0x0  }
0x80: {  	[sflag:s22] =	ssyncadd.s32 $0xFFFFC000  }
0x81: {  	[spmem:s18] =	stream.linear.scatter [tilespmem:s21], [sflag:$0x5], $0x4000, $0x38;
	v63 =	vld [tilespmem:$0x0]  }
0x82: {  	_ =	swait.ge [sflag:s22], $0x4000  }
0x83: {  	[sflag:s22] =	ssyncset.done $0x0  }
0x84: {  	[sflag:s22] =	ssyncadd.s32 $0xFFFFC000  }
0x85: {  	[spmem:s19] =	stream.linear.scatter [tilespmem:s21], [sflag:$0x5], $0x4000, $0x38;
	v63 =	vld [tilespmem:$0x0]  }
0x86: {  	_ =	swait.ge [sflag:s22], $0x4000  }
0x87: {  	[sflag:s22] =	ssyncset.done $0x0  }
0x88: {  	s11 =	smov.u32 s10;
	s10 =	smov.u32 s13;
	[sflag:s22] =	ssyncadd.s32 $0xFFFFC000  }
0x89: {  	[spmem:s10] =	stream.linear.scatter [tilespmem:s21], [sflag:$0x5], $0x3C00, $0x38;
	v63 =	vld [tilespmem:$0x0]  }
.Ltmp2:
0x8a: {  	_ =	swait.ge [sflag:s22], $0x3C00;
	(pc) =	sbr.rel @!p0 .LBB2_2-.Ltmp2, $4  }
0x8b: {  	[sflag:s22] =	ssyncset.done $0x0  }
0x8c: {  	[sflag:s22] =	ssyncadd.s32 $0xFFFFC400  }
0x8d: {  	s12 =	smov.u32 s20;
	s20 =	sand.u32 $0x7C00, s2;
	[bflag:$0x0] =	sbarrier.arrive $0xFFFF  }
0x8e: {  	s13 =	smov.u32 s18;
	s9 =	sadd.s32 s14, s20  }
0x8f: {  	s10 =	sand.u32 $0x200, s2  }
0x90: {  	s9 =	sor.u32 s10, s9  }
0x91: {  	s9 =	sshrl.u32 s9, $0x3  }
0x92: {  	s18 =	sadd.s32 s6, s9  }
0x93: {  	[tilespmem:s2], [sflag:$0x5] =	stream.linear.gather [hbm4b:s18+s2], $0x200, $0x38;
	v63 =	vld [tilespmem:$0x0]  }
0x94: {  	_ =	swait.ge [sflag:s22], $0x200  }
0x95: {  	[sflag:s22] =	ssyncset.done $0x0  }
0x96: {  	s9 =	sadd.s32 s7, s9;
	[sflag:s22] =	ssyncadd.s32 $0xFFFFFE00  }
0x97: {  	[tilespmem:s23], [sflag:$0x5] =	stream.linear.gather [hbm4b:s9+s2], $0x200, $0x38;
	v63 =	vld [tilespmem:$0x0]  }
0x98: {  	_ =	swait.ge [sflag:s22], $0x200  }
0x99: {  	[sflag:s22] =	ssyncset.done $0x0  }
0x9a: {  	[sflag:s22] =	ssyncadd.s32 $0xFFFFFE00  }
0x9b: {  	[tilespmem:s21], [sflag:$0x1] =	stream.indirect.gather [hbm4b:s5+s24], $0x80, s23, s24, $0xb8;
	v63 =	vld [tilespmem:$0x0]  }
0x9c: {  	_ = 	snop  }
0x9d: {  	[tilespmem:s26], [sflag:$0x2] =	stream.indirect.gather [hbm4b:s5+s24], $0x80, s25, s24, $0xb8;
	v63 =	vld [tilespmem:$0x0]  }
0x9e: {  	_ =	swait.ge [sflag:s28], $0x4000  }
0x9f: {  	[sflag:s28] =	ssyncset.done $0x0  }
0xa0: {  	[sflag:s28] =	ssyncadd.s32 $0xFFFFC000  }
0xa1: {  	[tilespmem:s30], [sflag:$0x1] =	stream.indirect.gather [hbm4b:s5+s24], $0x80, s29, s24, $0xb8;
	v63 =	vld [tilespmem:$0x0]  }
0xa2: {  	_ = 	snop  }
0xa3: {  	[spmem:s1] =	stream.indirect.scatter.add.f32 [tilespmem:s21], [sflag:$0x3], $0x80, s2, s24, $0xb8;
	v63 =	vld [tilespmem:$0x0]  }
0xa4: {  	_ =	swait.ge [sflag:s31], $0x4000  }
0xa5: {  	[sflag:s31] =	ssyncset.done $0x0  }
0xa6: {  	[sflag:s31] =	ssyncadd.s32 $0xFFFFC000  }
0xa7: {  	_ =	swait.ge [sflag:s0], $0x4000  }
0xa8: {  	[sflag:s0] =	ssyncset.done $0x0  }
0xa9: {  	[sflag:s0] =	ssyncadd.s32 $0xFFFFC000  }
0xaa: {  	[tilespmem:s21], [sflag:$0x2] =	stream.indirect.gather [hbm4b:s5+s24], $0x80, s3, s24, $0xb8;
	v63 =	vld [tilespmem:$0x0]  }
0xab: {  	_ = 	snop  }
0xac: {  	[spmem:s1] =	stream.indirect.scatter.add.f32 [tilespmem:s26], [sflag:$0x4], $0x80, s24, s24, $0xb8;
	v63 =	vld [tilespmem:$0x0]  }
0xad: {  	_ =	swait.ge [sflag:s28], $0x4000  }
0xae: {  	[sflag:s28] =	ssyncset.done $0x0  }
0xaf: {  	[sflag:s28] =	ssyncadd.s32 $0xFFFFC000  }
0xb0: {  	[spmem:s1] =	stream.indirect.scatter.add.f32 [tilespmem:s30], [sflag:$0x3], $0x80, s8, s24, $0xb8;
	v63 =	vld [tilespmem:$0x0]  }
0xb1: {  	_ =	swait.ge [sflag:s31], $0x4000  }
0xb2: {  	[sflag:s31] =	ssyncset.done $0x0  }
0xb3: {  	[sflag:s31] =	ssyncadd.s32 $0xFFFFC000  }
0xb4: {  	[spmem:s1] =	stream.indirect.scatter.add.f32 [tilespmem:s21], [sflag:$0x4], $0x80, s15, s24, $0xb8;
	v63 =	vld [tilespmem:$0x0]  }
0xb5: {  	_ =	swait.ge [sflag:s16], $0x4000  }
0xb6: {  	[sflag:s16] =	ssyncset.done $0x0  }
0xb7: {  	[sflag:s16] =	ssyncadd.s32 $0xFFFFC000  }
0xb8: {  	s19 =	simm.s32 $0x200;
	_ =	swait.ge [sflag:s0], $0x4000  }
0xb9: {  	s20 =	sand.u32 $0x7C00, s19;
	[sflag:s0] =	ssyncset.done $0x0  }
0xba: {  	s10 =	sadd.s32 s14, s20;
	s9 =	sand.u32 $0x200, s19;
	[sflag:s0] =	ssyncadd.s32 $0xFFFFC000  }
0xbb: {  	s10 =	sor.u32 s9, s10;
	_ =	swait.ge [sflag:s16], $0x4000  }
0xbc: {  	s9 =	simm.s32 $0x400;
	s20 =	sshrl.u32 s10, $0x3;
	[sflag:s16] =	ssyncset.done $0x0  }
.LBB2_6:
0xbd: {  	s10 =	sadd.s32 s6, s20  }
0xbe: {  	[sflag:s16] =	ssyncadd.s32 $0xFFFFC000;
	s19 =	smov.u32 s9;
	s18 =	sadd.s32 $0x200, s9  }
0xbf: {  	[tilespmem:s2], [sflag:$0x5] =	stream.linear.gather [hbm4b:s10+s2], $0x200, $0x38;
	v63 =	vld [tilespmem:$0x0]  }
0xc0: {  	p1 =	sne.s32 s9, $0x4E00;
	_ =	swait.ge [sflag:s22], $0x200  }
0xc1: {  	[sflag:s22] =	ssyncset.done $0x0  }
0xc2: {  	s9 =	sadd.s32 s7, s20;
	[sflag:s22] =	ssyncadd.s32 $0xFFFFFE00  }
0xc3: {  	[tilespmem:s23], [sflag:$0x5] =	stream.linear.gather [hbm4b:s9+s2], $0x200, $0x38;
	v63 =	vld [tilespmem:$0x0]  }
0xc4: {  	_ =	swait.ge [sflag:s22], $0x200  }
0xc5: {  	[sflag:s22] =	ssyncset.done $0x0  }
0xc6: {  	[sflag:s22] =	ssyncadd.s32 $0xFFFFFE00  }
0xc7: {  	[tilespmem:s21], [sflag:$0x1] =	stream.indirect.gather [hbm4b:s5+s24], $0x80, s23, s24, $0xb8;
	v63 =	vld [tilespmem:$0x0]  }
0xc8: {  	_ = 	snop  }
0xc9: {  	[tilespmem:s26], [sflag:$0x2] =	stream.indirect.gather [hbm4b:s5+s24], $0x80, s25, s24, $0xb8;
	v63 =	vld [tilespmem:$0x0]  }
0xca: {  	_ =	swait.ge [sflag:s28], $0x4000  }
0xcb: {  	[sflag:s28] =	ssyncset.done $0x0  }
0xcc: {  	[sflag:s28] =	ssyncadd.s32 $0xFFFFC000  }
0xcd: {  	[tilespmem:s30], [sflag:$0x1] =	stream.indirect.gather [hbm4b:s5+s24], $0x80, s29, s24, $0xb8;
	v63 =	vld [tilespmem:$0x0]  }
0xce: {  	_ = 	snop  }
0xcf: {  	[spmem:s1] =	stream.indirect.scatter.add.f32 [tilespmem:s21], [sflag:$0x3], $0x80, s2, s24, $0xb8;
	v63 =	vld [tilespmem:$0x0]  }
0xd0: {  	_ =	swait.ge [sflag:s31], $0x4000  }
0xd1: {  	[sflag:s31] =	ssyncset.done $0x0  }
0xd2: {  	[sflag:s31] =	ssyncadd.s32 $0xFFFFC000  }
0xd3: {  	_ =	swait.ge [sflag:s0], $0x4000  }
0xd4: {  	[sflag:s0] =	ssyncset.done $0x0  }
0xd5: {  	[sflag:s0] =	ssyncadd.s32 $0xFFFFC000  }
0xd6: {  	[tilespmem:s21], [sflag:$0x2] =	stream.indirect.gather [hbm4b:s5+s24], $0x80, s3, s24, $0xb8;
	v63 =	vld [tilespmem:$0x0]  }
0xd7: {  	_ = 	snop  }
0xd8: {  	[spmem:s1] =	stream.indirect.scatter.add.f32 [tilespmem:s26], [sflag:$0x4], $0x80, s24, s24, $0xb8;
	v63 =	vld [tilespmem:$0x0]  }
0xd9: {  	_ =	swait.ge [sflag:s28], $0x4000  }
0xda: {  	[sflag:s28] =	ssyncset.done $0x0  }
0xdb: {  	[sflag:s28] =	ssyncadd.s32 $0xFFFFC000  }
0xdc: {  	[spmem:s1] =	stream.indirect.scatter.add.f32 [tilespmem:s30], [sflag:$0x3], $0x80, s8, s24, $0xb8;
	v63 =	vld [tilespmem:$0x0]  }
0xdd: {  	_ =	swait.ge [sflag:s31], $0x4000  }
0xde: {  	[sflag:s31] =	ssyncset.done $0x0  }
0xdf: {  	[sflag:s31] =	ssyncadd.s32 $0xFFFFC000  }
0xe0: {  	[spmem:s1] =	stream.indirect.scatter.add.f32 [tilespmem:s21], [sflag:$0x4], $0x80, s15, s24, $0xb8;
	v63 =	vld [tilespmem:$0x0]  }
0xe1: {  	_ =	swait.ge [sflag:s16], $0x4000  }
0xe2: {  	[sflag:s16] =	ssyncset.done $0x0  }
0xe3: {  	[sflag:s16] =	ssyncadd.s32 $0xFFFFC000  }
.Ltmp3:
0xe4: {  	_ =	swait.ge [sflag:s0], $0x4000;
	(pc) =	sbr.rel @p1 .LBB2_6-.Ltmp3, $4  }
0xe5: {  	s9 =	sand.u32 $0x7C00, s19;
	[sflag:s0] =	ssyncset.done $0x0  }
0xe6: {  	s10 =	sand.u32 $0x200, s19;
	s9 =	sadd.s32 s14, s9;
	[sflag:s0] =	ssyncadd.s32 $0xFFFFC000  }
0xe7: {  	s9 =	sor.u32 s10, s9;
	_ =	swait.ge [sflag:s16], $0x4000  }
0xe8: {  	s20 =	sshrl.u32 s9, $0x3;
	s9 =	smov.u32 s18;
	[sflag:s16] =	ssyncset.done $0x0  }
.Ltmp4:
0xe9: {  	_ = 	snop;
	(pc) =	sbr.rel .LBB2_7-.Ltmp4, $1  }
0xea: {  	_ =	sdelay $0x3  }
.LBB2_2:
0xeb: {  	s18 =	sand.u32 $0x200, s2  }
0xec: {  	s9 =	sor.u32 s18, s9  }
0xed: {  	s9 =	sshrl.u32 s9, $0x3  }
0xee: {  	s10 =	sadd.s32 s6, s9  }
0xef: {  	[tilespmem:s2], [sflag:$0x5] =	stream.linear.gather [hbm4b:s10+s2], $0x200, $0x38;
	v63 =	vld [tilespmem:$0x0]  }
0xf0: {  	_ =	swait.ge [sflag:s22], $0x200  }
0xf1: {  	[sflag:s22] =	ssyncset.done $0x0  }
0xf2: {  	s9 =	sadd.s32 s7, s9;
	[sflag:s22] =	ssyncadd.s32 $0xFFFFFE00  }
0xf3: {  	[tilespmem:s23], [sflag:$0x5] =	stream.linear.gather [hbm4b:s9+s2], $0x200, $0x38;
	v63 =	vld [tilespmem:$0x0]  }
0xf4: {  	_ =	swait.ge [sflag:s22], $0x200  }
0xf5: {  	[sflag:s22] =	ssyncset.done $0x0  }
0xf6: {  	[sflag:s22] =	ssyncadd.s32 $0xFFFFFE00  }
0xf7: {  	[tilespmem:s21], [sflag:$0x1] =	stream.indirect.gather [hbm4b:s4+s24], $0x80, s2, s24, $0xb8;
	v63 =	vld [tilespmem:$0x0]  }
0xf8: {  	_ = 	snop  }
0xf9: {  	[tilespmem:s26], [sflag:$0x2] =	stream.indirect.gather [hbm4b:s4+s24], $0x80, s24, s24, $0xb8;
	v63 =	vld [tilespmem:$0x0]  }
0xfa: {  	_ =	swait.ge [sflag:s28], $0x4000  }
0xfb: {  	[sflag:s28] =	ssyncset.done $0x0  }
0xfc: {  	[sflag:s28] =	ssyncadd.s32 $0xFFFFC000  }
0xfd: {  	[tilespmem:s30], [sflag:$0x1] =	stream.indirect.gather [hbm4b:s4+s24], $0x80, s8, s24, $0xb8;
	v63 =	vld [tilespmem:$0x0]  }
0xfe: {  	_ = 	snop  }
0xff: {  	[spmem:s1] =	stream.indirect.scatter.add.f32 [tilespmem:s21], [sflag:$0x3], $0x80, s23, s24, $0xb8;
	v63 =	vld [tilespmem:$0x0]  }
0x100: {  	_ =	swait.ge [sflag:s31], $0x4000  }
0x101: {  	[sflag:s31] =	ssyncset.done $0x0  }
0x102: {  	[sflag:s31] =	ssyncadd.s32 $0xFFFFC000  }
0x103: {  	_ =	swait.ge [sflag:s0], $0x4000  }
0x104: {  	[sflag:s0] =	ssyncset.done $0x0  }
0x105: {  	[sflag:s0] =	ssyncadd.s32 $0xFFFFC000  }
0x106: {  	[tilespmem:s21], [sflag:$0x2] =	stream.indirect.gather [hbm4b:s4+s24], $0x80, s15, s24, $0xb8;
	v63 =	vld [tilespmem:$0x0]  }
0x107: {  	_ = 	snop  }
0x108: {  	[spmem:s1] =	stream.indirect.scatter.add.f32 [tilespmem:s26], [sflag:$0x4], $0x80, s25, s24, $0xb8;
	v63 =	vld [tilespmem:$0x0]  }
0x109: {  	_ =	swait.ge [sflag:s28], $0x4000  }
0x10a: {  	[sflag:s28] =	ssyncset.done $0x0  }
0x10b: {  	[sflag:s28] =	ssyncadd.s32 $0xFFFFC000  }
0x10c: {  	[spmem:s1] =	stream.indirect.scatter.add.f32 [tilespmem:s30], [sflag:$0x3], $0x80, s29, s24, $0xb8;
	v63 =	vld [tilespmem:$0x0]  }
0x10d: {  	_ =	swait.ge [sflag:s31], $0x4000  }
0x10e: {  	[sflag:s31] =	ssyncset.done $0x0  }
0x10f: {  	[sflag:s31] =	ssyncadd.s32 $0xFFFFC000  }
0x110: {  	[spmem:s1] =	stream.indirect.scatter.add.f32 [tilespmem:s21], [sflag:$0x4], $0x80, s3, s24, $0xb8;
	v63 =	vld [tilespmem:$0x0]  }
0x111: {  	_ =	swait.ge [sflag:s16], $0x4000  }
0x112: {  	[sflag:s16] =	ssyncset.done $0x0  }
0x113: {  	[sflag:s16] =	ssyncadd.s32 $0xFFFFC000  }
0x114: {  	s19 =	simm.s32 $0x200;
	_ =	swait.ge [sflag:s0], $0x4000  }
0x115: {  	s20 =	sand.u32 $0x7C00, s19;
	[sflag:s0] =	ssyncset.done $0x0  }
0x116: {  	s18 =	sadd.s32 s14, s20;
	s9 =	sand.u32 $0x200, s19;
	[sflag:s0] =	ssyncadd.s32 $0xFFFFC000  }
0x117: {  	s9 =	sor.u32 s9, s18;
	_ =	swait.ge [sflag:s16], $0x4000  }
0x118: {  	s18 =	simm.s32 $0x400;
	s20 =	sshrl.u32 s9, $0x3;
	[sflag:s16] =	ssyncset.done $0x0  }
.LBB2_3:
0x119: {  	s10 =	sadd.s32 s6, s20  }
0x11a: {  	[sflag:s16] =	ssyncadd.s32 $0xFFFFC000;
	s19 =	smov.u32 s18;
	s9 =	sadd.s32 $0x200, s18  }
0x11b: {  	[tilespmem:s2], [sflag:$0x5] =	stream.linear.gather [hbm4b:s10+s2], $0x200, $0x38;
	v63 =	vld [tilespmem:$0x0]  }
0x11c: {  	p1 =	seq.s32 s18, $0x4E00;
	_ =	swait.ge [sflag:s22], $0x200  }
0x11d: {  	[sflag:s22] =	ssyncset.done $0x0  }
0x11e: {  	s10 =	sadd.s32 s7, s20;
	[sflag:s22] =	ssyncadd.s32 $0xFFFFFE00  }
0x11f: {  	[tilespmem:s23], [sflag:$0x5] =	stream.linear.gather [hbm4b:s10+s2], $0x200, $0x38;
	v63 =	vld [tilespmem:$0x0]  }
0x120: {  	_ =	swait.ge [sflag:s22], $0x200  }
0x121: {  	[sflag:s22] =	ssyncset.done $0x0  }
0x122: {  	[sflag:s22] =	ssyncadd.s32 $0xFFFFFE00  }
0x123: {  	[tilespmem:s21], [sflag:$0x1] =	stream.indirect.gather [hbm4b:s4+s24], $0x80, s2, s24, $0xb8;
	v63 =	vld [tilespmem:$0x0]  }
0x124: {  	_ = 	snop  }
0x125: {  	[tilespmem:s26], [sflag:$0x2] =	stream.indirect.gather [hbm4b:s4+s24], $0x80, s24, s24, $0xb8;
	v63 =	vld [tilespmem:$0x0]  }
0x126: {  	_ =	swait.ge [sflag:s28], $0x4000  }
0x127: {  	[sflag:s28] =	ssyncset.done $0x0  }
0x128: {  	[sflag:s28] =	ssyncadd.s32 $0xFFFFC000  }
0x129: {  	[tilespmem:s30], [sflag:$0x1] =	stream.indirect.gather [hbm4b:s4+s24], $0x80, s8, s24, $0xb8;
	v63 =	vld [tilespmem:$0x0]  }
0x12a: {  	_ = 	snop  }
0x12b: {  	[spmem:s1] =	stream.indirect.scatter.add.f32 [tilespmem:s21], [sflag:$0x3], $0x80, s23, s24, $0xb8;
	v63 =	vld [tilespmem:$0x0]  }
0x12c: {  	_ =	swait.ge [sflag:s31], $0x4000  }
0x12d: {  	[sflag:s31] =	ssyncset.done $0x0  }
0x12e: {  	[sflag:s31] =	ssyncadd.s32 $0xFFFFC000  }
0x12f: {  	_ =	swait.ge [sflag:s0], $0x4000  }
0x130: {  	[sflag:s0] =	ssyncset.done $0x0  }
0x131: {  	[sflag:s0] =	ssyncadd.s32 $0xFFFFC000  }
0x132: {  	[tilespmem:s21], [sflag:$0x2] =	stream.indirect.gather [hbm4b:s4+s24], $0x80, s15, s24, $0xb8;
	v63 =	vld [tilespmem:$0x0]  }
0x133: {  	_ = 	snop  }
0x134: {  	[spmem:s1] =	stream.indirect.scatter.add.f32 [tilespmem:s26], [sflag:$0x4], $0x80, s25, s24, $0xb8;
	v63 =	vld [tilespmem:$0x0]  }
0x135: {  	_ =	swait.ge [sflag:s28], $0x4000  }
0x136: {  	[sflag:s28] =	ssyncset.done $0x0  }
0x137: {  	[sflag:s28] =	ssyncadd.s32 $0xFFFFC000  }
0x138: {  	[spmem:s1] =	stream.indirect.scatter.add.f32 [tilespmem:s30], [sflag:$0x3], $0x80, s29, s24, $0xb8;
	v63 =	vld [tilespmem:$0x0]  }
0x139: {  	_ =	swait.ge [sflag:s31], $0x4000  }
0x13a: {  	[sflag:s31] =	ssyncset.done $0x0  }
0x13b: {  	[sflag:s31] =	ssyncadd.s32 $0xFFFFC000  }
0x13c: {  	[spmem:s1] =	stream.indirect.scatter.add.f32 [tilespmem:s21], [sflag:$0x4], $0x80, s3, s24, $0xb8;
	v63 =	vld [tilespmem:$0x0]  }
0x13d: {  	_ =	swait.ge [sflag:s16], $0x4000  }
0x13e: {  	[sflag:s16] =	ssyncset.done $0x0  }
0x13f: {  	[sflag:s16] =	ssyncadd.s32 $0xFFFFC000  }
.Ltmp5:
0x140: {  	_ =	swait.ge [sflag:s0], $0x4000;
	(pc) =	sbr.rel @!p1 .LBB2_3-.Ltmp5, $4  }
0x141: {  	s10 =	sand.u32 $0x7C00, s19;
	[sflag:s0] =	ssyncset.done $0x0  }
0x142: {  	s18 =	sand.u32 $0x200, s19;
	s10 =	sadd.s32 s14, s10;
	[sflag:s0] =	ssyncadd.s32 $0xFFFFC000  }
0x143: {  	s10 =	sor.u32 s18, s10;
	_ =	swait.ge [sflag:s16], $0x4000  }
0x144: {  	s18 =	smov.u32 s9;
	s20 =	sshrl.u32 s10, $0x3;
	[sflag:s16] =	ssyncset.done $0x0  }
0x145: {  	s9 =	sadd.s32 s6, s20;
	[sflag:s16] =	ssyncadd.s32 $0xFFFFC000  }
0x146: {  	[tilespmem:s2], [sflag:$0x5] =	stream.linear.gather [hbm4b:s9+s2], $0x200, $0x38;
	v63 =	vld [tilespmem:$0x0]  }
0x147: {  	_ =	swait.ge [sflag:s22], $0x200  }
0x148: {  	[sflag:s22] =	ssyncset.done $0x0  }
0x149: {  	s20 =	sadd.s32 s7, s20;
	[sflag:s22] =	ssyncadd.s32 $0xFFFFFE00  }
0x14a: {  	[tilespmem:s23], [sflag:$0x5] =	stream.linear.gather [hbm4b:s20+s2], $0x200, $0x38;
	v63 =	vld [tilespmem:$0x0]  }
0x14b: {  	_ =	swait.ge [sflag:s22], $0x200  }
0x14c: {  	[sflag:s22] =	ssyncset.done $0x0  }
0x14d: {  	[sflag:s22] =	ssyncadd.s32 $0xFFFFFE00  }
0x14e: {  	[tilespmem:s21], [sflag:$0x1] =	stream.indirect.gather [hbm4b:s4+s24], $0x80, s2, s24, $0xb8;
	v63 =	vld [tilespmem:$0x0]  }
0x14f: {  	_ = 	snop  }
0x150: {  	[tilespmem:s26], [sflag:$0x2] =	stream.indirect.gather [hbm4b:s4+s24], $0x80, s24, s24, $0xb8;
	v63 =	vld [tilespmem:$0x0]  }
0x151: {  	_ =	swait.ge [sflag:s28], $0x4000  }
0x152: {  	[sflag:s28] =	ssyncset.done $0x0  }
0x153: {  	[sflag:s28] =	ssyncadd.s32 $0xFFFFC000  }
0x154: {  	[tilespmem:s30], [sflag:$0x1] =	stream.indirect.gather [hbm4b:s4+s24], $0x80, s8, s24, $0xb8;
	v63 =	vld [tilespmem:$0x0]  }
0x155: {  	_ = 	snop  }
0x156: {  	[spmem:s1] =	stream.indirect.scatter.add.f32 [tilespmem:s21], [sflag:$0x3], $0x80, s23, s24, $0xb8;
	v63 =	vld [tilespmem:$0x0]  }
0x157: {  	_ =	swait.ge [sflag:s31], $0x4000  }
0x158: {  	[sflag:s31] =	ssyncset.done $0x0  }
0x159: {  	[sflag:s31] =	ssyncadd.s32 $0xFFFFC000  }
0x15a: {  	_ =	swait.ge [sflag:s0], $0x4000  }
0x15b: {  	[sflag:s0] =	ssyncset.done $0x0  }
0x15c: {  	[sflag:s0] =	ssyncadd.s32 $0xFFFFC000  }
0x15d: {  	[tilespmem:s21], [sflag:$0x2] =	stream.indirect.gather [hbm4b:s4+s24], $0x80, s15, s24, $0xb8;
	v63 =	vld [tilespmem:$0x0]  }
0x15e: {  	_ = 	snop  }
0x15f: {  	[spmem:s1] =	stream.indirect.scatter.add.f32 [tilespmem:s26], [sflag:$0x4], $0x80, s25, s24, $0xb8;
	v63 =	vld [tilespmem:$0x0]  }
0x160: {  	_ =	swait.ge [sflag:s28], $0x4000  }
0x161: {  	[sflag:s28] =	ssyncset.done $0x0  }
0x162: {  	[sflag:s28] =	ssyncadd.s32 $0xFFFFC000  }
0x163: {  	[spmem:s1] =	stream.indirect.scatter.add.f32 [tilespmem:s30], [sflag:$0x3], $0x80, s29, s24, $0xb8;
	v63 =	vld [tilespmem:$0x0]  }
0x164: {  	_ =	swait.ge [sflag:s31], $0x4000  }
0x165: {  	[sflag:s31] =	ssyncset.done $0x0  }
0x166: {  	[sflag:s31] =	ssyncadd.s32 $0xFFFFC000  }
0x167: {  	[spmem:s1] =	stream.indirect.scatter.add.f32 [tilespmem:s21], [sflag:$0x4], $0x80, s3, s24, $0xb8;
	v63 =	vld [tilespmem:$0x0]  }
0x168: {  	_ =	swait.ge [sflag:s16], $0x4000  }
0x169: {  	[sflag:s16] =	ssyncset.done $0x0  }
0x16a: {  	[sflag:s16] =	ssyncadd.s32 $0xFFFFC000  }
0x16b: {  	_ =	swait.ge [sflag:s0], $0x4000  }
.Ltmp6:
0x16c: {  	[sflag:s0] =	ssyncset.done $0x0;
	(pc) =	sbr.rel .LBB2_8-.Ltmp6, $4  }
0x16d: {  	[sflag:s0] =	ssyncadd.s32 $0xFFFFC000  }
0x16e: {  	_ =	swait.ge [sflag:s16], $0x4000  }
0x16f: {  	[sflag:s16] =	ssyncset.done $0x0  }
0x170: {  	s10 =	smov.u32 s11;
	[sflag:s16] =	ssyncadd.s32 $0xFFFFC000  }
.LBB2_9:
0x171: {  	_ =	sfence.sel $0x180000  }
0x172: {  	[bflag:$0x0] =	sbarrier.arrive $0xFFFF  }
0x173: {  	_ =	strace $0x9000004D  }
0x174: {  	s0 =	stileid.u32;
	[bflag:$0x2] =	sbarrier.arrive $0xFFFF  }
0x175: {  	p0 =	sne.s32 s0, $0x0;
	s0 =	rddreg [dreg:$0x2]  }
0x176: {  	s0 =	sadd.s32 @!p0 $0x100000, s0  }
0x177: {  	[sflag:s0] =	ssyncadd.tile.s32 @!p0 $0x1;
	_ =	shalt  }
.Lfunc_end2:
_tile_overlayer_lowered:
.L_overlay_start_2:
0x178: {  	(tag) =	ssettag $0x2  }
0x179: {  	s0 =	rddreg [dreg:$0x0];
	s2 =	stileid.u32  }
0x17a: {  	s1 =	rddreg [dreg:$0x1];
	p0 =	sne.s32 s2, $0x0  }
0x17b: {  	s3 =	rddreg [dreg:$0x2];
	[bflag:$0x3] =	sbarrier.arrive $0xFFFF;
	s2 =	simm.s32 @!p0 $0x1C05  }
0x17c: {  	[timem:s3], [sflag:s2] =	dma.local @!p0 [hbm:s0], s1  }
0x17d: {  	s0 =	simm.s32 @!p0 $0x5  }
0x17e: {  	_ =	swait.ge @!p0 [sflag:s0], s1  }
0x17f: {  	s1 =	ssub.s32 @!p0 $0x0, s1;
	[sflag:s0] =	ssyncset.done @!p0 $0x0  }
0x180: {  	[sflag:s0] =	ssyncadd.s32 @!p0 s1  }
0x181: {  	[bflag:$0x3] =	sbarrier.arrive $0xFFFF  }
0x182: {  	_ =	shalt  }

// kernel: kernel.6.cloned.1.call-start
scs
__scs_entry_jumppad:
0x0: {  	(pc) =	sbr.rel $0x88, $3  }
0x1: {  	(tag) =	ssettag $0x0;
	lr =	simm.s32 $0x1  }
0x2: {  	[smem:$0x3F91] =	sst lr;
	_ =	strace $0xD0000000  }
0x3: {  	_ = 	snop  }
0x4: {  	_ = 	snop  }
0x5: {  	_ = 	snop  }
0x6: {  	_ = 	snop  }
0x7: {  	_ = 	snop  }
__scs_overlays_trampoline_lowered:
0x8: {  	[smem:$0x3FA0] =	sst s0  }
0x9: {  	[smem:$0x3FA1] =	sst s1  }
0xa: {  	[smem:$0x3FA2] =	sst s2  }
0xb: {  	[smem:$0x3FA3] =	sst s3  }
0xc: {  	[smem:$0x3FA4] =	sst s4  }
0xd: {  	[smem:$0x3FA5] =	sst s5  }
0xe: {  	[smem:$0x3FA6] =	sst s6  }
0xf: {  	[smem:$0x3FA7] =	sst s7  }
0x10: {  	[smem:$0x3FA8] =	sst s8  }
0x11: {  	[smem:$0x3FA9] =	sst s9;
	s0 =	simm.s32 @!p0 $0x0  }
0x12: {  	s1 =	sld [smem:$0x3F8F];
	s0 =	simm.s32 @p0 $0x1  }
0x13: {  	[smem:$0x3FAA] =	sst s0;
	s0 =	simm.s32 @!p1 $0x0  }
0x14: {  	s2 =	sld [smem:$0x3F8E];
	s0 =	simm.s32 @p1 $0x1  }
0x15: {  	[smem:$0x3FAB] =	sst s0;
	s0 =	simm.s32 @!p2 $0x0  }
0x16: {  	s3 =	sld [smem:$0x3FDB];
	s0 =	simm.s32 @p2 $0x1  }
0x17: {  	s4 =	simm.s32 $0x1BF5;
	[smem:$0x3FAD] =	sst s0  }
0x18: {  	s0 =	sld [smem:$0x3F90];
	_ =	swait.ge [sflag:s4], $0x0  }
0x19: {  	s7 =	sld [smem:$0x3F91]  }
0x1a: {  	s8 =	sadd.s32 $0xFFFFE003, lr  }
0x1b: {  	s9 =	sadd.s32 $0xFFFFFEF7, lr;
	s5 =	simm.s32 $0xFFFFFFFF;
	p2 =	slt.u32 s8, $0xFFFFF086  }
0x1c: {  	p1 =	slt.u32 s9, $0xF7A;
	s5 =	simm.s32 @!p2 $0x0  }
0x1d: {  	s5 =	simm.s32 @p1 $0x1;
	p0 =	seq.s32 s7, s2  }
0x1e: {  	s7 =	smul.u32 @!p0 $0xF7A, s2;
	p2 =	seq.s32 @!p0 s5, $0x0  }
0x1f: {  	s9 =	smul.u32 $0xF7A, s1;
	s8 =	simm.s32 @!p0 $0x1BF5;
	p2 =	por !p2, p0  }
0x20: {  	[sflag:s8] =	ssyncset.s32 @!p0 $0xFFFFF086;
	s6 =	sadd.s32 @!p0 s3, s7;
	s7 =	simm.s32 @!p0 $0x108  }
0x21: {  	s3 =	sadd.s32 s3, s9;
	s6 =	sadd.s32 @!p0 $0x88, s6;
	s7 =	simm.s32 @p2 $0x1082  }
0x22: {  	[simem:s7], [sflag:s8] =	dma.local @!p0 [hbm:s6], $0xF7A  }
0x23: {  	s9 =	sor.u32 $0xD0000000, s2;
	s6 =	simm.s32 $0x108;
	_ =	swait.ge @!p0 [sflag:s8], $0x0  }
0x24: {  	s3 =	sadd.s32 $0x88, s3;
	s6 =	simm.s32 @!p1 $0x1082;
	[sflag:s4] =	ssyncset.s32 $0xFFFFF086  }
0x25: {  	[simem:s6], [sflag:s4] =	dma.local [hbm:s3], $0xF7A  }
0x26: {  	[smem:$0x3F91] =	sst s1;
	(tag) =	ssettag s2;
	_ =	strace s9  }
0x27: {  	s1 =	sld [smem:$0x3FA1]  }
0x28: {  	s2 =	sld [smem:$0x3FA2]  }
0x29: {  	s4 =	sld [smem:$0x3FA4]  }
0x2a: {  	p0 =	seq.s32 s5, $0x0;
	s5 =	sld [smem:$0x3FA5]  }
0x2b: {  	s6 =	sld [smem:$0x3FA6]  }
0x2c: {  	s7 =	sld [smem:$0x3FA7]  }
0x2d: {  	s3 =	simm.s32 $0x108;
	s8 =	sld [smem:$0x3FA8]  }
0x2e: {  	s3 =	simm.s32 @!p0 $0x1082;
	s9 =	sld [smem:$0x3FA9]  }
0x2f: {  	lr =	sadd.s32 s0, s3;
	s0 =	sld [smem:$0x3FA0]  }
0x30: {  	s3 =	sld [smem:$0x3FA3]  }
0x31: {  	[smem:$0x3FAC] =	sst s10  }
0x32: {  	s10 =	sld [smem:$0x3FAA];
	_ =	sdelay $0x3  }
0x33: {  	p0 =	seq.s32 s10, $0x1;
	s10 =	sld [smem:$0x3FAC];
	_ =	sdelay $0x3  }
0x34: {  	[smem:$0x3FAC] =	sst s10  }
0x35: {  	s10 =	sld [smem:$0x3FAB];
	_ =	sdelay $0x3  }
0x36: {  	p1 =	seq.s32 s10, $0x1;
	s10 =	sld [smem:$0x3FAC];
	_ =	sdelay $0x3  }
0x37: {  	[smem:$0x3FAC] =	sst s10  }
0x38: {  	s10 =	sld [smem:$0x3FAD]  }
0x39: {  	_ = 	snop;
	(pc) =	sbr.ind lr, $3  }
0x3a: {  	_ = 	snop  }
0x3b: {  	_ = 	snop  }
0x3c: {  	p2 =	seq.s32 s10, $0x1;
	s10 =	sld [smem:$0x3FAC]  }
0x3d: {  	_ =	shalt  }
0x3e: {  	_ =	shalt  }
0x3f: {  	_ =	shalt  }
0x40: {  	_ =	shalt  }
0x41: {  	_ =	shalt  }
0x42: {  	_ =	shalt  }
0x43: {  	_ =	shalt  }
0x44: {  	_ =	shalt  }
0x45: {  	_ =	shalt  }
0x46: {  	_ =	shalt  }
0x47: {  	_ =	shalt  }
0x48: {  	_ =	shalt  }
0x49: {  	_ =	shalt  }
0x4a: {  	_ =	shalt  }
0x4b: {  	_ =	shalt  }
0x4c: {  	_ =	shalt  }
0x4d: {  	_ =	shalt  }
0x4e: {  	_ =	shalt  }
0x4f: {  	_ =	shalt  }
0x50: {  	_ =	shalt  }
0x51: {  	_ =	shalt  }
0x52: {  	_ =	shalt  }
0x53: {  	_ =	shalt  }
0x54: {  	_ =	shalt  }
0x55: {  	_ =	shalt  }
0x56: {  	_ =	shalt  }
0x57: {  	_ =	shalt  }
0x58: {  	_ =	shalt  }
0x59: {  	_ =	shalt  }
0x5a: {  	_ =	shalt  }
0x5b: {  	_ =	shalt  }
0x5c: {  	_ =	shalt  }
0x5d: {  	_ =	shalt  }
0x5e: {  	_ =	shalt  }
0x5f: {  	_ =	shalt  }
0x60: {  	_ =	shalt  }
0x61: {  	_ =	shalt  }
0x62: {  	_ =	shalt  }
0x63: {  	_ =	shalt  }
0x64: {  	_ =	shalt  }
0x65: {  	_ =	shalt  }
0x66: {  	_ =	shalt  }
0x67: {  	_ =	shalt  }
0x68: {  	_ =	shalt  }
0x69: {  	_ =	shalt  }
0x6a: {  	_ =	shalt  }
0x6b: {  	_ =	shalt  }
0x6c: {  	_ =	shalt  }
0x6d: {  	_ =	shalt  }
0x6e: {  	_ =	shalt  }
0x6f: {  	_ =	shalt  }
0x70: {  	_ =	shalt  }
0x71: {  	_ =	shalt  }
0x72: {  	_ =	shalt  }
0x73: {  	_ =	shalt  }
0x74: {  	_ =	shalt  }
0x75: {  	_ =	shalt  }
0x76: {  	_ =	shalt  }
0x77: {  	_ =	shalt  }
0x78: {  	_ =	shalt  }
0x79: {  	_ =	shalt  }
0x7a: {  	_ =	shalt  }
0x7b: {  	_ =	shalt  }
0x7c: {  	_ =	shalt  }
0x7d: {  	_ =	shalt  }
0x7e: {  	_ =	shalt  }
0x7f: {  	_ =	shalt  }
0x80: {  	_ =	shalt  }
0x81: {  	_ =	shalt  }
0x82: {  	_ =	shalt  }
0x83: {  	_ =	shalt  }
0x84: {  	_ =	shalt  }
0x85: {  	_ =	shalt  }
0x86: {  	_ =	shalt  }
0x87: {  	_ =	shalt  }
.Lfunc_end0:
.L_simem_size_0:
called_computation.1_lowered:
.L_overlay_start_0:
0x88: {  	s2 =	sld [smem:$0x3FD9]  }
0x89: {  	s3 =	sld [smem:$0x3FFE];
	_ =	sdelay $0x1  }
0x8a: {  	s1 =	srdreg.scid  }
0x8b: {  	s0 =	sand.u32 $0x1, s1  }
0x8c: {  	s17 =	sshll.u32 s0, $0xA;
	s2 =	sadd.s32 s3, s2  }
0x8d: {  	s2 =	sadd.s32 s2, s17  }
0x8e: {  	[smem:$0x3FB8] =	sst s2  }
0x8f: {  	_ = 	snop  }
0x90: {  	s2 =	sld [smem:$0x3FD0];
	(tm) =	ssettm $0x1  }
0x91: {  	s18 =	sld [smem:$0x3FFB];
	_ =	sdelay $0x3  }
0x92: {  	_ =	strace s18  }
0x93: {  	s3 =	sld [smem:$0x3FFC];
	_ =	sdelay $0x3  }
0x94: {  	_ =	strace s3  }
0x95: {  	s3 =	sld [smem:$0x3FFD];
	_ =	sdelay $0x3  }
0x96: {  	_ =	strace s3  }
0x97: {  	_ =	strace $0x8FFFFFFF  }
0x98: {  	s19 =	sld [smem:$0x3FDB];
	_ =	sdelay $0x1  }
0x99: {  	s4 =	simm.s32 $_scs_section_size  }
0x9a: {  	s5 =	simm.s32 $_size__tile_overlayer_lowered;
	s6 =	simm.s32 $_tile_overlayer_lowered  }
0x9b: {  	s22 =	simm.s32 $0x1BFF;
	s21 =	sshll.u32 s6, $0x1;
	s3 =	sadd.s32 s4, s19  }
0x9c: {  	s7 =	simm.s32 $0x0;
	s20 =	sshll.u32 s5, $0x1;
	s5 =	sadd.s32 s21, s3  }
0x9d: {  	[timem:s7], [sflag:s22] =	dma.local [hbm:s5], s20  }
0x9e: {  	_ =	swait.ge [sflag:s22], s20  }
0x9f: {  	s4 =	ssub.s32 $0x0, s20;
	[sflag:s22] =	ssyncset.done $0x0  }
0xa0: {  	[sflag:s22] =	ssyncadd.s32 s4;
	_ =	sdelay $0x1  }
0xa1: {  	s23 =	simm.s32 $0x1B8B  }
0xa2: {  	_ =	swait.ge [sflag:s23], $0x1  }
0xa3: {  	[sflag:s23] =	ssyncset.done $0x0  }
0xa4: {  	s25 =	simm.s32 $0x1B8E;
	s24 =	sld [smem:$0x3FFE];
	[sflag:s23] =	ssyncadd.s32 $0xFFFFFFFF  }
0xa5: {  	s26 =	simm.s32 $execute0_lowered;
	[smem:$0x3FD2] =	sst s25  }
0xa6: {  	s5 =	sshll.u32 s26, $0x1;
	_ =	strace $0x80000046;
	[dreg:$0x1] =	wrdreg $0xFFFFFFFF  }
0xa7: {  	s28 =	simm.s32 $_size_execute0_lowered;
	s3 =	sadd.s32 s3, s5;
	[dreg:$0x0] =	wrdreg $0x0  }
0xa8: {  	s5 =	sshll.u32 s28, $0x1;
	[dreg:$0x2] =	wrdreg s3  }
0xa9: {  	[dreg:$0x3] =	wrdreg s5  }
0xaa: {  	[dreg:$0x4] =	wrdreg $0xC0  }
0xab: {  	_ =	task [dreg:s7], $0x5FFFF  }
0xac: {  	[dreg:$0x1] =	wrdreg $0xFFFFFFFF  }
0xad: {  	[dreg:$0x0] =	wrdreg $0x60  }
0xae: {  	[dreg:$0x2] =	wrdreg s24  }
0xaf: {  	[dreg:$0x3] =	wrdreg s2  }
0xb0: {  	[dreg:$0x4] =	wrdreg $0x42000  }
0xb1: {  	[dreg:$0x5] =	wrdreg $0x9  }
0xb2: {  	_ =	task.clear_ibuf [dreg:s7], $0x6FFFF;
	_ =	strace $0x90000046  }
0xb3: {  	s29 =	simm.s32 $0x9;
	_ =	strace $0x80000048  }
0xb4: {  	_ =	swait.ge [sflag:s29], $0x1  }
0xb5: {  	[sflag:s29] =	ssyncadd.s32 $0xFFFFFFFF  }
0xb6: {  	_ =	strace $0x90000048  }
0xb7: {  	_ =	sfence  }
0xb8: {  	s30 =	sld [smem:$0x0];
	_ =	sdelay $0x2  }
0xb9: {  	s31 =	sshll.u32 s1, $0xD;
	s1 =	sshrl.u32 s1, $0x2  }
0xba: {  	s3 =	sand.u32 $0x4000, s31;
	s1 =	sadd.s32 s1, s30  }
0xbb: {  	s0 =	sor.u32 s3, s0;
	s1 =	sshll.u32 s1, $0x11  }
0xbc: {  	s0 =	sor.u32 s1, s0  }
0xbd: {  	s0 =	sadd.s32 $0x8F2B, s0  }
0xbe: {  	[sflag:s0] =	ssyncadd.remote.s32 $0x1  }
0xbf: {  	_ =	sfence.sel $0xFFFF  }
0xc0: {  	[dreg:$0x0] =	wrdreg $0xFFFFFFFF;
	(pc) =	sbr.abs _section_cstart, $3  }
0xc1: {  	[dreg:$0x1] =	wrdreg $0xFFFFFFFF  }
0xc2: {  	_ =	task.clear_ibuf [dreg:s7], $0x2FFFF;
	_ =	strace $0x9FFFFFFF  }
0xc3: {  	(tm) =	ssettm $0x7FFFFFFF  }
tec
execute0_lowered:
.L_overlay_start_1:
0x0: {  	(tag) =	ssettag $0x1  }
0x1: {  	s7 =	rddreg [dreg:$0x0]  }
0x2: {  	s1 =	rddreg [dreg:$0x1]  }
0x3: {  	s2 =	rddreg [dreg:$0x2]  }
0x4: {  	s0 =	rddreg [dreg:$0x3];
	s4 =	simm.s32 $0x0  }
0x5: {  	s5 =	srdreg.scid;
	s3 =	stileid.u32;
	s24 =	simm.s32 $0x1  }
0x6: {  	s25 =	simm.s32 $0x2;
	s26 =	simm.s32 $0x0;
	s8 =	smul.u32 $0x4F000, s3  }
0x7: {  	[smem:$0x7FF] =	sst s4;
	s11 =	sand.u32 $0x1, s5;
	s12 =	smul.u32 $0x13C00, s3  }
0x8: {  	s5 =	sadd.s32 $0xE800, s7;
	s6 =	sadd.s32 $0x22800, s7;
	s21 =	smul.u32 $0x5000, s3  }
0x9: {  	s17 =	sadd.s32 $0x23000, s7;
	s9 =	ssub.s32 $0x2, s11;
	s19 =	smul.u32 $0x13C000, s11  }
0xa: {  	_ =	strace $0x80000047;
	s14 =	smul.u32 $0x50000, s11;
	s30 =	sshrl.u32 s9, $0x1  }
0xb: {  	s31 =	sshrl.u32 s8, $0x2;
	s13 =	sadd.s32 $0x4000, s12;
	s15 =	sadd.s32 $0x8000, s12  }
0xc: {  	s16 =	sadd.s32 $0xC000, s12;
	s20 =	sadd.s32 $0x10000, s12;
	s18 =	ssub.s32 s9, s30  }
0xd: {  	s7 =	sadd.s32 s31, s2;
	s8 =	sadd.s32 s13, s2;
	s9 =	sadd.s32 s15, s2  }
0xe: {  	s10 =	sadd.s32 s16, s2;
	s12 =	sadd.s32 s12, s19;
	s13 =	sadd.s32 s19, s13  }
0xf: {  	s11 =	sadd.s32 s20, s2;
	s15 =	sadd.s32 s19, s15;
	s16 =	sadd.s32 s19, s16  }
0x10: {  	s19 =	sadd.s32 s19, s20;
	s20 =	simm.s32 $0x3;
	s22 =	sshrl.u32 s12, $0x3  }
0x11: {  	s23 =	sshrl.u32 s13, $0x3;
	s12 =	sadd.s32 s21, s14;
	s15 =	sshrl.u32 s15, $0x3  }
0x12: {  	s16 =	sshrl.u32 s16, $0x3;
	s19 =	sshrl.u32 s19, $0x3;
	s18 =	smax.u32 s18, $0x1  }
0x13: {  	s21 =	simm.s32 $0x80;
	s13 =	sadd.s32 s17, s22;
	s14 =	sadd.s32 s17, s23  }
0x14: {  	s15 =	sadd.s32 s17, s15;
	s16 =	sadd.s32 s17, s16;
	s17 =	sadd.s32 s17, s19  }
0x15: {  	s19 =	simm.s32 $0x200;
	s22 =	simm.s32 $0x100;
	s23 =	simm.s32 $0x180  }
.LBB2_1:
0x16: {  	[tilespmem:s19], [sflag:$0x3] =	stream.linear.gather [hbm4b:s1+s4], $0x4000, $0x38;
	[tilespmem:$0x17E00] =	vst v63  }
0x17: {  	_ =	swait.ge [sflag:s20], $0x4000  }
0x18: {  	[sflag:s20] =	ssyncset.done $0x0  }
0x19: {  	[sflag:s20] =	ssyncadd.s32 $0xFFFFC000  }
0x1a: {  	[spmem:s7] =	stream.linear.scatter [tilespmem:s19], [sflag:$0x3], $0x4000, $0x38;
	[tilespmem:$0x17E00] =	vst v63  }
0x1b: {  	_ =	swait.ge [sflag:s20], $0x4000  }
0x1c: {  	[sflag:s20] =	ssyncset.done $0x0  }
0x1d: {  	[sflag:s20] =	ssyncadd.s32 $0xFFFFC000  }
0x1e: {  	[spmem:s8] =	stream.linear.scatter [tilespmem:s19], [sflag:$0x3], $0x4000, $0x38;
	[tilespmem:$0x17E00] =	vst v63  }
0x1f: {  	_ =	swait.ge [sflag:s20], $0x4000  }
0x20: {  	[sflag:s20] =	ssyncset.done $0x0  }
0x21: {  	[sflag:s20] =	ssyncadd.s32 $0xFFFFC000  }
0x22: {  	[spmem:s9] =	stream.linear.scatter [tilespmem:s19], [sflag:$0x3], $0x4000, $0x38;
	[tilespmem:$0x17E00] =	vst v63  }
0x23: {  	_ =	swait.ge [sflag:s20], $0x4000  }
0x24: {  	[sflag:s20] =	ssyncset.done $0x0  }
0x25: {  	[sflag:s20] =	ssyncadd.s32 $0xFFFFC000  }
0x26: {  	[spmem:s10] =	stream.linear.scatter [tilespmem:s19], [sflag:$0x3], $0x4000, $0x38;
	[tilespmem:$0x17E00] =	vst v63  }
0x27: {  	_ =	swait.ge [sflag:s20], $0x4000  }
0x28: {  	[sflag:s20] =	ssyncset.done $0x0  }
0x29: {  	[sflag:s20] =	ssyncadd.s32 $0xFFFFC000  }
0x2a: {  	[spmem:s11] =	stream.linear.scatter [tilespmem:s19], [sflag:$0x3], $0x3C00, $0x38;
	[tilespmem:$0x17E00] =	vst v63  }
0x2b: {  	_ =	swait.ge [sflag:s20], $0x3C00  }
0x2c: {  	[sflag:s20] =	ssyncset.done $0x0  }
0x2d: {  	s28 =	sand.u32 $0x7C00, s4;
	[sflag:s20] =	ssyncadd.s32 $0xFFFFC400  }
0x2e: {  	[tilespmem:s19], [sflag:$0x3] =	stream.linear.gather [hbm4b:s6+s4], $0x4000, $0x38;
	[tilespmem:$0x17E00] =	vst v63  }
0x2f: {  	s29 =	sand.u32 $0x200, s4;
	s28 =	sadd.s32 s28, s12;
	_ =	swait.ge [sflag:s20], $0x4000  }
0x30: {  	s28 =	sor.u32 s29, s28;
	[sflag:s20] =	ssyncset.done $0x0  }
0x31: {  	s28 =	sshrl.u32 s28, $0x3;
	[sflag:s20] =	ssyncadd.s32 $0xFFFFC000  }
0x32: {  	s28 =	sadd.s32 s5, s28;
	[bflag:$0x0] =	sbarrier.arrive $0xFFFF  }
0x33: {  	[tilespmem:s4], [sflag:$0x3] =	stream.linear.gather [hbm4b:s28+s4], $0x200, $0x38;
	[tilespmem:$0x17E00] =	vst v63  }
0x34: {  	_ =	swait.ge [sflag:s20], $0x200  }
0x35: {  	[sflag:s20] =	ssyncset.done $0x0  }
0x36: {  	[sflag:s20] =	ssyncadd.s32 $0xFFFFFE00  }
0x37: {  	[spmem:s2] =	stream.indirect.scatter.add.f32 [tilespmem:s19], [sflag:$0x1], $0x80, s4, s21, $0xb8;
	[tilespmem:$0x17E00] =	vst v63  }
0x38: {  	_ = 	snop  }
0x39: {  	[spmem:s2] =	stream.indirect.scatter.add.f32 [tilespmem:s19], [sflag:$0x2], $0x80, s21, s21, $0xb8;
	[tilespmem:$0x17E00] =	vst v63  }
0x3a: {  	_ = 	snop  }
0x3b: {  	[spmem:s2] =	stream.indirect.scatter.add.f32 [tilespmem:s19], [sflag:$0x1], $0x80, s22, s21, $0xb8;
	[tilespmem:$0x17E00] =	vst v63  }
0x3c: {  	_ = 	snop  }
0x3d: {  	[spmem:s2] =	stream.indirect.scatter.add.f32 [tilespmem:s19], [sflag:$0x2], $0x80, s23, s21, $0xb8;
	[tilespmem:$0x17E00] =	vst v63  }
0x3e: {  	_ =	swait.ge [sflag:s24], $0x4000  }
0x3f: {  	[sflag:s24] =	ssyncset.done $0x0  }
0x40: {  	[sflag:s24] =	ssyncadd.s32 $0xFFFFC000  }
0x41: {  	_ =	swait.ge [sflag:s25], $0x4000  }
0x42: {  	[sflag:s25] =	ssyncset.done $0x0  }
0x43: {  	[sflag:s25] =	ssyncadd.s32 $0xFFFFC000  }
0x44: {  	s28 =	simm.s32 $0x200;
	_ =	swait.ge [sflag:s24], $0x4000  }
0x45: {  	s29 =	sand.u32 $0x7C00, s28;
	[sflag:s24] =	ssyncset.done $0x0  }
0x46: {  	s28 =	sand.u32 $0x200, s28;
	s29 =	sadd.s32 s29, s12;
	[sflag:s24] =	ssyncadd.s32 $0xFFFFC000  }
0x47: {  	s29 =	sor.u32 s28, s29;
	_ =	swait.ge [sflag:s25], $0x4000  }
0x48: {  	s28 =	simm.s32 $0x400;
	s29 =	sshrl.u32 s29, $0x3;
	[sflag:s25] =	ssyncset.done $0x0  }
.LBB2_2:
0x49: {  	s29 =	sadd.s32 s5, s29  }
0x4a: {  	[sflag:s25] =	ssyncadd.s32 $0xFFFFC000;
	s30 =	smov.u32 s28;
	s31 =	sadd.s32 $0x200, s28  }
0x4b: {  	[tilespmem:s4], [sflag:$0x3] =	stream.linear.gather [hbm4b:s29+s4], $0x200, $0x38;
	[tilespmem:$0x17E00] =	vst v63  }
0x4c: {  	p0 =	sne.s32 s28, $0x4E00;
	_ =	swait.ge [sflag:s20], $0x200  }
0x4d: {  	[sflag:s20] =	ssyncset.done $0x0  }
0x4e: {  	[sflag:s20] =	ssyncadd.s32 $0xFFFFFE00  }
0x4f: {  	[spmem:s2] =	stream.indirect.scatter.add.f32 [tilespmem:s19], [sflag:$0x1], $0x80, s4, s21, $0xb8;
	[tilespmem:$0x17E00] =	vst v63  }
0x50: {  	_ = 	snop  }
0x51: {  	[spmem:s2] =	stream.indirect.scatter.add.f32 [tilespmem:s19], [sflag:$0x2], $0x80, s21, s21, $0xb8;
	[tilespmem:$0x17E00] =	vst v63  }
0x52: {  	_ = 	snop  }
0x53: {  	[spmem:s2] =	stream.indirect.scatter.add.f32 [tilespmem:s19], [sflag:$0x1], $0x80, s22, s21, $0xb8;
	[tilespmem:$0x17E00] =	vst v63  }
0x54: {  	_ = 	snop  }
0x55: {  	[spmem:s2] =	stream.indirect.scatter.add.f32 [tilespmem:s19], [sflag:$0x2], $0x80, s23, s21, $0xb8;
	[tilespmem:$0x17E00] =	vst v63  }
0x56: {  	_ =	swait.ge [sflag:s24], $0x4000  }
0x57: {  	[sflag:s24] =	ssyncset.done $0x0  }
0x58: {  	[sflag:s24] =	ssyncadd.s32 $0xFFFFC000  }
0x59: {  	_ =	swait.ge [sflag:s25], $0x4000  }
0x5a: {  	[sflag:s25] =	ssyncset.done $0x0  }
0x5b: {  	[sflag:s25] =	ssyncadd.s32 $0xFFFFC000  }
.Ltmp0:
0x5c: {  	_ =	swait.ge [sflag:s24], $0x4000;
	(pc) =	sbr.rel @p0 .LBB2_2-.Ltmp0, $4  }
0x5d: {  	s28 =	sand.u32 $0x7C00, s30;
	[sflag:s24] =	ssyncset.done $0x0  }
0x5e: {  	s29 =	sand.u32 $0x200, s30;
	s28 =	sadd.s32 s28, s12;
	[sflag:s24] =	ssyncadd.s32 $0xFFFFC000  }
0x5f: {  	s28 =	sor.u32 s29, s28;
	_ =	swait.ge [sflag:s25], $0x4000  }
0x60: {  	s29 =	sshrl.u32 s28, $0x3;
	s28 =	smov.u32 s31;
	[sflag:s25] =	ssyncset.done $0x0  }
0x61: {  	s28 =	sadd.s32 s5, s29;
	[sflag:s25] =	ssyncadd.s32 $0xFFFFC000  }
0x62: {  	[tilespmem:s4], [sflag:$0x3] =	stream.linear.gather [hbm4b:s28+s4], $0x200, $0x38;
	[tilespmem:$0x17E00] =	vst v63  }
0x63: {  	_ =	swait.ge [sflag:s20], $0x200  }
0x64: {  	[sflag:s20] =	ssyncset.done $0x0  }
0x65: {  	[sflag:s20] =	ssyncadd.s32 $0xFFFFFE00  }
0x66: {  	[spmem:s2] =	stream.indirect.scatter.add.f32 [tilespmem:s19], [sflag:$0x1], $0x80, s4, s21, $0xb8;
	[tilespmem:$0x17E00] =	vst v63  }
0x67: {  	_ = 	snop  }
0x68: {  	[spmem:s2] =	stream.indirect.scatter.add.f32 [tilespmem:s19], [sflag:$0x2], $0x80, s21, s21, $0xb8;
	[tilespmem:$0x17E00] =	vst v63  }
0x69: {  	_ = 	snop  }
0x6a: {  	[spmem:s2] =	stream.indirect.scatter.add.f32 [tilespmem:s19], [sflag:$0x1], $0x80, s22, s21, $0xb8;
	[tilespmem:$0x17E00] =	vst v63  }
0x6b: {  	_ = 	snop  }
0x6c: {  	[spmem:s2] =	stream.indirect.scatter.add.f32 [tilespmem:s19], [sflag:$0x2], $0x80, s23, s21, $0xb8;
	[tilespmem:$0x17E00] =	vst v63  }
0x6d: {  	_ =	swait.ge [sflag:s24], $0x4000  }
0x6e: {  	[sflag:s24] =	ssyncset.done $0x0  }
0x6f: {  	[sflag:s24] =	ssyncadd.s32 $0xFFFFC000  }
0x70: {  	_ =	swait.ge [sflag:s25], $0x4000  }
0x71: {  	[sflag:s25] =	ssyncset.done $0x0  }
0x72: {  	[sflag:s25] =	ssyncadd.s32 $0xFFFFC000  }
0x73: {  	_ =	swait.ge [sflag:s24], $0x4000  }
0x74: {  	[sflag:s24] =	ssyncset.done $0x0  }
0x75: {  	[sflag:s24] =	ssyncadd.s32 $0xFFFFC000  }
0x76: {  	_ =	swait.ge [sflag:s25], $0x4000  }
0x77: {  	[sflag:s25] =	ssyncset.done $0x0  }
0x78: {  	[sflag:s25] =	ssyncadd.s32 $0xFFFFC000  }
0x79: {  	[bflag:$0x0] =	sbarrier.arrive $0xFFFF  }
0x7a: {  	[tilespmem:s19], [sflag:$0x3] =	stream.linear.gather [spmem:s7], $0x4000, $0x38;
	[tilespmem:$0x17E00] =	vst v63  }
0x7b: {  	_ =	swait.ge [sflag:s20], $0x4000  }
0x7c: {  	[sflag:s20] =	ssyncset.done $0x0  }
0x7d: {  	[sflag:s20] =	ssyncadd.s32 $0xFFFFC000  }
0x7e: {  	[hbm4b:s13+s4] =	stream.linear.scatter [tilespmem:s19], [sflag:$0x3], $0x4000, $0x38;
	[tilespmem:$0x17E00] =	vst v63  }
0x7f: {  	_ =	swait.ge [sflag:s20], $0x4000  }
0x80: {  	[sflag:s20] =	ssyncset.done $0x0  }
0x81: {  	[sflag:s20] =	ssyncadd.s32 $0xFFFFC000  }
0x82: {  	[tilespmem:s19], [sflag:$0x3] =	stream.linear.gather [spmem:s8], $0x4000, $0x38;
	[tilespmem:$0x17E00] =	vst v63  }
0x83: {  	_ =	swait.ge [sflag:s20], $0x4000  }
0x84: {  	[sflag:s20] =	ssyncset.done $0x0  }
0x85: {  	[sflag:s20] =	ssyncadd.s32 $0xFFFFC000  }
0x86: {  	[hbm4b:s14+s4] =	stream.linear.scatter [tilespmem:s19], [sflag:$0x3], $0x4000, $0x38;
	[tilespmem:$0x17E00] =	vst v63  }
0x87: {  	_ =	swait.ge [sflag:s20], $0x4000  }
0x88: {  	[sflag:s20] =	ssyncset.done $0x0  }
0x89: {  	[sflag:s20] =	ssyncadd.s32 $0xFFFFC000  }
0x8a: {  	[tilespmem:s19], [sflag:$0x3] =	stream.linear.gather [spmem:s9], $0x4000, $0x38;
	[tilespmem:$0x17E00] =	vst v63  }
0x8b: {  	_ =	swait.ge [sflag:s20], $0x4000  }
0x8c: {  	[sflag:s20] =	ssyncset.done $0x0  }
0x8d: {  	[sflag:s20] =	ssyncadd.s32 $0xFFFFC000  }
0x8e: {  	[hbm4b:s15+s4] =	stream.linear.scatter [tilespmem:s19], [sflag:$0x3], $0x4000, $0x38;
	[tilespmem:$0x17E00] =	vst v63  }
0x8f: {  	_ =	swait.ge [sflag:s20], $0x4000  }
0x90: {  	[sflag:s20] =	ssyncset.done $0x0  }
0x91: {  	[sflag:s20] =	ssyncadd.s32 $0xFFFFC000  }
0x92: {  	[tilespmem:s19], [sflag:$0x3] =	stream.linear.gather [spmem:s10], $0x4000, $0x38;
	[tilespmem:$0x17E00] =	vst v63  }
0x93: {  	_ =	swait.ge [sflag:s20], $0x4000  }
0x94: {  	[sflag:s20] =	ssyncset.done $0x0  }
0x95: {  	[sflag:s20] =	ssyncadd.s32 $0xFFFFC000  }
0x96: {  	[hbm4b:s16+s4] =	stream.linear.scatter [tilespmem:s19], [sflag:$0x3], $0x4000, $0x38;
	[tilespmem:$0x17E00] =	vst v63  }
0x97: {  	_ =	swait.ge [sflag:s20], $0x4000  }
0x98: {  	[sflag:s20] =	ssyncset.done $0x0  }
0x99: {  	[sflag:s20] =	ssyncadd.s32 $0xFFFFC000  }
0x9a: {  	[tilespmem:s19], [sflag:$0x3] =	stream.linear.gather [spmem:s11], $0x3C00, $0x38;
	[tilespmem:$0x17E00] =	vst v63  }
0x9b: {  	s26 =	sadd.s32 $0x1, s26;
	_ =	swait.ge [sflag:s20], $0x3C00  }
0x9c: {  	p0 =	sne.s32 s26, s18;
	[sflag:s20] =	ssyncset.done $0x0  }
.Ltmp1:
0x9d: {  	[sflag:s20] =	ssyncadd.s32 $0xFFFFC400;
	(pc) =	sbr.rel @p0 .LBB2_1-.Ltmp1, $4  }
0x9e: {  	[hbm4b:s17+s4] =	stream.linear.scatter [tilespmem:s19], [sflag:$0x3], $0x3C00, $0x38;
	[tilespmem:$0x17E00] =	vst v63  }
0x9f: {  	_ =	swait.ge [sflag:s20], $0x3C00  }
0xa0: {  	[sflag:s20] =	ssyncset.done $0x0  }
0xa1: {  	[sflag:s20] =	ssyncadd.s32 $0xFFFFC400  }
0xa2: {  	_ =	sfence.sel $0x180000  }
0xa3: {  	[bflag:$0x0] =	sbarrier.arrive $0xFFFF  }
0xa4: {  	p0 =	sne.s32 s3, $0x0;
	_ =	strace $0x90000047  }
0xa5: {  	s0 =	sadd.s32 @!p0 $0x100000, s0;
	[bflag:$0x2] =	sbarrier.arrive $0xFFFF  }
0xa6: {  	[sflag:s0] =	ssyncadd.tile.s32 @!p0 $0x1;
	_ =	shalt  }
.Lfunc_end2:
_tile_overlayer_lowered:
.L_overlay_start_2:
0xa7: {  	(tag) =	ssettag $0x2  }
0xa8: {  	s0 =	rddreg [dreg:$0x0];
	s2 =	stileid.u32  }
0xa9: {  	s1 =	rddreg [dreg:$0x1];
	p0 =	sne.s32 s2, $0x0  }
0xaa: {  	s3 =	rddreg [dreg:$0x2];
	[bflag:$0x3] =	sbarrier.arrive $0xFFFF;
	s2 =	simm.s32 @!p0 $0x1C03  }
0xab: {  	[timem:s3], [sflag:s2] =	dma.local @!p0 [hbm:s0], s1  }
0xac: {  	s0 =	simm.s32 @!p0 $0x3  }
0xad: {  	_ =	swait.ge @!p0 [sflag:s0], s1  }
0xae: {  	s1 =	ssub.s32 @!p0 $0x0, s1;
	[sflag:s0] =	ssyncset.done @!p0 $0x0  }
0xaf: {  	[sflag:s0] =	ssyncadd.s32 @!p0 s1  }
0xb0: {  	[bflag:$0x3] =	sbarrier.arrive $0xFFFF  }
0xb1: {  	_ =	shalt  }

// kernel: kernel.9.cloned.1.call-start
scs
__scs_entry_jumppad:
0x0: {  	(pc) =	sbr.rel $0x88, $3  }
0x1: {  	(tag) =	ssettag $0x0;
	lr =	simm.s32 $0x1  }
0x2: {  	[smem:$0x3F91] =	sst lr;
	_ =	strace $0xD0000000  }
0x3: {  	_ = 	snop  }
0x4: {  	_ = 	snop  }
0x5: {  	_ = 	snop  }
0x6: {  	_ = 	snop  }
0x7: {  	_ = 	snop  }
__scs_overlays_trampoline_lowered:
0x8: {  	[smem:$0x3FA0] =	sst s0  }
0x9: {  	[smem:$0x3FA1] =	sst s1  }
0xa: {  	[smem:$0x3FA2] =	sst s2  }
0xb: {  	[smem:$0x3FA3] =	sst s3  }
0xc: {  	[smem:$0x3FA4] =	sst s4  }
0xd: {  	[smem:$0x3FA5] =	sst s5  }
0xe: {  	[smem:$0x3FA6] =	sst s6  }
0xf: {  	[smem:$0x3FA7] =	sst s7  }
0x10: {  	[smem:$0x3FA8] =	sst s8  }
0x11: {  	[smem:$0x3FA9] =	sst s9;
	s0 =	simm.s32 @!p0 $0x0  }
0x12: {  	s1 =	sld [smem:$0x3F8F];
	s0 =	simm.s32 @p0 $0x1  }
0x13: {  	[smem:$0x3FAA] =	sst s0;
	s0 =	simm.s32 @!p1 $0x0  }
0x14: {  	s2 =	sld [smem:$0x3F8E];
	s0 =	simm.s32 @p1 $0x1  }
0x15: {  	[smem:$0x3FAB] =	sst s0;
	s0 =	simm.s32 @!p2 $0x0  }
0x16: {  	s3 =	sld [smem:$0x3FDB];
	s0 =	simm.s32 @p2 $0x1  }
0x17: {  	s4 =	simm.s32 $0x1BF5;
	[smem:$0x3FAD] =	sst s0  }
0x18: {  	s0 =	sld [smem:$0x3F90];
	_ =	swait.ge [sflag:s4], $0x0  }
0x19: {  	s7 =	sld [smem:$0x3F91]  }
0x1a: {  	s8 =	sadd.s32 $0xFFFFE003, lr  }
0x1b: {  	s9 =	sadd.s32 $0xFFFFFEF7, lr;
	s5 =	simm.s32 $0xFFFFFFFF;
	p2 =	slt.u32 s8, $0xFFFFF086  }
0x1c: {  	p1 =	slt.u32 s9, $0xF7A;
	s5 =	simm.s32 @!p2 $0x0  }
0x1d: {  	s5 =	simm.s32 @p1 $0x1;
	p0 =	seq.s32 s7, s2  }
0x1e: {  	s7 =	smul.u32 @!p0 $0xF7A, s2;
	p2 =	seq.s32 @!p0 s5, $0x0  }
0x1f: {  	s9 =	smul.u32 $0xF7A, s1;
	s8 =	simm.s32 @!p0 $0x1BF5;
	p2 =	por !p2, p0  }
0x20: {  	[sflag:s8] =	ssyncset.s32 @!p0 $0xFFFFF086;
	s6 =	sadd.s32 @!p0 s3, s7;
	s7 =	simm.s32 @!p0 $0x108  }
0x21: {  	s3 =	sadd.s32 s3, s9;
	s6 =	sadd.s32 @!p0 $0x88, s6;
	s7 =	simm.s32 @p2 $0x1082  }
0x22: {  	[simem:s7], [sflag:s8] =	dma.local @!p0 [hbm:s6], $0xF7A  }
0x23: {  	s9 =	sor.u32 $0xD0000000, s2;
	s6 =	simm.s32 $0x108;
	_ =	swait.ge @!p0 [sflag:s8], $0x0  }
0x24: {  	s3 =	sadd.s32 $0x88, s3;
	s6 =	simm.s32 @!p1 $0x1082;
	[sflag:s4] =	ssyncset.s32 $0xFFFFF086  }
0x25: {  	[simem:s6], [sflag:s4] =	dma.local [hbm:s3], $0xF7A  }
0x26: {  	[smem:$0x3F91] =	sst s1;
	(tag) =	ssettag s2;
	_ =	strace s9  }
0x27: {  	s1 =	sld [smem:$0x3FA1]  }
0x28: {  	s2 =	sld [smem:$0x3FA2]  }
0x29: {  	s4 =	sld [smem:$0x3FA4]  }
0x2a: {  	p0 =	seq.s32 s5, $0x0;
	s5 =	sld [smem:$0x3FA5]  }
0x2b: {  	s6 =	sld [smem:$0x3FA6]  }
0x2c: {  	s7 =	sld [smem:$0x3FA7]  }
0x2d: {  	s3 =	simm.s32 $0x108;
	s8 =	sld [smem:$0x3FA8]  }
0x2e: {  	s3 =	simm.s32 @!p0 $0x1082;
	s9 =	sld [smem:$0x3FA9]  }
0x2f: {  	lr =	sadd.s32 s0, s3;
	s0 =	sld [smem:$0x3FA0]  }
0x30: {  	s3 =	sld [smem:$0x3FA3]  }
0x31: {  	[smem:$0x3FAC] =	sst s10  }
0x32: {  	s10 =	sld [smem:$0x3FAA];
	_ =	sdelay $0x3  }
0x33: {  	p0 =	seq.s32 s10, $0x1;
	s10 =	sld [smem:$0x3FAC];
	_ =	sdelay $0x3  }
0x34: {  	[smem:$0x3FAC] =	sst s10  }
0x35: {  	s10 =	sld [smem:$0x3FAB];
	_ =	sdelay $0x3  }
0x36: {  	p1 =	seq.s32 s10, $0x1;
	s10 =	sld [smem:$0x3FAC];
	_ =	sdelay $0x3  }
0x37: {  	[smem:$0x3FAC] =	sst s10  }
0x38: {  	s10 =	sld [smem:$0x3FAD]  }
0x39: {  	_ = 	snop;
	(pc) =	sbr.ind lr, $3  }
0x3a: {  	_ = 	snop  }
0x3b: {  	_ = 	snop  }
0x3c: {  	p2 =	seq.s32 s10, $0x1;
	s10 =	sld [smem:$0x3FAC]  }
0x3d: {  	_ =	shalt  }
0x3e: {  	_ =	shalt  }
0x3f: {  	_ =	shalt  }
0x40: {  	_ =	shalt  }
0x41: {  	_ =	shalt  }
0x42: {  	_ =	shalt  }
0x43: {  	_ =	shalt  }
0x44: {  	_ =	shalt  }
0x45: {  	_ =	shalt  }
0x46: {  	_ =	shalt  }
0x47: {  	_ =	shalt  }
0x48: {  	_ =	shalt  }
0x49: {  	_ =	shalt  }
0x4a: {  	_ =	shalt  }
0x4b: {  	_ =	shalt  }
0x4c: {  	_ =	shalt  }
0x4d: {  	_ =	shalt  }
0x4e: {  	_ =	shalt  }
0x4f: {  	_ =	shalt  }
0x50: {  	_ =	shalt  }
0x51: {  	_ =	shalt  }
0x52: {  	_ =	shalt  }
0x53: {  	_ =	shalt  }
0x54: {  	_ =	shalt  }
0x55: {  	_ =	shalt  }
0x56: {  	_ =	shalt  }
0x57: {  	_ =	shalt  }
0x58: {  	_ =	shalt  }
0x59: {  	_ =	shalt  }
0x5a: {  	_ =	shalt  }
0x5b: {  	_ =	shalt  }
0x5c: {  	_ =	shalt  }
0x5d: {  	_ =	shalt  }
0x5e: {  	_ =	shalt  }
0x5f: {  	_ =	shalt  }
0x60: {  	_ =	shalt  }
0x61: {  	_ =	shalt  }
0x62: {  	_ =	shalt  }
0x63: {  	_ =	shalt  }
0x64: {  	_ =	shalt  }
0x65: {  	_ =	shalt  }
0x66: {  	_ =	shalt  }
0x67: {  	_ =	shalt  }
0x68: {  	_ =	shalt  }
0x69: {  	_ =	shalt  }
0x6a: {  	_ =	shalt  }
0x6b: {  	_ =	shalt  }
0x6c: {  	_ =	shalt  }
0x6d: {  	_ =	shalt  }
0x6e: {  	_ =	shalt  }
0x6f: {  	_ =	shalt  }
0x70: {  	_ =	shalt  }
0x71: {  	_ =	shalt  }
0x72: {  	_ =	shalt  }
0x73: {  	_ =	shalt  }
0x74: {  	_ =	shalt  }
0x75: {  	_ =	shalt  }
0x76: {  	_ =	shalt  }
0x77: {  	_ =	shalt  }
0x78: {  	_ =	shalt  }
0x79: {  	_ =	shalt  }
0x7a: {  	_ =	shalt  }
0x7b: {  	_ =	shalt  }
0x7c: {  	_ =	shalt  }
0x7d: {  	_ =	shalt  }
0x7e: {  	_ =	shalt  }
0x7f: {  	_ =	shalt  }
0x80: {  	_ =	shalt  }
0x81: {  	_ =	shalt  }
0x82: {  	_ =	shalt  }
0x83: {  	_ =	shalt  }
0x84: {  	_ =	shalt  }
0x85: {  	_ =	shalt  }
0x86: {  	_ =	shalt  }
0x87: {  	_ =	shalt  }
.Lfunc_end0:
.L_simem_size_0:
called_computation.2_lowered:
.L_overlay_start_0:
0x88: {  	s2 =	sld [smem:$0x3FD9]  }
0x89: {  	s3 =	sld [smem:$0x3FFE];
	_ =	sdelay $0x1  }
0x8a: {  	s1 =	srdreg.scid  }
0x8b: {  	s0 =	sand.u32 $0x1, s1  }
0x8c: {  	s17 =	sshll.u32 s0, $0xA;
	s2 =	sadd.s32 s3, s2  }
0x8d: {  	s2 =	sadd.s32 s2, s17  }
0x8e: {  	[smem:$0x3FB8] =	sst s2  }
0x8f: {  	_ = 	snop  }
0x90: {  	s2 =	sld [smem:$0x3FD0];
	(tm) =	ssettm $0x1  }
0x91: {  	s18 =	sld [smem:$0x3FFB];
	_ =	sdelay $0x3  }
0x92: {  	_ =	strace s18  }
0x93: {  	s3 =	sld [smem:$0x3FFC];
	_ =	sdelay $0x3  }
0x94: {  	_ =	strace s3  }
0x95: {  	s3 =	sld [smem:$0x3FFD];
	_ =	sdelay $0x3  }
0x96: {  	_ =	strace s3  }
0x97: {  	_ =	strace $0x8FFFFFFF  }
0x98: {  	s19 =	sld [smem:$0x3FDB];
	_ =	sdelay $0x1  }
0x99: {  	s4 =	simm.s32 $_scs_section_size  }
0x9a: {  	s5 =	simm.s32 $_size__tile_overlayer_lowered;
	s6 =	simm.s32 $_tile_overlayer_lowered  }
0x9b: {  	s22 =	simm.s32 $0x1BFF;
	s21 =	sshll.u32 s6, $0x1;
	s3 =	sadd.s32 s4, s19  }
0x9c: {  	s7 =	simm.s32 $0x0;
	s20 =	sshll.u32 s5, $0x1;
	s5 =	sadd.s32 s21, s3  }
0x9d: {  	[timem:s7], [sflag:s22] =	dma.local [hbm:s5], s20  }
0x9e: {  	_ =	swait.ge [sflag:s22], s20  }
0x9f: {  	s4 =	ssub.s32 $0x0, s20;
	[sflag:s22] =	ssyncset.done $0x0  }
0xa0: {  	[sflag:s22] =	ssyncadd.s32 s4;
	_ =	sdelay $0x1  }
0xa1: {  	s23 =	simm.s32 $0x1B8B  }
0xa2: {  	_ =	swait.ge [sflag:s23], $0x1  }
0xa3: {  	[sflag:s23] =	ssyncset.done $0x0  }
0xa4: {  	s25 =	simm.s32 $0x1B8E;
	s24 =	sld [smem:$0x3FFE];
	[sflag:s23] =	ssyncadd.s32 $0xFFFFFFFF  }
0xa5: {  	s26 =	simm.s32 $execute0_lowered;
	[smem:$0x3FD2] =	sst s25  }
0xa6: {  	s5 =	sshll.u32 s26, $0x1;
	_ =	strace $0x80000049;
	[dreg:$0x1] =	wrdreg $0xFFFFFFFF  }
0xa7: {  	s28 =	simm.s32 $_size_execute0_lowered;
	s3 =	sadd.s32 s3, s5;
	[dreg:$0x0] =	wrdreg $0x0  }
0xa8: {  	s5 =	sshll.u32 s28, $0x1;
	[dreg:$0x2] =	wrdreg s3  }
0xa9: {  	[dreg:$0x3] =	wrdreg s5  }
0xaa: {  	[dreg:$0x4] =	wrdreg $0xC0  }
0xab: {  	_ =	task [dreg:s7], $0x5FFFF  }
0xac: {  	[dreg:$0x1] =	wrdreg $0xFFFFFFFF  }
0xad: {  	[dreg:$0x0] =	wrdreg $0x60  }
0xae: {  	[dreg:$0x2] =	wrdreg s24  }
0xaf: {  	[dreg:$0x3] =	wrdreg s2  }
0xb0: {  	[dreg:$0x4] =	wrdreg $0x9  }
0xb1: {  	_ =	task.clear_ibuf [dreg:s7], $0x5FFFF;
	_ =	strace $0x90000049  }
0xb2: {  	s29 =	simm.s32 $0x9;
	_ =	strace $0x8000004B  }
0xb3: {  	_ =	swait.ge [sflag:s29], $0x1  }
0xb4: {  	[sflag:s29] =	ssyncadd.s32 $0xFFFFFFFF  }
0xb5: {  	_ =	strace $0x9000004B  }
0xb6: {  	_ =	sfence  }
0xb7: {  	s30 =	sld [smem:$0x0];
	_ =	sdelay $0x2  }
0xb8: {  	s31 =	sshll.u32 s1, $0xD;
	s1 =	sshrl.u32 s1, $0x2  }
0xb9: {  	s3 =	sand.u32 $0x4000, s31;
	s1 =	sadd.s32 s1, s30  }
0xba: {  	s0 =	sor.u32 s3, s0;
	s1 =	sshll.u32 s1, $0x11  }
0xbb: {  	s0 =	sor.u32 s1, s0  }
0xbc: {  	s0 =	sadd.s32 $0x8F2B, s0  }
0xbd: {  	[sflag:s0] =	ssyncadd.remote.s32 $0x1  }
0xbe: {  	_ =	sfence.sel $0xFFFF  }
0xbf: {  	[dreg:$0x0] =	wrdreg $0xFFFFFFFF;
	(pc) =	sbr.abs _section_cstart, $3  }
0xc0: {  	[dreg:$0x1] =	wrdreg $0xFFFFFFFF  }
0xc1: {  	_ =	task.clear_ibuf [dreg:s7], $0x2FFFF;
	_ =	strace $0x9FFFFFFF  }
0xc2: {  	(tm) =	ssettm $0x7FFFFFFF  }
0xc3: {  	_ =	shalt  }
tec
execute0_lowered:
.L_overlay_start_1:
0x0: {  	(tag) =	ssettag $0x1  }
0x1: {  	s7 =	rddreg [dreg:$0x0]  }
0x2: {  	s2 =	rddreg [dreg:$0x1]  }
0x3: {  	s0 =	rddreg [dreg:$0x2];
	s4 =	srdreg.scid  }
0x4: {  	s3 =	simm.s32 $0x0;
	s1 =	stileid.u32;
	s11 =	simm.s32 $0x2  }
0x5: {  	s12 =	simm.s32 $0x200;
	s13 =	simm.s32 $0x8400;
	s14 =	simm.s32 $0x80  }
0x6: {  	s15 =	simm.s32 $0x400;
	s16 =	simm.s32 $0x1;
	s17 =	simm.s32 $0x4400  }
0x7: {  	s18 =	simm.s32 $0x0;
	s8 =	sand.u32 $0x1, s4;
	[smem:$0x7FF] =	sst s3  }
0x8: {  	s6 =	sshll.u32 s1, $0x9;
	s4 =	sadd.s32 $0x4800, s7;
	s5 =	sshll.u32 s8, $0xD  }
0x9: {  	_ =	strace $0x8000004A;
	s8 =	ssub.s32 $0x2, s8;
	s5 =	sor.u32 s6, s5  }
0xa: {  	s6 =	sadd.s32 $0x2C000, s7;
	s10 =	sshrl.u32 s8, $0x1;
	s9 =	sshrl.u32 s5, $0x3  }
0xb: {  	s10 =	ssub.s32 s8, s10;
	s9 =	sadd.s32 s9, s7;
	s7 =	sadd.s32 $0x53800, s7  }
0xc: {  	s10 =	smax.u32 s10, $0x1;
	s8 =	sadd.s32 $0xC1A00, s9;
	s9 =	sadd.s32 $0xC1200, s9  }
.LBB2_1:
0xd: {  	[tilespmem:s3], [sflag:$0x2] =	stream.linear.gather [hbm4b:s8+s3], $0x200, $0x38;
	[tilespmem:$0xC400] =	vst v63  }
0xe: {  	_ =	swait.ge [sflag:s11], $0x200  }
0xf: {  	[sflag:s11] =	ssyncset.done $0x0  }
0x10: {  	[sflag:s11] =	ssyncadd.s32 $0xFFFFFE00  }
0x11: {  	[tilespmem:s12], [sflag:$0x2] =	stream.linear.gather [hbm4b:s9+s3], $0x200, $0x38;
	[tilespmem:$0xC400] =	vst v63  }
0x12: {  	_ =	swait.ge [sflag:s11], $0x200  }
0x13: {  	[sflag:s11] =	ssyncset.done $0x0  }
0x14: {  	[sflag:s11] =	ssyncadd.s32 $0xFFFFFE00  }
0x15: {  	[tilespmem:s13], [sflag:$0x2] =	stream.linear.gather [hbm4b:s2+s3], $0x4000, $0x38;
	[tilespmem:$0xC400] =	vst v63  }
0x16: {  	_ =	swait.ge [sflag:s11], $0x4000  }
0x17: {  	[sflag:s11] =	ssyncset.done $0x0  }
0x18: {  	s19 =	simm.s32 $0x0;
	[sflag:s11] =	ssyncadd.s32 $0xFFFFC000  }
.LBB2_2:
0x19: {  	s20 =	sshll.u32 s19, $0x7  }
0x1a: {  	[tilespmem:s15], [sflag:$0x1] =	stream.indirect.gather [hbm4b:s4+s14], $0x80, s20, s14, $0xb8;
	[tilespmem:$0xC400] =	vst v63  }
0x1b: {  	_ =	swait.ge [sflag:s16], $0x4000  }
0x1c: {  	[sflag:s16] =	ssyncset.done $0x0  }
0x1d: {  	s21 =	sadd.s32 $0x200, s20;
	[sflag:s16] =	ssyncadd.s32 $0xFFFFC000  }
0x1e: {  	[tilespmem:s17], [sflag:$0x1] =	stream.indirect.gather [hbm4b:s6+s14], $0x80, s21, s14, $0xb8;
	[tilespmem:$0xC400] =	vst v63  }
0x1f: {  	_ =	swait.ge [sflag:s16], $0x4000  }
0x20: {  	[sflag:s16] =	ssyncset.done $0x0  }
0x21: {  	s21 =	simm.s32 $0x0;
	[sflag:s16] =	ssyncadd.s32 $0xFFFFC000  }
0x22: {  	v0 =	vld [tilespmem:s21+$0x400]  }
0x23: {  	v1 =	vld [tilespmem:s21+$0x4400]  }
0x24: {  	v2 =	vld [tilespmem:s21+$0x410]  }
0x25: {  	v3 =	vld [tilespmem:s21+$0x4410]  }
0x26: {  	v4 =	vld [tilespmem:s21+$0x420]  }
0x27: {  	v5 =	vld [tilespmem:s21+$0x4420]  }
0x28: {  	v6 =	vld [tilespmem:s21+$0x4430];
	v0 =	vmul.f32 v1, v0  }
0x29: {  	v1 =	vld [tilespmem:s21+$0x430]  }
0x2a: {  	v7 =	vld [tilespmem:s21+$0x440];
	v2 =	vmul.f32 v3, v2;
	v0 =	vadd.f32 $0.0e+00, v0  }
0x2b: {  	v8 =	vld [tilespmem:s21+$0x4440]  }
0x2c: {  	v9 =	vld [tilespmem:s21+$0x450];
	v0 =	vadd.f32 v2, v0;
	v2 =	vmul.f32 v5, v4  }
0x2d: {  	v10 =	vld [tilespmem:s21+$0x4450]  }
0x2e: {  	v3 =	vld [tilespmem:s21+$0x4460];
	v1 =	vmul.f32 v6, v1;
	v2 =	vadd.f32 v2, v0  }
0x2f: {  	v0 =	vld [tilespmem:s21+$0x460]  }
0x30: {  	v4 =	vld [tilespmem:s21+$0x4470];
	v6 =	vmul.f32 v8, v7;
	v5 =	vadd.f32 v1, v2  }
0x31: {  	s22 =	simm.s32 $0x80;
	v1 =	vld [tilespmem:s21+$0x470]  }
0x32: {  	s23 =	simm.s32 $0x400;
	v2 =	vld [tilespmem:s22+$0x400];
	v5 =	vadd.f32 v6, v5;
	v6 =	vmul.f32 v10, v9  }
.LBB2_3:
0x33: {  	p0 =	sne.s32 s23, $0xFE00;
	v7 =	vld [tilespmem:s22+$0x4400]  }
0x34: {  	v8 =	vld [tilespmem:s22+$0x410];
	v5 =	vadd.f32 v6, v5;
	v0 =	vmul.f32 v3, v0  }
0x35: {  	v3 =	vld [tilespmem:s22+$0x4410]  }
0x36: {  	v6 =	vld [tilespmem:s22+$0x420];
	v0 =	vadd.f32 v0, v5;
	v1 =	vmul.f32 v4, v1  }
0x37: {  	v4 =	vld [tilespmem:s22+$0x4420]  }
0x38: {  	v2 =	vmul.f32 v7, v2;
	v5 =	vld [tilespmem:s22+$0x430];
	v0 =	vadd.f32 v1, v0  }
0x39: {  	v1 =	vld [tilespmem:s22+$0x4430]  }
0x3a: {  	v2 =	vadd.f32 $0.0e+00, v2;
	v3 =	vmul.f32 v3, v8;
	v7 =	vld [tilespmem:s22+$0x440];
	[tilespmem:s21+$0x8400] =	vst v0;
	s21 =	smov.u32 s22  }
0x3b: {  	v8 =	vld [tilespmem:s21+$0x4440]  }
0x3c: {  	v0 =	vadd.f32 v3, v2;
	v2 =	vmul.f32 v4, v6;
	v6 =	vld [tilespmem:s21+$0x450]  }
0x3d: {  	v9 =	vld [tilespmem:s21+$0x4450]  }
.Ltmp0:
0x3e: {  	v2 =	vadd.f32 v2, v0;
	v1 =	vmul.f32 v1, v5;
	v0 =	vld [tilespmem:s21+$0x460];
	(pc) =	sbr.rel @p0 .LBB2_3-.Ltmp0, $4  }
0x3f: {  	v3 =	vld [tilespmem:s21+$0x4460]  }
0x40: {  	v5 =	vadd.f32 v1, v2;
	v7 =	vmul.f32 v8, v7;
	v1 =	vld [tilespmem:s21+$0x470]  }
0x41: {  	s22 =	sshra.s32 s23, $0x2;
	v4 =	vld [tilespmem:s21+$0x4470]  }
0x42: {  	s23 =	sadd.s32 $0x200, s23;
	v2 =	vld [tilespmem:s22+$0x400];
	v5 =	vadd.f32 v7, v5;
	v6 =	vmul.f32 v9, v6  }
0x43: {  	v7 =	vld [tilespmem:s22+$0x4400]  }
0x44: {  	v8 =	vld [tilespmem:s22+$0x410];
	v5 =	vadd.f32 v6, v5;
	v0 =	vmul.f32 v3, v0  }
0x45: {  	v48 =	vld [tilespmem:s22+$0x4410]  }
0x46: {  	v49 =	vld [tilespmem:s22+$0x420];
	v0 =	vadd.f32 v0, v5;
	v1 =	vmul.f32 v4, v1  }
0x47: {  	v50 =	vld [tilespmem:s22+$0x4420]  }
0x48: {  	v51 =	vld [tilespmem:s22+$0x430];
	v2 =	vmul.f32 v7, v2;
	v0 =	vadd.f32 v1, v0  }
0x49: {  	v52 =	vld [tilespmem:s22+$0x4430]  }
0x4a: {  	v53 =	vld [tilespmem:s22+$0x440];
	v3 =	vmul.f32 v48, v8;
	v2 =	vadd.f32 $0.0e+00, v2;
	[tilespmem:s21+$0x8400] =	vst v0  }
0x4b: {  	v0 =	vld [tilespmem:s22+$0x4440]  }
0x4c: {  	v54 =	vmul.f32 v50, v49;
	v55 =	vld [tilespmem:s22+$0x450];
	v2 =	vadd.f32 v3, v2  }
0x4d: {  	v56 =	vld [tilespmem:s22+$0x4450]  }
0x4e: {  	v1 =	vmul.f32 v52, v51;
	v57 =	vld [tilespmem:s22+$0x460];
	v2 =	vadd.f32 v54, v2  }
0x4f: {  	v58 =	vld [tilespmem:s22+$0x4460]  }
0x50: {  	v59 =	vld [tilespmem:s22+$0x470];
	v1 =	vadd.f32 v1, v2;
	v0 =	vmul.f32 v0, v53  }
0x51: {  	v60 =	vld [tilespmem:s22+$0x4470]  }
0x52: {  	v61 =	vmul.f32 v56, v55;
	v0 =	vadd.f32 v0, v1;
	_ =	sdelay $0x1  }
0x53: {  	v62 =	vmul.f32 v58, v57;
	v0 =	vadd.f32 v61, v0;
	_ =	sdelay $0x1  }
0x54: {  	v63 =	vmul.f32 v60, v59;
	v0 =	vadd.f32 v62, v0;
	_ =	sdelay $0x1  }
0x55: {  	s20 =	sadd.s32 s5, s20;
	s19 =	sadd.s32 $0x1, s19;
	v0 =	vadd.f32 v63, v0  }
0x56: {  	s20 =	sshll.u32 s20, $0x4;
	p0 =	sne.s32 s19, $0x4  }
.Ltmp1:
0x57: {  	s20 =	sadd.s32 s7, s20;
	[tilespmem:s22+$0x8400] =	vst v0;
	(pc) =	sbr.rel @p0 .LBB2_2-.Ltmp1, $4  }
0x58: {  	[hbm4b:s20+s3] =	stream.linear.scatter [tilespmem:s13], [sflag:$0x2], $0x4000, $0x38;
	[tilespmem:$0xC400] =	vst v63  }
0x59: {  	_ =	swait.ge [sflag:s11], $0x4000  }
0x5a: {  	[sflag:s11] =	ssyncset.done $0x0  }
0x5b: {  	[sflag:s11] =	ssyncadd.s32 $0xFFFFC000  }
0x5c: {  	s18 =	sadd.s32 $0x1, s18  }
0x5d: {  	p0 =	sne.s32 s18, s10  }
.Ltmp2:
0x5e: {  	_ = 	snop;
	(pc) =	sbr.rel @p0 .LBB2_1-.Ltmp2, $1  }
0x5f: {  	_ =	sdelay $0x3  }
0x60: {  	_ =	sfence.sel $0x180000  }
0x61: {  	[bflag:$0x0] =	sbarrier.arrive $0xFFFF  }
0x62: {  	p0 =	sne.s32 s1, $0x0;
	_ =	strace $0x9000004A  }
0x63: {  	s0 =	sadd.s32 @!p0 $0x100000, s0;
	[bflag:$0x2] =	sbarrier.arrive $0xFFFF  }
0x64: {  	[sflag:s0] =	ssyncadd.tile.s32 @!p0 $0x1;
	_ =	shalt  }
.Lfunc_end2:
_tile_overlayer_lowered:
.L_overlay_start_2:
0x65: {  	(tag) =	ssettag $0x2  }
0x66: {  	s0 =	rddreg [dreg:$0x0];
	s2 =	stileid.u32  }
0x67: {  	s1 =	rddreg [dreg:$0x1];
	p0 =	sne.s32 s2, $0x0  }
0x68: {  	s3 =	rddreg [dreg:$0x2];
	[bflag:$0x3] =	sbarrier.arrive $0xFFFF;
	s2 =	simm.s32 @!p0 $0x1C02  }
0x69: {  	[timem:s3], [sflag:s2] =	dma.local @!p0 [hbm:s0], s1  }
0x6a: {  	s0 =	simm.s32 @!p0 $0x2  }
0x6b: {  	_ =	swait.ge @!p0 [sflag:s0], s1  }
0x6c: {  	s1 =	ssub.s32 @!p0 $0x0, s1;
	[sflag:s0] =	ssyncset.done @!p0 $0x0  }
0x6d: {  	[sflag:s0] =	ssyncadd.s32 @!p0 s1  }
0x6e: {  	[bflag:$0x3] =	sbarrier.arrive $0xFFFF  }
0x6f: {  	_ =	shalt  }

</sc_bundles>
